<compile_context>
chip_gen: v7x
topology: tpu7x:2x2x1
jax: 0.10.2.dev20260603
libtpu: 0.0.44.dev20260713+nightly
codegen_flags: <defaults>
</compile_context>

<pallas_src>
import jax
import jax.numpy as jnp
from jax import lax
from jax.experimental import pallas as pl
from jax.experimental.pallas import tpu as pltpu
from jax.experimental.pallas import tpu_sc as plsc

N = 10000
E = 320000
D = 128
H = 32
G = 64

NC = 2
NS = 16
NW = NC * NS

EG = 400
NGROUPS = E // EG
GPW = NGROUPS // NW

Q = E // 4
EC = 3200
NCHUNK = Q // EC


def _mesh():
    return plsc.VectorSubcoreMesh(
        core_axis_name="c", subcore_axis_name="s",
        num_cores=NC, num_subcores=NS)


_SC_PARAMS = pltpu.CompilerParams(
    needs_layout_passes=False, use_tc_tiling_on_sc=False)


def _prep_body(x_ref, w1_ref, b1_ref, pc_ref, pb_ref):
    xv = x_ref[...]
    wa = w1_ref[0:D, :]
    wb = w1_ref[D:2 * D, :]
    pc_ref[...] = (
        jnp.dot(xv, wa - wb, preferred_element_type=jnp.float32) + b1_ref[...]
    )
    pb_ref[...] = jnp.dot(xv, wb, preferred_element_type=jnp.float32)


def _prep(x, W1, b1):
    return pl.pallas_call(
        _prep_body,
        out_shape=(
            jax.ShapeDtypeStruct((N, H), jnp.float32),
            jax.ShapeDtypeStruct((N, H), jnp.float32),
        ),
    )(x, W1, b1)


_SUBG = (128, 128, 128, 16)


def _edge_gather_body(pc_hbm, pb_hbm, dst_hbm, src_hbm, u4_hbm,
                      pcs, pbs, dv0, sv0, ra0, rb0, uv0,
                      dv1, sv1, ra1, rb1, uv1,
                      sem_i, sem_a, sem_b, sem_u):
    cid = lax.axis_index("c")
    sid = lax.axis_index("s")
    wid = cid * NS + sid

    @pl.when(sid == 0)
    def _stage():
        pltpu.sync_copy(pc_hbm, pcs)
        pltpu.sync_copy(pb_hbm, pbs)

    plsc.subcore_barrier()

    start = wid * GPW
    bufs = ((dv0, sv0, ra0, rb0, uv0), (dv1, sv1, ra1, rb1, uv1))

    def issue(g, b):
        dv, sv, ra, rb, _ = bufs[b]
        base = g * EG
        pltpu.async_copy(dst_hbm.at[pl.ds(base, EG)], dv, sem_i)
        pltpu.async_copy(src_hbm.at[pl.ds(base, EG)], sv, sem_i)
        pltpu.make_async_copy(dst_hbm.at[pl.ds(base, EG)], dv, sem_i).wait()
        pltpu.make_async_copy(src_hbm.at[pl.ds(base, EG)], sv, sem_i).wait()
        off = 0
        for sz in _SUBG:
            pltpu.async_copy(
                pcs.at[dv.at[pl.ds(off, sz)]], ra.at[pl.ds(off, sz)], sem_a)
            pltpu.async_copy(
                pbs.at[sv.at[pl.ds(off, sz)]], rb.at[pl.ds(off, sz)], sem_b)
            off += sz

    def finish(g, b):
        dv, sv, ra, rb, uv = bufs[b]
        base = g * EG
        off = 0
        for sz in _SUBG:
            pltpu.make_async_copy(
                pcs.at[dv.at[pl.ds(off, sz)]], ra.at[pl.ds(off, sz)],
                sem_a).wait()
            pltpu.make_async_copy(
                pbs.at[sv.at[pl.ds(off, sz)]], rb.at[pl.ds(off, sz)],
                sem_b).wait()
            off += sz

        def quad(r4, _):
            for sub in range(4):
                r = r4 * 4 + sub
                a0 = ra[r, pl.ds(0, 16)]
                b0 = rb[r, pl.ds(0, 16)]
                uv[pl.ds(r4 * D + sub * H, 16)] = jnp.maximum(a0 + b0, 0.0)
                a1 = ra[r, pl.ds(16, 16)]
                b1v = rb[r, pl.ds(16, 16)]
                uv[pl.ds(r4 * D + sub * H + 16, 16)] = jnp.maximum(
                    a1 + b1v, 0.0)
            return 0

        lax.fori_loop(0, EG // 4, quad, 0)
        pltpu.async_copy(uv, u4_hbm.at[pl.ds(base * H, EG * H)], sem_u)

    def drain_u(b):
        uv = bufs[b][4]
        pltpu.make_async_copy(uv, u4_hbm.at[pl.ds(0, EG * H)], sem_u).wait()

    issue(start, 0)

    def pair(g2, _):
        g = start + g2 * 2
        issue(g + 1, 1)
        finish(g, 0)
        issue(g + 2, 0)
        finish(g + 1, 1)
        drain_u(0)
        drain_u(1)
        return 0

    lax.fori_loop(0, (GPW - 1) // 2, pair, 0)
    finish(start + GPW - 1, 0)
    drain_u(0)


def _edge_gather(pc, pb, dst, src):
    return pl.kernel(
        _edge_gather_body,
        out_type=jax.ShapeDtypeStruct((E * H,), jnp.float32),
        mesh=_mesh(),
        scratch_types=[
            pltpu.VMEM_SHARED((N, H), jnp.float32),
            pltpu.VMEM_SHARED((N, H), jnp.float32),
            pltpu.VMEM((EG,), jnp.int32),
            pltpu.VMEM((EG,), jnp.int32),
            pltpu.VMEM((EG, H), jnp.float32),
            pltpu.VMEM((EG, H), jnp.float32),
            pltpu.VMEM((EG * H,), jnp.float32),
            pltpu.VMEM((EG,), jnp.int32),
            pltpu.VMEM((EG,), jnp.int32),
            pltpu.VMEM((EG, H), jnp.float32),
            pltpu.VMEM((EG, H), jnp.float32),
            pltpu.VMEM((EG * H,), jnp.float32),
            pltpu.SemaphoreType.DMA,
            pltpu.SemaphoreType.DMA,
            pltpu.SemaphoreType.DMA,
            pltpu.SemaphoreType.DMA,
        ],
        compiler_params=_SC_PARAMS,
    )(pc, pb, dst, src)


EB4 = 3200


def _mm_body(u4_ref, a_ref, b2t_ref, o_ref):
    o_ref[...] = (
        lax.dot_general(a_ref[...], u4_ref[...],
                        (((1,), (1,)), ((), ())),
                        preferred_element_type=jnp.float32)
        + b2t_ref[...]
    )


def _edge_mlp2(u4, A, b2t):
    return pl.pallas_call(
        _mm_body,
        grid=(Q // EB4,),
        in_specs=[
            pl.BlockSpec((EB4, D), lambda i: (i, 0)),
            pl.BlockSpec((D, D), lambda i: (0, 0)),
            pl.BlockSpec((D, 1), lambda i: (0, 0)),
        ],
        out_specs=pl.BlockSpec((D, EB4), lambda i: (0, i)),
        out_shape=jax.ShapeDtypeStruct((D, Q), jnp.float32),
    )(u4, A, b2t)


def _segmax_body(o_hbm, dd_hbm, agg_hbm,
                 agg0, agg1, agg2, agg3, agg4, agg5, agg6, agg7,
                 hv, dvec, dupb, col_sem):
    cid = lax.axis_index("c")
    sid = lax.axis_index("s")
    wid = cid * NS + sid
    eq = wid // 8
    g8 = (wid % 8) // 2
    hp = wid % 2
    cbase = g8 * 8
    aggs = [agg0, agg1, agg2, agg3, agg4, agg5, agg6, agg7]
    iota16 = lax.iota(jnp.int32, 16)

    def init(i, _):
        neg = jnp.full((16,), -jnp.inf, jnp.float32)
        for k in range(8):
            aggs[k][pl.ds(i * 16, 16)] = neg
        return 0

    lax.fori_loop(0, N // 16, init, 0)

    def chunk(kh, _):
        k = kh * 2 + hp
        off = k * EC
        cp = pltpu.async_copy(
            o_hbm.at[pl.ds(eq * H + cbase, 8), pl.ds(off, EC)], hv, col_sem)
        pltpu.sync_copy(dd_hbm.at[pl.ds(eq * Q + off, EC)], dvec)
        cp.wait()

        def grp(i, _):
            idx = dvec[pl.ds(i * 16, 16)]
            plsc.store_scatter(dupb, [idx], iota16)
            rd = plsc.load_gather(dupb, [idx])
            ms = []
            for kk in range(8):
                h = hv[kk, pl.ds(i * 16, 16)]
                cur = plsc.load_gather(aggs[kk], [idx])
                m = jnp.maximum(cur, h)
                plsc.store_scatter(aggs[kk], [idx], m)
                ms.append(m)

            @pl.when(jnp.any(rd != iota16))
            def _resolve():
                losts = []
                for kk in range(8):
                    chk = plsc.load_gather(aggs[kk], [idx])
                    losts.append((ms[kk] > chk).astype(jnp.int32))

                def cond(c):
                    t = c[0]
                    for kk in range(1, 8):
                        t = t + c[kk]
                    return jnp.any(t != 0)

                def body(c):
                    news = []
                    for kk in range(8):
                        plsc.store_scatter(aggs[kk], [idx], ms[kk],
                                           mask=c[kk] != 0)
                        chk = plsc.load_gather(aggs[kk], [idx])
                        news.append((ms[kk] > chk).astype(jnp.int32))
                    return tuple(news)

                lax.while_loop(cond, body, tuple(losts))
            return 0

        lax.fori_loop(0, EC // 16, grp, 0)
        return 0

    nch = (NCHUNK + 1 - hp) // 2
    lax.fori_loop(0, nch, chunk, 0)
    for kk in range(8):
        pltpu.sync_copy(
            aggs[kk],
            agg_hbm.at[pl.ds(((eq * 2 + hp) * H + cbase + kk) * N, N)])


def _segment_max(o, dd):
    return pl.kernel(
        _segmax_body,
        out_type=jax.ShapeDtypeStruct((8 * H * N,), jnp.float32),
        mesh=_mesh(),
        scratch_types=[
            pltpu.VMEM((N,), jnp.float32),
            pltpu.VMEM((N,), jnp.float32),
            pltpu.VMEM((N,), jnp.float32),
            pltpu.VMEM((N,), jnp.float32),
            pltpu.VMEM((N,), jnp.float32),
            pltpu.VMEM((N,), jnp.float32),
            pltpu.VMEM((N,), jnp.float32),
            pltpu.VMEM((N,), jnp.float32),
            pltpu.VMEM((8, EC), jnp.float32),
            pltpu.VMEM((EC,), jnp.int32),
            pltpu.VMEM((N,), jnp.int32),
            pltpu.SemaphoreType.DMA,
        ],
        compiler_params=pltpu.CompilerParams(needs_layout_passes=False),
    )(o, dd)


def _final_body(agg_ref, batch_ref, gamma_ref, beta_ref,
                wr1_ref, br1t_ref, wr2_ref, br2_ref, out_ref):
    a8 = agg_ref[...]
    a = a8[0:H, :]
    for p in range(1, 8):
        a = jnp.maximum(a, a8[p * H:(p + 1) * H, :])
    a = jnp.where(jnp.isneginf(a), 0.0, a)
    mean = jnp.mean(a, axis=1, keepdims=True)
    d = a - mean
    var = jnp.mean(d * d, axis=1, keepdims=True)
    xn = d * lax.rsqrt(var + 1e-5) * gamma_ref[...] + beta_ref[...]
    xr = jnp.maximum(xn, 0.0)
    oh = (batch_ref[...] ==
          lax.broadcasted_iota(jnp.int32, (N, G), 1)).astype(jnp.float32)
    sums = lax.dot_general(xr, oh, (((1,), (0,)), ((), ())),
                           preferred_element_type=jnp.float32)
    cnt = jnp.sum(oh, axis=0, keepdims=True)
    pooled = sums / jnp.maximum(cnt, 1.0)
    t1 = jnp.maximum(
        lax.dot_general(wr1_ref[...], pooled, (((0,), (0,)), ((), ())),
                        preferred_element_type=jnp.float32) + br1t_ref[...],
        0.0)
    out_ref[...] = (
        lax.dot_general(wr2_ref[...], t1, (((0,), (0,)), ((), ())),
                        preferred_element_type=jnp.float32) + br2_ref[...])


def _final(aggT, batch2, gamma2, beta2, Wr1, br1t, Wr2, br2t):
    return pl.pallas_call(
        _final_body,
        out_shape=jax.ShapeDtypeStruct((1, G), jnp.float32),
    )(aggT, batch2, gamma2, beta2, Wr1, br1t, Wr2, br2t)


@jax.jit
def kernel(x, edge_index, batch, W1, b1, W2, b2, gamma, beta,
           Wr1, br1, Wr2, br2):
    src = edge_index[0]
    dst = edge_index[1]
    pc, pb = _prep(x, W1, b1.reshape(1, H))
    u4 = _edge_gather(pc, pb, dst, src).reshape(E // 4, D)
    A = jnp.kron(jnp.eye(4, dtype=jnp.float32), W2.T)
    b2t = jnp.tile(b2, 4).reshape(D, 1)
    o = _edge_mlp2(u4, A, b2t)
    dd = dst.reshape(Q, 4).T.reshape(-1)
    agg_flat = _segment_max(o, dd)
    out = _final(agg_flat.reshape(8 * H, N), batch.reshape(N, 1),
                 gamma.reshape(H, 1), beta.reshape(H, 1),
                 Wr1, br1.reshape(16, 1), Wr2, br2.reshape(1, 1))
    return out.reshape(-1)

# --- scband reference (transcript-rebuilt; emitter-appended) ---
"""Pipeline reference for scband-simple-edge-net-regression-5858335391873 (READ-ONLY COPY).

The authoritative reference and input builder live on the scoring server;
editing this copy changes nothing except your own understanding.
"""

import jax, jax.numpy as jnp
import numpy as np

N = 10000
E = 320000
D = 128
H = 32
G = 64


def setup_inputs(seed: int = 0) -> dict:
    key = jax.random.key(seed)
    ks = jax.random.split(key, 8)
    x = jax.random.normal(ks[0], (N, D), dtype=jnp.float32)
    edge_index = jax.random.randint(ks[1], (2, E), 0, N, dtype=jnp.int32)
    batch = jnp.sort(jax.random.randint(ks[2], (N,), 0, G, dtype=jnp.int32))
    s = 0.05
    W1 = jax.random.normal(ks[3], (2 * D, H), dtype=jnp.float32) * s
    b1 = jnp.zeros((H,), dtype=jnp.float32)
    W2 = jax.random.normal(ks[4], (H, H), dtype=jnp.float32) * s
    b2 = jnp.zeros((H,), dtype=jnp.float32)
    gamma = jnp.ones((H,), dtype=jnp.float32)
    beta = jnp.zeros((H,), dtype=jnp.float32)
    Wr1 = jax.random.normal(ks[5], (H, 16), dtype=jnp.float32) * s
    br1 = jnp.zeros((16,), dtype=jnp.float32)
    Wr2 = jax.random.normal(ks[6], (16, 1), dtype=jnp.float32) * s
    br2 = jnp.zeros((1,), dtype=jnp.float32)
    return {"x": x, "edge_index": edge_index, "batch": batch, "W1": W1, "b1": b1, "W2": W2, "b2": b2, "gamma": gamma, "beta": beta, "Wr1": Wr1, "br1": br1, "Wr2": Wr2, "br2": br2}


def reference(x, edge_index, batch, W1, b1, W2, b2, gamma, beta, Wr1, br1, Wr2, br2):
    # EdgeConv: message = nn([x_i, x_j - x_i]), aggr = max over incoming edges (PyG default)
    src = edge_index[0]
    dst = edge_index[1]
    x_i = x[dst]
    x_j = x[src]
    m = jnp.concatenate([x_i, x_j - x_i], axis=-1)
    h = jnp.maximum(m @ W1 + b1, 0.0) @ W2 + b2
    agg = jax.ops.segment_max(h, dst, num_segments=N)
    agg = jnp.where(jnp.isneginf(agg), 0.0, agg)  # isolated nodes -> 0 like PyG scatter fill
    # BatchNorm over nodes (training-mode batch statistics, biased variance)
    mean = jnp.mean(agg, axis=0)
    var = jnp.var(agg, axis=0)
    xn = (agg - mean) / jnp.sqrt(var + 1e-5) * gamma + beta
    xr = jnp.maximum(xn, 0.0)
    # global_mean_pool over graph ids
    sums = jax.ops.segment_sum(xr, batch, num_segments=G)
    cnt = jax.ops.segment_sum(jnp.ones((N,), dtype=jnp.float32), batch, num_segments=G)
    pooled = sums / jnp.clip(cnt, 1.0)[:, None]
    out = jnp.maximum(pooled @ Wr1 + br1, 0.0) @ Wr2 + br2
    return out.reshape(-1)

if __name__ == "__main__":
    import jax
    _d = setup_inputs()
    print(jax.jit(kernel)(*tuple(_d.values())))

</pallas_src>

<mosaic_0001>
#map = affine_map<(d0, d1) -> (0, 0)>
#map1 = affine_map<(d0, d1) -> (0)>
module attributes {stable_mosaic.version = 14 : i64} {
  func.func @_segmax_body(%arg0: i32, %arg1: i32, %arg2: memref<128x80000xf32, #tpu.memory_space<hbm>>, %arg3: memref<320000xi32, #tpu.memory_space<hbm>>, %arg4: memref<2560000xf32, #tpu.memory_space<hbm>>, %arg5: memref<10000xf32, #tpu.memory_space<vmem>>, %arg6: memref<10000xf32, #tpu.memory_space<vmem>>, %arg7: memref<10000xf32, #tpu.memory_space<vmem>>, %arg8: memref<10000xf32, #tpu.memory_space<vmem>>, %arg9: memref<10000xf32, #tpu.memory_space<vmem>>, %arg10: memref<10000xf32, #tpu.memory_space<vmem>>, %arg11: memref<10000xf32, #tpu.memory_space<vmem>>, %arg12: memref<10000xf32, #tpu.memory_space<vmem>>, %arg13: memref<8x3200xf32, #tpu.memory_space<vmem>>, %arg14: memref<3200xi32, #tpu.memory_space<vmem>>, %arg15: memref<10000xi32, #tpu.memory_space<vmem>>, %arg16: memref<!tpu.dma_semaphore, #tpu.memory_space<semaphore_mem>>) attributes {dimension_semantics = [#tpu.dimension_semantics<core_parallel>, #tpu.dimension_semantics<subcore_parallel>], iteration_bounds = array<i64: 2, 16>, scalar_prefetch = 0 : i64, scratch_operands = 12 : i64, tpu.core_type = #tpu.core_type<sc_vector_subcore>, window_params = [{transform_indices = #map}, {transform_indices = #map1}, {transform_indices = #map1}]} {
    %mul3A = arith.constant 16 : i32
    %mul3A_0 = arith.muli %arg0, %mul3A : i32
    %add3A = arith.addi %mul3A_0, %arg1 : i32
    %jit3A = arith.constant 8 : i32
    %div3A = arith.divsi %add3A, %jit3A : i32
    %sign3A = arith.constant 0 : i32
    %sign3A_1 = arith.cmpi sgt, %add3A, %sign3A : i32
    %sign3A_2 = arith.extui %sign3A_1 : i1 to i32
    %sign3A_3 = arith.constant 0 : i32
    %sign3A_4 = arith.cmpi slt, %add3A, %sign3A_3 : i32
    %sign3A_5 = arith.extui %sign3A_4 : i1 to i32
    %sign3A_6 = arith.subi %sign3A_2, %sign3A_5 : i32
    %sign3A_7 = arith.constant 0 : i32
    %sign3A_8 = arith.cmpi sgt, %jit3A, %sign3A_7 : i32
    %sign3A_9 = arith.extui %sign3A_8 : i1 to i32
    %sign3A_10 = arith.constant 0 : i32
    %sign3A_11 = arith.cmpi slt, %jit3A, %sign3A_10 : i32
    %sign3A_12 = arith.extui %sign3A_11 : i1 to i32
    %sign3A_13 = arith.subi %sign3A_9, %sign3A_12 : i32
    %ne3A = arith.cmpi ne, %sign3A_6, %sign3A_13 : i32
    %rem3A = arith.remsi %add3A, %jit3A : i32
    %ne3A_14 = arith.constant 0 : i32
    %ne3A_15 = arith.cmpi ne, %rem3A, %ne3A_14 : i32
    %and3A = arith.andi %ne3A, %ne3A_15 : i1
    %sub3A = arith.constant 1 : i32
    %sub3A_16 = arith.subi %div3A, %sub3A : i32
    %select_n3A = arith.select %and3A, %sub3A_16, %div3A : i32
    %jit3A_17 = arith.constant 8 : i32
    %eq3A = arith.constant 0 : i32
    %eq3A_18 = arith.cmpi eq, %jit3A_17, %eq3A : i32
    %jit3A_19 = arith.constant 1 : i32
    %select_n3A_20 = arith.select %eq3A_18, %jit3A_19, %jit3A_17 : i32
    %rem3A_21 = arith.remsi %add3A, %select_n3A_20 : i32
    %ne3A_22 = arith.constant 0 : i32
    %ne3A_23 = arith.cmpi ne, %rem3A_21, %ne3A_22 : i32
    %lt3A = arith.constant 0 : i32
    %lt3A_24 = arith.cmpi slt, %rem3A_21, %lt3A : i32
    %lt3A_25 = arith.constant 0 : i32
    %lt3A_26 = arith.cmpi slt, %select_n3A_20, %lt3A_25 : i32
    %ne3A_27 = arith.xori %lt3A_24, %lt3A_26 : i1
    %and3A_28 = arith.andi %ne3A_27, %ne3A_23 : i1
    %add3A_29 = arith.addi %rem3A_21, %select_n3A_20 : i32
    %select_n3A_30 = arith.select %and3A_28, %add3A_29, %rem3A_21 : i32
    %jit3A_31 = arith.constant 2 : i32
    %div3A_32 = arith.divsi %select_n3A_30, %jit3A_31 : i32
    %sign3A_33 = arith.constant 0 : i32
    %sign3A_34 = arith.cmpi sgt, %select_n3A_30, %sign3A_33 : i32
    %sign3A_35 = arith.extui %sign3A_34 : i1 to i32
    %sign3A_36 = arith.constant 0 : i32
    %sign3A_37 = arith.cmpi slt, %select_n3A_30, %sign3A_36 : i32
    %sign3A_38 = arith.extui %sign3A_37 : i1 to i32
    %sign3A_39 = arith.subi %sign3A_35, %sign3A_38 : i32
    %sign3A_40 = arith.constant 0 : i32
    %sign3A_41 = arith.cmpi sgt, %jit3A_31, %sign3A_40 : i32
    %sign3A_42 = arith.extui %sign3A_41 : i1 to i32
    %sign3A_43 = arith.constant 0 : i32
    %sign3A_44 = arith.cmpi slt, %jit3A_31, %sign3A_43 : i32
    %sign3A_45 = arith.extui %sign3A_44 : i1 to i32
    %sign3A_46 = arith.subi %sign3A_42, %sign3A_45 : i32
    %ne3A_47 = arith.cmpi ne, %sign3A_39, %sign3A_46 : i32
    %rem3A_48 = arith.remsi %select_n3A_30, %jit3A_31 : i32
    %ne3A_49 = arith.constant 0 : i32
    %ne3A_50 = arith.cmpi ne, %rem3A_48, %ne3A_49 : i32
    %and3A_51 = arith.andi %ne3A_47, %ne3A_50 : i1
    %sub3A_52 = arith.constant 1 : i32
    %sub3A_53 = arith.subi %div3A_32, %sub3A_52 : i32
    %select_n3A_54 = arith.select %and3A_51, %sub3A_53, %div3A_32 : i32
    %jit3A_55 = arith.constant 2 : i32
    %eq3A_56 = arith.constant 0 : i32
    %eq3A_57 = arith.cmpi eq, %jit3A_55, %eq3A_56 : i32
    %jit3A_58 = arith.constant 1 : i32
    %select_n3A_59 = arith.select %eq3A_57, %jit3A_58, %jit3A_55 : i32
    %rem3A_60 = arith.remsi %add3A, %select_n3A_59 : i32
    %ne3A_61 = arith.constant 0 : i32
    %ne3A_62 = arith.cmpi ne, %rem3A_60, %ne3A_61 : i32
    %lt3A_63 = arith.constant 0 : i32
    %lt3A_64 = arith.cmpi slt, %rem3A_60, %lt3A_63 : i32
    %lt3A_65 = arith.constant 0 : i32
    %lt3A_66 = arith.cmpi slt, %select_n3A_59, %lt3A_65 : i32
    %ne3A_67 = arith.xori %lt3A_64, %lt3A_66 : i1
    %and3A_68 = arith.andi %ne3A_67, %ne3A_62 : i1
    %add3A_69 = arith.addi %rem3A_60, %select_n3A_59 : i32
    %select_n3A_70 = arith.select %and3A_68, %add3A_69, %rem3A_60 : i32
    %mul3A_71 = arith.constant 8 : i32
    %mul3A_72 = arith.muli %select_n3A_54, %mul3A_71 : i32
    %iota3A = tpu.iota {dimensions = array<i32: 0>} : vector<16xi32>
    %scan3A = arith.constant 0 : i32
    %scan3A_73 = arith.constant 0 : i32
    %scan3A_74 = arith.constant 625 : i32
    %scan3A_75 = arith.addi %scan3A_73, %scan3A_74 : i32
    %scan3A_76 = arith.constant 1 : i32
    %scan3A_77 = scf.for %scan3A_196 = %scan3A_73 to %scan3A_75 step %scan3A_76 iter_args(%scan3A_197 = %scan3A) -> (i32)  : i32 {
      %broadcast_in_dim3A = arith.constant 0xFF800000 : f32
      %broadcast_in_dim3A_198 = vector.broadcast %broadcast_in_dim3A : f32 to vector<16xf32>
      %mul3A_199 = arith.constant 16 : i32
      %mul3A_200 = arith.muli %scan3A_196, %mul3A_199 : i32
      %swap3A = arith.index_cast %mul3A_200 : i32 to index
      %swap3A_201 = tpu.vector_load %arg5[%swap3A] {strides = array<i32>} : memref<10000xf32, #tpu.memory_space<vmem>>, vector<16xf32>,
      tpu.vector_store %arg5[%swap3A], %broadcast_in_dim3A_198 {strides = array<i32>} : memref<10000xf32, #tpu.memory_space<vmem>>, vector<16xf32>,
      %mul3A_202 = arith.constant 16 : i32
      %mul3A_203 = arith.muli %scan3A_196, %mul3A_202 : i32
      %swap3A_204 = arith.index_cast %mul3A_203 : i32 to index
      %swap3A_205 = tpu.vector_load %arg6[%swap3A_204] {strides = array<i32>} : memref<10000xf32, #tpu.memory_space<vmem>>, vector<16xf32>,
      tpu.vector_store %arg6[%swap3A_204], %broadcast_in_dim3A_198 {strides = array<i32>} : memref<10000xf32, #tpu.memory_space<vmem>>, vector<16xf32>,
      %mul3A_206 = arith.constant 16 : i32
      %mul3A_207 = arith.muli %scan3A_196, %mul3A_206 : i32
      %swap3A_208 = arith.index_cast %mul3A_207 : i32 to index
      %swap3A_209 = tpu.vector_load %arg7[%swap3A_208] {strides = array<i32>} : memref<10000xf32, #tpu.memory_space<vmem>>, vector<16xf32>,
      tpu.vector_store %arg7[%swap3A_208], %broadcast_in_dim3A_198 {strides = array<i32>} : memref<10000xf32, #tpu.memory_space<vmem>>, vector<16xf32>,
      %mul3A_210 = arith.constant 16 : i32
      %mul3A_211 = arith.muli %scan3A_196, %mul3A_210 : i32
      %swap3A_212 = arith.index_cast %mul3A_211 : i32 to index
      %swap3A_213 = tpu.vector_load %arg8[%swap3A_212] {strides = array<i32>} : memref<10000xf32, #tpu.memory_space<vmem>>, vector<16xf32>,
      tpu.vector_store %arg8[%swap3A_212], %broadcast_in_dim3A_198 {strides = array<i32>} : memref<10000xf32, #tpu.memory_space<vmem>>, vector<16xf32>,
      %mul3A_214 = arith.constant 16 : i32
      %mul3A_215 = arith.muli %scan3A_196, %mul3A_214 : i32
      %swap3A_216 = arith.index_cast %mul3A_215 : i32 to index
      %swap3A_217 = tpu.vector_load %arg9[%swap3A_216] {strides = array<i32>} : memref<10000xf32, #tpu.memory_space<vmem>>, vector<16xf32>,
      tpu.vector_store %arg9[%swap3A_216], %broadcast_in_dim3A_198 {strides = array<i32>} : memref<10000xf32, #tpu.memory_space<vmem>>, vector<16xf32>,
      %mul3A_218 = arith.constant 16 : i32
      %mul3A_219 = arith.muli %scan3A_196, %mul3A_218 : i32
      %swap3A_220 = arith.index_cast %mul3A_219 : i32 to index
      %swap3A_221 = tpu.vector_load %arg10[%swap3A_220] {strides = array<i32>} : memref<10000xf32, #tpu.memory_space<vmem>>, vector<16xf32>,
      tpu.vector_store %arg10[%swap3A_220], %broadcast_in_dim3A_198 {strides = array<i32>} : memref<10000xf32, #tpu.memory_space<vmem>>, vector<16xf32>,
      %mul3A_222 = arith.constant 16 : i32
      %mul3A_223 = arith.muli %scan3A_196, %mul3A_222 : i32
      %swap3A_224 = arith.index_cast %mul3A_223 : i32 to index
      %swap3A_225 = tpu.vector_load %arg11[%swap3A_224] {strides = array<i32>} : memref<10000xf32, #tpu.memory_space<vmem>>, vector<16xf32>,
      tpu.vector_store %arg11[%swap3A_224], %broadcast_in_dim3A_198 {strides = array<i32>} : memref<10000xf32, #tpu.memory_space<vmem>>, vector<16xf32>,
      %mul3A_226 = arith.constant 16 : i32
      %mul3A_227 = arith.muli %scan3A_196, %mul3A_226 : i32
      %swap3A_228 = arith.index_cast %mul3A_227 : i32 to index
      %swap3A_229 = tpu.vector_load %arg12[%swap3A_228] {strides = array<i32>} : memref<10000xf32, #tpu.memory_space<vmem>>, vector<16xf32>,
      tpu.vector_store %arg12[%swap3A_228], %broadcast_in_dim3A_198 {strides = array<i32>} : memref<10000xf32, #tpu.memory_space<vmem>>, vector<16xf32>,
      %scan3A_230 = arith.constant 0 : i32
      scf.yield %scan3A_230 : i32
    }
    %scan3A_78 = arith.constant 625 : i32
    %sub3A_79 = arith.constant 26 : i32
    %sub3A_80 = arith.subi %sub3A_79, %select_n3A_70 : i32
    %jit3A_81 = arith.constant 2 : i32
    %div3A_82 = arith.divsi %sub3A_80, %jit3A_81 : i32
    %sign3A_83 = arith.constant 0 : i32
    %sign3A_84 = arith.cmpi sgt, %sub3A_80, %sign3A_83 : i32
    %sign3A_85 = arith.extui %sign3A_84 : i1 to i32
    %sign3A_86 = arith.constant 0 : i32
    %sign3A_87 = arith.cmpi slt, %sub3A_80, %sign3A_86 : i32
    %sign3A_88 = arith.extui %sign3A_87 : i1 to i32
    %sign3A_89 = arith.subi %sign3A_85, %sign3A_88 : i32
    %sign3A_90 = arith.constant 0 : i32
    %sign3A_91 = arith.cmpi sgt, %jit3A_81, %sign3A_90 : i32
    %sign3A_92 = arith.extui %sign3A_91 : i1 to i32
    %sign3A_93 = arith.constant 0 : i32
    %sign3A_94 = arith.cmpi slt, %jit3A_81, %sign3A_93 : i32
    %sign3A_95 = arith.extui %sign3A_94 : i1 to i32
    %sign3A_96 = arith.subi %sign3A_92, %sign3A_95 : i32
    %ne3A_97 = arith.cmpi ne, %sign3A_89, %sign3A_96 : i32
    %rem3A_98 = arith.remsi %sub3A_80, %jit3A_81 : i32
    %ne3A_99 = arith.constant 0 : i32
    %ne3A_100 = arith.cmpi ne, %rem3A_98, %ne3A_99 : i32
    %and3A_101 = arith.andi %ne3A_97, %ne3A_100 : i1
    %sub3A_102 = arith.constant 1 : i32
    %sub3A_103 = arith.subi %div3A_82, %sub3A_102 : i32
    %select_n3A_104 = arith.select %and3A_101, %sub3A_103, %div3A_82 : i32
    %while3A = arith.constant 0 : i32
    %while3A_105 = arith.constant 0 : i32
    %while3A_106 = arith.subi %select_n3A_104, %while3A : i32
    %while3A_107 = arith.addi %while3A, %while3A_106 : i32
    %while3A_108 = arith.constant 1 : i32
    %while3A_109 = arith.divsi %while3A_106, %while3A_108 : i32
    %while3A_110 = arith.muli %while3A_109, %while3A_108 : i32
    %while3A_111 = arith.addi %while3A, %while3A_110 : i32
    %while3A_112 = arith.constant 1 : i32
    %while3A_113 = scf.for %while3A_196 = %while3A to %while3A_111 step %while3A_112 iter_args(%while3A_197 = %while3A_105) -> (i32)  : i32 {
      %mul3A_198 = arith.constant 2 : i32
      %mul3A_199 = arith.muli %while3A_196, %mul3A_198 : i32
      %add3A_200 = arith.addi %mul3A_199, %select_n3A_70 : i32
      %mul3A_201 = arith.constant 3200 : i32
      %mul3A_202 = arith.muli %add3A_200, %mul3A_201 : i32
      %mul3A_203 = arith.constant 32 : i32
      %mul3A_204 = arith.muli %select_n3A, %mul3A_203 : i32
      %add3A_205 = arith.addi %mul3A_204, %mul3A_72 : i32
      %dma_start3A = tpu.memref_slice %arg2[%add3A_205, %mul3A_202] : memref<128x80000xf32, #tpu.memory_space<hbm>> -> memref<8x3200xf32, #tpu.memory_space<hbm>>
      %dma_start3A_206 = tpu.memref_slice %arg2[%add3A_205, %mul3A_202] : memref<128x80000xf32, #tpu.memory_space<hbm>> -> memref<8x3200xf32, #tpu.memory_space<hbm>>
      tpu.enqueue_dma source(%dma_start3A_206 : memref<8x3200xf32, #tpu.memory_space<hbm>>) target(%arg13 : memref<8x3200xf32, #tpu.memory_space<vmem>>) target_semaphore(%arg16 : memref<!tpu.dma_semaphore, #tpu.memory_space<semaphore_mem>>)
      %mul3A_207 = arith.constant 80000 : i32
      %mul3A_208 = arith.muli %select_n3A, %mul3A_207 : i32
      %add3A_209 = arith.addi %mul3A_208, %mul3A_202 : i32
      "tpu.region"() ({
        %run_scoped3A = tpu.sem_alloc : memref<!tpu.dma_semaphore, #tpu.memory_space<semaphore_mem>>
        %dma_start3A_219 = tpu.memref_slice %arg3[%add3A_209] : memref<320000xi32, #tpu.memory_space<hbm>> -> memref<3200xi32, #tpu.memory_space<hbm>>
        %dma_start3A_220 = tpu.memref_slice %arg3[%add3A_209] : memref<320000xi32, #tpu.memory_space<hbm>> -> memref<3200xi32, #tpu.memory_space<hbm>>
        tpu.enqueue_dma source(%dma_start3A_220 : memref<3200xi32, #tpu.memory_space<hbm>>) target(%arg14 : memref<3200xi32, #tpu.memory_space<vmem>>) target_semaphore(%run_scoped3A : memref<!tpu.dma_semaphore, #tpu.memory_space<semaphore_mem>>)
        %dma_wait3A_221 = tpu.memref_slice %arg3[%add3A_209] : memref<320000xi32, #tpu.memory_space<hbm>> -> memref<3200xi32, #tpu.memory_space<hbm>>
        %dma_wait3A_222 = tpu.memref_slice %arg3[%add3A_209] : memref<320000xi32, #tpu.memory_space<hbm>> -> memref<3200xi32, #tpu.memory_space<hbm>>
        tpu.wait_dma2 semaphore(%run_scoped3A : memref<!tpu.dma_semaphore, #tpu.memory_space<semaphore_mem>>) src(%dma_wait3A_222 : memref<3200xi32, #tpu.memory_space<hbm>>) dst(%arg14 : memref<3200xi32, #tpu.memory_space<vmem>>)
        tpu.yield
      }) : () -> ()
      %dma_wait3A = tpu.memref_slice %arg2[%add3A_205, %mul3A_202] : memref<128x80000xf32, #tpu.memory_space<hbm>> -> memref<8x3200xf32, #tpu.memory_space<hbm>>
      %dma_wait3A_210 = tpu.memref_slice %arg2[%add3A_205, %mul3A_202] : memref<128x80000xf32, #tpu.memory_space<hbm>> -> memref<8x3200xf32, #tpu.memory_space<hbm>>
      tpu.wait_dma2 semaphore(%arg16 : memref<!tpu.dma_semaphore, #tpu.memory_space<semaphore_mem>>) src(%dma_wait3A_210 : memref<8x3200xf32, #tpu.memory_space<hbm>>) dst(%arg13 : memref<8x3200xf32, #tpu.memory_space<vmem>>)
      %scan3A_211 = arith.constant 0 : i32
      %scan3A_212 = arith.constant 0 : i32
      %scan3A_213 = arith.constant 200 : i32
      %scan3A_214 = arith.addi %scan3A_212, %scan3A_213 : i32
      %scan3A_215 = arith.constant 1 : i32
      %scan3A_216 = scf.for %scan3A_219 = %scan3A_212 to %scan3A_214 step %scan3A_215 iter_args(%scan3A_220 = %scan3A_211) -> (i32)  : i32 {
        %mul3A_221 = arith.constant 16 : i32
        %mul3A_222 = arith.muli %scan3A_219, %mul3A_221 : i32
        %get3A = arith.index_cast %mul3A_222 : i32 to index
        %get3A_223 = tpu.vector_load %arg14[%get3A] {strides = array<i32>} : memref<3200xi32, #tpu.memory_space<vmem>>, vector<16xi32>,
        tpu.vector_store_idx %arg15[%get3A_223], %iota3A : memref<10000xi32, #tpu.memory_space<vmem>>[vector<16xi32>], vector<16xi32>,
        %gather3A = tpu.vector_load_idx %arg15[%get3A_223] : memref<10000xi32, #tpu.memory_space<vmem>>[vector<16xi32>], vector<16xi32>,
        %mul3A_224 = arith.constant 16 : i32
        %mul3A_225 = arith.muli %scan3A_219, %mul3A_224 : i32
        %get3A_226 = arith.constant 0 : i32
        %get3A_227 = arith.index_cast %get3A_226 : i32 to index
        %get3A_228 = arith.index_cast %mul3A_225 : i32 to index
        %get3A_229 = tpu.vector_load %arg13[%get3A_227, %get3A_228] {strides = array<i32>} : memref<8x3200xf32, #tpu.memory_space<vmem>>, vector<16xf32>,
        %gather3A_230 = tpu.vector_load_idx %arg5[%get3A_223] : memref<10000xf32, #tpu.memory_space<vmem>>[vector<16xi32>], vector<16xf32>,
        %max3A = arith.maximumf %gather3A_230, %get3A_229 : vector<16xf32>
        tpu.vector_store_idx %arg5[%get3A_223], %max3A : memref<10000xf32, #tpu.memory_space<vmem>>[vector<16xi32>], vector<16xf32>,
        %mul3A_231 = arith.constant 16 : i32
        %mul3A_232 = arith.muli %scan3A_219, %mul3A_231 : i32
        %get3A_233 = arith.constant 1 : i32
        %get3A_234 = arith.index_cast %get3A_233 : i32 to index
        %get3A_235 = arith.index_cast %mul3A_232 : i32 to index
        %get3A_236 = tpu.vector_load %arg13[%get3A_234, %get3A_235] {strides = array<i32>} : memref<8x3200xf32, #tpu.memory_space<vmem>>, vector<16xf32>,
        %gather3A_237 = tpu.vector_load_idx %arg6[%get3A_223] : memref<10000xf32, #tpu.memory_space<vmem>>[vector<16xi32>], vector<16xf32>,
        %max3A_238 = arith.maximumf %gather3A_237, %get3A_236 : vector<16xf32>
        tpu.vector_store_idx %arg6[%get3A_223], %max3A_238 : memref<10000xf32, #tpu.memory_space<vmem>>[vector<16xi32>], vector<16xf32>,
        %mul3A_239 = arith.constant 16 : i32
        %mul3A_240 = arith.muli %scan3A_219, %mul3A_239 : i32
        %get3A_241 = arith.constant 2 : i32
        %get3A_242 = arith.index_cast %get3A_241 : i32 to index
        %get3A_243 = arith.index_cast %mul3A_240 : i32 to index
        %get3A_244 = tpu.vector_load %arg13[%get3A_242, %get3A_243] {strides = array<i32>} : memref<8x3200xf32, #tpu.memory_space<vmem>>, vector<16xf32>,
        %gather3A_245 = tpu.vector_load_idx %arg7[%get3A_223] : memref<10000xf32, #tpu.memory_space<vmem>>[vector<16xi32>], vector<16xf32>,
        %max3A_246 = arith.maximumf %gather3A_245, %get3A_244 : vector<16xf32>
        tpu.vector_store_idx %arg7[%get3A_223], %max3A_246 : memref<10000xf32, #tpu.memory_space<vmem>>[vector<16xi32>], vector<16xf32>,
        %mul3A_247 = arith.constant 16 : i32
        %mul3A_248 = arith.muli %scan3A_219, %mul3A_247 : i32
        %get3A_249 = arith.constant 3 : i32
        %get3A_250 = arith.index_cast %get3A_249 : i32 to index
        %get3A_251 = arith.index_cast %mul3A_248 : i32 to index
        %get3A_252 = tpu.vector_load %arg13[%get3A_250, %get3A_251] {strides = array<i32>} : memref<8x3200xf32, #tpu.memory_space<vmem>>, vector<16xf32>,
        %gather3A_253 = tpu.vector_load_idx %arg8[%get3A_223] : memref<10000xf32, #tpu.memory_space<vmem>>[vector<16xi32>], vector<16xf32>,
        %max3A_254 = arith.maximumf %gather3A_253, %get3A_252 : vector<16xf32>
        tpu.vector_store_idx %arg8[%get3A_223], %max3A_254 : memref<10000xf32, #tpu.memory_space<vmem>>[vector<16xi32>], vector<16xf32>,
        %mul3A_255 = arith.constant 16 : i32
        %mul3A_256 = arith.muli %scan3A_219, %mul3A_255 : i32
        %get3A_257 = arith.constant 4 : i32
        %get3A_258 = arith.index_cast %get3A_257 : i32 to index
        %get3A_259 = arith.index_cast %mul3A_256 : i32 to index
        %get3A_260 = tpu.vector_load %arg13[%get3A_258, %get3A_259] {strides = array<i32>} : memref<8x3200xf32, #tpu.memory_space<vmem>>, vector<16xf32>,
        %gather3A_261 = tpu.vector_load_idx %arg9[%get3A_223] : memref<10000xf32, #tpu.memory_space<vmem>>[vector<16xi32>], vector<16xf32>,
        %max3A_262 = arith.maximumf %gather3A_261, %get3A_260 : vector<16xf32>
        tpu.vector_store_idx %arg9[%get3A_223], %max3A_262 : memref<10000xf32, #tpu.memory_space<vmem>>[vector<16xi32>], vector<16xf32>,
        %mul3A_263 = arith.constant 16 : i32
        %mul3A_264 = arith.muli %scan3A_219, %mul3A_263 : i32
        %get3A_265 = arith.constant 5 : i32
        %get3A_266 = arith.index_cast %get3A_265 : i32 to index
        %get3A_267 = arith.index_cast %mul3A_264 : i32 to index
        %get3A_268 = tpu.vector_load %arg13[%get3A_266, %get3A_267] {strides = array<i32>} : memref<8x3200xf32, #tpu.memory_space<vmem>>, vector<16xf32>,
        %gather3A_269 = tpu.vector_load_idx %arg10[%get3A_223] : memref<10000xf32, #tpu.memory_space<vmem>>[vector<16xi32>], vector<16xf32>,
        %max3A_270 = arith.maximumf %gather3A_269, %get3A_268 : vector<16xf32>
        tpu.vector_store_idx %arg10[%get3A_223], %max3A_270 : memref<10000xf32, #tpu.memory_space<vmem>>[vector<16xi32>], vector<16xf32>,
        %mul3A_271 = arith.constant 16 : i32
        %mul3A_272 = arith.muli %scan3A_219, %mul3A_271 : i32
        %get3A_273 = arith.constant 6 : i32
        %get3A_274 = arith.index_cast %get3A_273 : i32 to index
        %get3A_275 = arith.index_cast %mul3A_272 : i32 to index
        %get3A_276 = tpu.vector_load %arg13[%get3A_274, %get3A_275] {strides = array<i32>} : memref<8x3200xf32, #tpu.memory_space<vmem>>, vector<16xf32>,
        %gather3A_277 = tpu.vector_load_idx %arg11[%get3A_223] : memref<10000xf32, #tpu.memory_space<vmem>>[vector<16xi32>], vector<16xf32>,
        %max3A_278 = arith.maximumf %gather3A_277, %get3A_276 : vector<16xf32>
        tpu.vector_store_idx %arg11[%get3A_223], %max3A_278 : memref<10000xf32, #tpu.memory_space<vmem>>[vector<16xi32>], vector<16xf32>,
        %mul3A_279 = arith.constant 16 : i32
        %mul3A_280 = arith.muli %scan3A_219, %mul3A_279 : i32
        %get3A_281 = arith.constant 7 : i32
        %get3A_282 = arith.index_cast %get3A_281 : i32 to index
        %get3A_283 = arith.index_cast %mul3A_280 : i32 to index
        %get3A_284 = tpu.vector_load %arg13[%get3A_282, %get3A_283] {strides = array<i32>} : memref<8x3200xf32, #tpu.memory_space<vmem>>, vector<16xf32>,
        %gather3A_285 = tpu.vector_load_idx %arg12[%get3A_223] : memref<10000xf32, #tpu.memory_space<vmem>>[vector<16xi32>], vector<16xf32>,
        %max3A_286 = arith.maximumf %gather3A_285, %get3A_284 : vector<16xf32>
        tpu.vector_store_idx %arg12[%get3A_223], %max3A_286 : memref<10000xf32, #tpu.memory_space<vmem>>[vector<16xi32>], vector<16xf32>,
        %ne3A_287 = arith.cmpi ne, %gather3A, %iota3A : vector<16xi32>
        %reduce_or3A = arith.constant 1.000000e+00 : f32
        %reduce_or3A_288 = arith.constant 0.000000e+00 : f32
        %reduce_or3A_289 = vector.broadcast %reduce_or3A : f32 to vector<16xf32>
        %reduce_or3A_290 = vector.broadcast %reduce_or3A_288 : f32 to vector<16xf32>
        %reduce_or3A_291 = arith.select %ne3A_287, %reduce_or3A_289, %reduce_or3A_290 : vector<16xi1>, vector<16xf32>
        %reduce_or3A_292 = arith.constant true
        %reduce_or3A_293 = vector.broadcast %reduce_or3A_292 : i1 to vector<16xi1>
        %reduce_or3A_294 = tpu.scan <max>, %reduce_or3A_291 masked %reduce_or3A_293 : vector<16xf32>, vector<16xi1> -> vector<16xf32>
        %reduce_or3A_295 = vector.extract %reduce_or3A_294[15] : f32 from vector<16xf32>
        %reduce_or3A_296 = arith.constant 0.000000e+00 : f32
        %reduce_or3A_297 = arith.cmpf ogt, %reduce_or3A_295, %reduce_or3A_296 : f32
        %convert_element_type3A = arith.extui %reduce_or3A_297 : i1 to i32
        %cond3A = arith.constant 0 : i32
        %cond3A_298 = arith.cmpi ne, %convert_element_type3A, %cond3A : i32
        scf.if %cond3A_298 {
          %gather3A_300 = tpu.vector_load_idx %arg5[%get3A_223] : memref<10000xf32, #tpu.memory_space<vmem>>[vector<16xi32>], vector<16xf32>,
          %gt3A = arith.cmpf ogt, %max3A, %gather3A_300 : vector<16xf32>
          %convert_element_type3A_301 = arith.extui %gt3A : vector<16xi1> to vector<16xi32>
          %gather3A_302 = tpu.vector_load_idx %arg6[%get3A_223] : memref<10000xf32, #tpu.memory_space<vmem>>[vector<16xi32>], vector<16xf32>,
          %gt3A_303 = arith.cmpf ogt, %max3A_238, %gather3A_302 : vector<16xf32>
          %convert_element_type3A_304 = arith.extui %gt3A_303 : vector<16xi1> to vector<16xi32>
          %gather3A_305 = tpu.vector_load_idx %arg7[%get3A_223] : memref<10000xf32, #tpu.memory_space<vmem>>[vector<16xi32>], vector<16xf32>,
          %gt3A_306 = arith.cmpf ogt, %max3A_246, %gather3A_305 : vector<16xf32>
          %convert_element_type3A_307 = arith.extui %gt3A_306 : vector<16xi1> to vector<16xi32>
          %gather3A_308 = tpu.vector_load_idx %arg8[%get3A_223] : memref<10000xf32, #tpu.memory_space<vmem>>[vector<16xi32>], vector<16xf32>,
          %gt3A_309 = arith.cmpf ogt, %max3A_254, %gather3A_308 : vector<16xf32>
          %convert_element_type3A_310 = arith.extui %gt3A_309 : vector<16xi1> to vector<16xi32>
          %gather3A_311 = tpu.vector_load_idx %arg9[%get3A_223] : memref<10000xf32, #tpu.memory_space<vmem>>[vector<16xi32>], vector<16xf32>,
          %gt3A_312 = arith.cmpf ogt, %max3A_262, %gather3A_311 : vector<16xf32>
          %convert_element_type3A_313 = arith.extui %gt3A_312 : vector<16xi1> to vector<16xi32>
          %gather3A_314 = tpu.vector_load_idx %arg10[%get3A_223] : memref<10000xf32, #tpu.memory_space<vmem>>[vector<16xi32>], vector<16xf32>,
          %gt3A_315 = arith.cmpf ogt, %max3A_270, %gather3A_314 : vector<16xf32>
          %convert_element_type3A_316 = arith.extui %gt3A_315 : vector<16xi1> to vector<16xi32>
          %gather3A_317 = tpu.vector_load_idx %arg11[%get3A_223] : memref<10000xf32, #tpu.memory_space<vmem>>[vector<16xi32>], vector<16xf32>,
          %gt3A_318 = arith.cmpf ogt, %max3A_278, %gather3A_317 : vector<16xf32>
          %convert_element_type3A_319 = arith.extui %gt3A_318 : vector<16xi1> to vector<16xi32>
          %gather3A_320 = tpu.vector_load_idx %arg12[%get3A_223] : memref<10000xf32, #tpu.memory_space<vmem>>[vector<16xi32>], vector<16xf32>,
          %gt3A_321 = arith.cmpf ogt, %max3A_286, %gather3A_320 : vector<16xf32>
          %convert_element_type3A_322 = arith.extui %gt3A_321 : vector<16xi1> to vector<16xi32>
          %while3A_323:8 = scf.while (%while3A_324 = %convert_element_type3A_301, %while3A_325 = %convert_element_type3A_304, %while3A_326 = %convert_element_type3A_307, %while3A_327 = %convert_element_type3A_310, %while3A_328 = %convert_element_type3A_313, %while3A_329 = %convert_element_type3A_316, %while3A_330 = %convert_element_type3A_319, %while3A_331 = %convert_element_type3A_322) : (vector<16xi32>, vector<16xi32>, vector<16xi32>, vector<16xi32>, vector<16xi32>, vector<16xi32>, vector<16xi32>, vector<16xi32>) -> (vector<16xi32>, vector<16xi32>, vector<16xi32>, vector<16xi32>, vector<16xi32>, vector<16xi32>, vector<16xi32>, vector<16xi32>) {
            %add3A_332 = arith.addi %while3A_324, %while3A_325 : vector<16xi32>
            %add3A_333 = arith.addi %add3A_332, %while3A_326 : vector<16xi32>
            %add3A_334 = arith.addi %add3A_333, %while3A_327 : vector<16xi32>
            %add3A_335 = arith.addi %add3A_334, %while3A_328 : vector<16xi32>
            %add3A_336 = arith.addi %add3A_335, %while3A_329 : vector<16xi32>
            %add3A_337 = arith.addi %add3A_336, %while3A_330 : vector<16xi32>
            %add3A_338 = arith.addi %add3A_337, %while3A_331 : vector<16xi32>
            %ne3A_339 = arith.constant 0 : i32
            %ne3A_340 = vector.broadcast %ne3A_339 : i32 to vector<16xi32>
            %ne3A_341 = arith.cmpi ne, %add3A_338, %ne3A_340 : vector<16xi32>
            %reduce_or3A_342 = arith.constant 1.000000e+00 : f32
            %reduce_or3A_343 = arith.constant 0.000000e+00 : f32
            %reduce_or3A_344 = vector.broadcast %reduce_or3A_342 : f32 to vector<16xf32>
            %reduce_or3A_345 = vector.broadcast %reduce_or3A_343 : f32 to vector<16xf32>
            %reduce_or3A_346 = arith.select %ne3A_341, %reduce_or3A_344, %reduce_or3A_345 : vector<16xi1>, vector<16xf32>
            %reduce_or3A_347 = arith.constant true
            %reduce_or3A_348 = vector.broadcast %reduce_or3A_347 : i1 to vector<16xi1>
            %reduce_or3A_349 = tpu.scan <max>, %reduce_or3A_346 masked %reduce_or3A_348 : vector<16xf32>, vector<16xi1> -> vector<16xf32>
            %reduce_or3A_350 = vector.extract %reduce_or3A_349[15] : f32 from vector<16xf32>
            %reduce_or3A_351 = arith.constant 0.000000e+00 : f32
            %reduce_or3A_352 = arith.cmpf ogt, %reduce_or3A_350, %reduce_or3A_351 : f32
            scf.condition(%reduce_or3A_352) %while3A_324, %while3A_325, %while3A_326, %while3A_327, %while3A_328, %while3A_329, %while3A_330, %while3A_331 : vector<16xi32>, vector<16xi32>, vector<16xi32>, vector<16xi32>, vector<16xi32>, vector<16xi32>, vector<16xi32>, vector<16xi32>
          } do {
          ^bb0(%while3A_324: vector<16xi32>, %while3A_325: vector<16xi32>, %while3A_326: vector<16xi32>, %while3A_327: vector<16xi32>, %while3A_328: vector<16xi32>, %while3A_329: vector<16xi32>, %while3A_330: vector<16xi32>, %while3A_331: vector<16xi32>):
            %ne3A_332 = arith.constant 0 : i32
            %ne3A_333 = vector.broadcast %ne3A_332 : i32 to vector<16xi32>
            %ne3A_334 = arith.cmpi ne, %while3A_324, %ne3A_333 : vector<16xi32>
            tpu.vector_store_idx %arg5[%get3A_223], %max3A masked %ne3A_334 : memref<10000xf32, #tpu.memory_space<vmem>>[vector<16xi32>], vector<16xf32>, vector<16xi1>
            %gather3A_335 = tpu.vector_load_idx %arg5[%get3A_223] : memref<10000xf32, #tpu.memory_space<vmem>>[vector<16xi32>], vector<16xf32>,
            %gt3A_336 = arith.cmpf ogt, %max3A, %gather3A_335 : vector<16xf32>
            %convert_element_type3A_337 = arith.extui %gt3A_336 : vector<16xi1> to vector<16xi32>
            %ne3A_338 = arith.constant 0 : i32
            %ne3A_339 = vector.broadcast %ne3A_338 : i32 to vector<16xi32>
            %ne3A_340 = arith.cmpi ne, %while3A_325, %ne3A_339 : vector<16xi32>
            tpu.vector_store_idx %arg6[%get3A_223], %max3A_238 masked %ne3A_340 : memref<10000xf32, #tpu.memory_space<vmem>>[vector<16xi32>], vector<16xf32>, vector<16xi1>
            %gather3A_341 = tpu.vector_load_idx %arg6[%get3A_223] : memref<10000xf32, #tpu.memory_space<vmem>>[vector<16xi32>], vector<16xf32>,
            %gt3A_342 = arith.cmpf ogt, %max3A_238, %gather3A_341 : vector<16xf32>
            %convert_element_type3A_343 = arith.extui %gt3A_342 : vector<16xi1> to vector<16xi32>
            %ne3A_344 = arith.constant 0 : i32
            %ne3A_345 = vector.broadcast %ne3A_344 : i32 to vector<16xi32>
            %ne3A_346 = arith.cmpi ne, %while3A_326, %ne3A_345 : vector<16xi32>
            tpu.vector_store_idx %arg7[%get3A_223], %max3A_246 masked %ne3A_346 : memref<10000xf32, #tpu.memory_space<vmem>>[vector<16xi32>], vector<16xf32>, vector<16xi1>
            %gather3A_347 = tpu.vector_load_idx %arg7[%get3A_223] : memref<10000xf32, #tpu.memory_space<vmem>>[vector<16xi32>], vector<16xf32>,
            %gt3A_348 = arith.cmpf ogt, %max3A_246, %gather3A_347 : vector<16xf32>
            %convert_element_type3A_349 = arith.extui %gt3A_348 : vector<16xi1> to vector<16xi32>
            %ne3A_350 = arith.constant 0 : i32
            %ne3A_351 = vector.broadcast %ne3A_350 : i32 to vector<16xi32>
            %ne3A_352 = arith.cmpi ne, %while3A_327, %ne3A_351 : vector<16xi32>
            tpu.vector_store_idx %arg8[%get3A_223], %max3A_254 masked %ne3A_352 : memref<10000xf32, #tpu.memory_space<vmem>>[vector<16xi32>], vector<16xf32>, vector<16xi1>
            %gather3A_353 = tpu.vector_load_idx %arg8[%get3A_223] : memref<10000xf32, #tpu.memory_space<vmem>>[vector<16xi32>], vector<16xf32>,
            %gt3A_354 = arith.cmpf ogt, %max3A_254, %gather3A_353 : vector<16xf32>
            %convert_element_type3A_355 = arith.extui %gt3A_354 : vector<16xi1> to vector<16xi32>
            %ne3A_356 = arith.constant 0 : i32
            %ne3A_357 = vector.broadcast %ne3A_356 : i32 to vector<16xi32>
            %ne3A_358 = arith.cmpi ne, %while3A_328, %ne3A_357 : vector<16xi32>
            tpu.vector_store_idx %arg9[%get3A_223], %max3A_262 masked %ne3A_358 : memref<10000xf32, #tpu.memory_space<vmem>>[vector<16xi32>], vector<16xf32>, vector<16xi1>
            %gather3A_359 = tpu.vector_load_idx %arg9[%get3A_223] : memref<10000xf32, #tpu.memory_space<vmem>>[vector<16xi32>], vector<16xf32>,
            %gt3A_360 = arith.cmpf ogt, %max3A_262, %gather3A_359 : vector<16xf32>
            %convert_element_type3A_361 = arith.extui %gt3A_360 : vector<16xi1> to vector<16xi32>
            %ne3A_362 = arith.constant 0 : i32
            %ne3A_363 = vector.broadcast %ne3A_362 : i32 to vector<16xi32>
            %ne3A_364 = arith.cmpi ne, %while3A_329, %ne3A_363 : vector<16xi32>
            tpu.vector_store_idx %arg10[%get3A_223], %max3A_270 masked %ne3A_364 : memref<10000xf32, #tpu.memory_space<vmem>>[vector<16xi32>], vector<16xf32>, vector<16xi1>
            %gather3A_365 = tpu.vector_load_idx %arg10[%get3A_223] : memref<10000xf32, #tpu.memory_space<vmem>>[vector<16xi32>], vector<16xf32>,
            %gt3A_366 = arith.cmpf ogt, %max3A_270, %gather3A_365 : vector<16xf32>
            %convert_element_type3A_367 = arith.extui %gt3A_366 : vector<16xi1> to vector<16xi32>
            %ne3A_368 = arith.constant 0 : i32
            %ne3A_369 = vector.broadcast %ne3A_368 : i32 to vector<16xi32>
            %ne3A_370 = arith.cmpi ne, %while3A_330, %ne3A_369 : vector<16xi32>
            tpu.vector_store_idx %arg11[%get3A_223], %max3A_278 masked %ne3A_370 : memref<10000xf32, #tpu.memory_space<vmem>>[vector<16xi32>], vector<16xf32>, vector<16xi1>
            %gather3A_371 = tpu.vector_load_idx %arg11[%get3A_223] : memref<10000xf32, #tpu.memory_space<vmem>>[vector<16xi32>], vector<16xf32>,
            %gt3A_372 = arith.cmpf ogt, %max3A_278, %gather3A_371 : vector<16xf32>
            %convert_element_type3A_373 = arith.extui %gt3A_372 : vector<16xi1> to vector<16xi32>
            %ne3A_374 = arith.constant 0 : i32
            %ne3A_375 = vector.broadcast %ne3A_374 : i32 to vector<16xi32>
            %ne3A_376 = arith.cmpi ne, %while3A_331, %ne3A_375 : vector<16xi32>
            tpu.vector_store_idx %arg12[%get3A_223], %max3A_286 masked %ne3A_376 : memref<10000xf32, #tpu.memory_space<vmem>>[vector<16xi32>], vector<16xf32>, vector<16xi1>
            %gather3A_377 = tpu.vector_load_idx %arg12[%get3A_223] : memref<10000xf32, #tpu.memory_space<vmem>>[vector<16xi32>], vector<16xf32>,
            %gt3A_378 = arith.cmpf ogt, %max3A_286, %gather3A_377 : vector<16xf32>
            %convert_element_type3A_379 = arith.extui %gt3A_378 : vector<16xi1> to vector<16xi32>
            scf.yield %convert_element_type3A_337, %convert_element_type3A_343, %convert_element_type3A_349, %convert_element_type3A_355, %convert_element_type3A_361, %convert_element_type3A_367, %convert_element_type3A_373, %convert_element_type3A_379 : vector<16xi32>, vector<16xi32>, vector<16xi32>, vector<16xi32>, vector<16xi32>, vector<16xi32>, vector<16xi32>, vector<16xi32>
          }
        } else {
        }
        %scan3A_299 = arith.constant 0 : i32
        scf.yield %scan3A_299 : i32
      }
      %scan3A_217 = arith.constant 200 : i32
      %while3A_218 = arith.constant 0 : i32
      scf.yield %while3A_218 : i32
    }
    %while3A_114 = arith.constant 1 : i32
    %while3A_115 = scf.for %while3A_196 = %while3A_111 to %while3A_107 step %while3A_114 iter_args(%while3A_197 = %while3A_113) -> (i32)  : i32 {
      %mul3A_198 = arith.constant 2 : i32
      %mul3A_199 = arith.muli %while3A_196, %mul3A_198 : i32
      %add3A_200 = arith.addi %mul3A_199, %select_n3A_70 : i32
      %mul3A_201 = arith.constant 3200 : i32
      %mul3A_202 = arith.muli %add3A_200, %mul3A_201 : i32
      %mul3A_203 = arith.constant 32 : i32
      %mul3A_204 = arith.muli %select_n3A, %mul3A_203 : i32
      %add3A_205 = arith.addi %mul3A_204, %mul3A_72 : i32
      %dma_start3A = tpu.memref_slice %arg2[%add3A_205, %mul3A_202] : memref<128x80000xf32, #tpu.memory_space<hbm>> -> memref<8x3200xf32, #tpu.memory_space<hbm>>
      %dma_start3A_206 = tpu.memref_slice %arg2[%add3A_205, %mul3A_202] : memref<128x80000xf32, #tpu.memory_space<hbm>> -> memref<8x3200xf32, #tpu.memory_space<hbm>>
      tpu.enqueue_dma source(%dma_start3A_206 : memref<8x3200xf32, #tpu.memory_space<hbm>>) target(%arg13 : memref<8x3200xf32, #tpu.memory_space<vmem>>) target_semaphore(%arg16 : memref<!tpu.dma_semaphore, #tpu.memory_space<semaphore_mem>>)
      %mul3A_207 = arith.constant 80000 : i32
      %mul3A_208 = arith.muli %select_n3A, %mul3A_207 : i32
      %add3A_209 = arith.addi %mul3A_208, %mul3A_202 : i32
      "tpu.region"() ({
        %run_scoped3A = tpu.sem_alloc : memref<!tpu.dma_semaphore, #tpu.memory_space<semaphore_mem>>
        %dma_start3A_219 = tpu.memref_slice %arg3[%add3A_209] : memref<320000xi32, #tpu.memory_space<hbm>> -> memref<3200xi32, #tpu.memory_space<hbm>>
        %dma_start3A_220 = tpu.memref_slice %arg3[%add3A_209] : memref<320000xi32, #tpu.memory_space<hbm>> -> memref<3200xi32, #tpu.memory_space<hbm>>
        tpu.enqueue_dma source(%dma_start3A_220 : memref<3200xi32, #tpu.memory_space<hbm>>) target(%arg14 : memref<3200xi32, #tpu.memory_space<vmem>>) target_semaphore(%run_scoped3A : memref<!tpu.dma_semaphore, #tpu.memory_space<semaphore_mem>>)
        %dma_wait3A_221 = tpu.memref_slice %arg3[%add3A_209] : memref<320000xi32, #tpu.memory_space<hbm>> -> memref<3200xi32, #tpu.memory_space<hbm>>
        %dma_wait3A_222 = tpu.memref_slice %arg3[%add3A_209] : memref<320000xi32, #tpu.memory_space<hbm>> -> memref<3200xi32, #tpu.memory_space<hbm>>
        tpu.wait_dma2 semaphore(%run_scoped3A : memref<!tpu.dma_semaphore, #tpu.memory_space<semaphore_mem>>) src(%dma_wait3A_222 : memref<3200xi32, #tpu.memory_space<hbm>>) dst(%arg14 : memref<3200xi32, #tpu.memory_space<vmem>>)
        tpu.yield
      }) : () -> ()
      %dma_wait3A = tpu.memref_slice %arg2[%add3A_205, %mul3A_202] : memref<128x80000xf32, #tpu.memory_space<hbm>> -> memref<8x3200xf32, #tpu.memory_space<hbm>>
      %dma_wait3A_210 = tpu.memref_slice %arg2[%add3A_205, %mul3A_202] : memref<128x80000xf32, #tpu.memory_space<hbm>> -> memref<8x3200xf32, #tpu.memory_space<hbm>>
      tpu.wait_dma2 semaphore(%arg16 : memref<!tpu.dma_semaphore, #tpu.memory_space<semaphore_mem>>) src(%dma_wait3A_210 : memref<8x3200xf32, #tpu.memory_space<hbm>>) dst(%arg13 : memref<8x3200xf32, #tpu.memory_space<vmem>>)
      %scan3A_211 = arith.constant 0 : i32
      %scan3A_212 = arith.constant 0 : i32
      %scan3A_213 = arith.constant 200 : i32
      %scan3A_214 = arith.addi %scan3A_212, %scan3A_213 : i32
      %scan3A_215 = arith.constant 1 : i32
      %scan3A_216 = scf.for %scan3A_219 = %scan3A_212 to %scan3A_214 step %scan3A_215 iter_args(%scan3A_220 = %scan3A_211) -> (i32)  : i32 {
        %mul3A_221 = arith.constant 16 : i32
        %mul3A_222 = arith.muli %scan3A_219, %mul3A_221 : i32
        %get3A = arith.index_cast %mul3A_222 : i32 to index
        %get3A_223 = tpu.vector_load %arg14[%get3A] {strides = array<i32>} : memref<3200xi32, #tpu.memory_space<vmem>>, vector<16xi32>,
        tpu.vector_store_idx %arg15[%get3A_223], %iota3A : memref<10000xi32, #tpu.memory_space<vmem>>[vector<16xi32>], vector<16xi32>,
        %gather3A = tpu.vector_load_idx %arg15[%get3A_223] : memref<10000xi32, #tpu.memory_space<vmem>>[vector<16xi32>], vector<16xi32>,
        %mul3A_224 = arith.constant 16 : i32
        %mul3A_225 = arith.muli %scan3A_219, %mul3A_224 : i32
        %get3A_226 = arith.constant 0 : i32
        %get3A_227 = arith.index_cast %get3A_226 : i32 to index
        %get3A_228 = arith.index_cast %mul3A_225 : i32 to index
        %get3A_229 = tpu.vector_load %arg13[%get3A_227, %get3A_228] {strides = array<i32>} : memref<8x3200xf32, #tpu.memory_space<vmem>>, vector<16xf32>,
        %gather3A_230 = tpu.vector_load_idx %arg5[%get3A_223] : memref<10000xf32, #tpu.memory_space<vmem>>[vector<16xi32>], vector<16xf32>,
        %max3A = arith.maximumf %gather3A_230, %get3A_229 : vector<16xf32>
        tpu.vector_store_idx %arg5[%get3A_223], %max3A : memref<10000xf32, #tpu.memory_space<vmem>>[vector<16xi32>], vector<16xf32>,
        %mul3A_231 = arith.constant 16 : i32
        %mul3A_232 = arith.muli %scan3A_219, %mul3A_231 : i32
        %get3A_233 = arith.constant 1 : i32
        %get3A_234 = arith.index_cast %get3A_233 : i32 to index
        %get3A_235 = arith.index_cast %mul3A_232 : i32 to index
        %get3A_236 = tpu.vector_load %arg13[%get3A_234, %get3A_235] {strides = array<i32>} : memref<8x3200xf32, #tpu.memory_space<vmem>>, vector<16xf32>,
        %gather3A_237 = tpu.vector_load_idx %arg6[%get3A_223] : memref<10000xf32, #tpu.memory_space<vmem>>[vector<16xi32>], vector<16xf32>,
        %max3A_238 = arith.maximumf %gather3A_237, %get3A_236 : vector<16xf32>
        tpu.vector_store_idx %arg6[%get3A_223], %max3A_238 : memref<10000xf32, #tpu.memory_space<vmem>>[vector<16xi32>], vector<16xf32>,
        %mul3A_239 = arith.constant 16 : i32
        %mul3A_240 = arith.muli %scan3A_219, %mul3A_239 : i32
        %get3A_241 = arith.constant 2 : i32
        %get3A_242 = arith.index_cast %get3A_241 : i32 to index
        %get3A_243 = arith.index_cast %mul3A_240 : i32 to index
        %get3A_244 = tpu.vector_load %arg13[%get3A_242, %get3A_243] {strides = array<i32>} : memref<8x3200xf32, #tpu.memory_space<vmem>>, vector<16xf32>,
        %gather3A_245 = tpu.vector_load_idx %arg7[%get3A_223] : memref<10000xf32, #tpu.memory_space<vmem>>[vector<16xi32>], vector<16xf32>,
        %max3A_246 = arith.maximumf %gather3A_245, %get3A_244 : vector<16xf32>
        tpu.vector_store_idx %arg7[%get3A_223], %max3A_246 : memref<10000xf32, #tpu.memory_space<vmem>>[vector<16xi32>], vector<16xf32>,
        %mul3A_247 = arith.constant 16 : i32
        %mul3A_248 = arith.muli %scan3A_219, %mul3A_247 : i32
        %get3A_249 = arith.constant 3 : i32
        %get3A_250 = arith.index_cast %get3A_249 : i32 to index
        %get3A_251 = arith.index_cast %mul3A_248 : i32 to index
        %get3A_252 = tpu.vector_load %arg13[%get3A_250, %get3A_251] {strides = array<i32>} : memref<8x3200xf32, #tpu.memory_space<vmem>>, vector<16xf32>,
        %gather3A_253 = tpu.vector_load_idx %arg8[%get3A_223] : memref<10000xf32, #tpu.memory_space<vmem>>[vector<16xi32>], vector<16xf32>,
        %max3A_254 = arith.maximumf %gather3A_253, %get3A_252 : vector<16xf32>
        tpu.vector_store_idx %arg8[%get3A_223], %max3A_254 : memref<10000xf32, #tpu.memory_space<vmem>>[vector<16xi32>], vector<16xf32>,
        %mul3A_255 = arith.constant 16 : i32
        %mul3A_256 = arith.muli %scan3A_219, %mul3A_255 : i32
        %get3A_257 = arith.constant 4 : i32
        %get3A_258 = arith.index_cast %get3A_257 : i32 to index
        %get3A_259 = arith.index_cast %mul3A_256 : i32 to index
        %get3A_260 = tpu.vector_load %arg13[%get3A_258, %get3A_259] {strides = array<i32>} : memref<8x3200xf32, #tpu.memory_space<vmem>>, vector<16xf32>,
        %gather3A_261 = tpu.vector_load_idx %arg9[%get3A_223] : memref<10000xf32, #tpu.memory_space<vmem>>[vector<16xi32>], vector<16xf32>,
        %max3A_262 = arith.maximumf %gather3A_261, %get3A_260 : vector<16xf32>
        tpu.vector_store_idx %arg9[%get3A_223], %max3A_262 : memref<10000xf32, #tpu.memory_space<vmem>>[vector<16xi32>], vector<16xf32>,
        %mul3A_263 = arith.constant 16 : i32
        %mul3A_264 = arith.muli %scan3A_219, %mul3A_263 : i32
        %get3A_265 = arith.constant 5 : i32
        %get3A_266 = arith.index_cast %get3A_265 : i32 to index
        %get3A_267 = arith.index_cast %mul3A_264 : i32 to index
        %get3A_268 = tpu.vector_load %arg13[%get3A_266, %get3A_267] {strides = array<i32>} : memref<8x3200xf32, #tpu.memory_space<vmem>>, vector<16xf32>,
        %gather3A_269 = tpu.vector_load_idx %arg10[%get3A_223] : memref<10000xf32, #tpu.memory_space<vmem>>[vector<16xi32>], vector<16xf32>,
        %max3A_270 = arith.maximumf %gather3A_269, %get3A_268 : vector<16xf32>
        tpu.vector_store_idx %arg10[%get3A_223], %max3A_270 : memref<10000xf32, #tpu.memory_space<vmem>>[vector<16xi32>], vector<16xf32>,
        %mul3A_271 = arith.constant 16 : i32
        %mul3A_272 = arith.muli %scan3A_219, %mul3A_271 : i32
        %get3A_273 = arith.constant 6 : i32
        %get3A_274 = arith.index_cast %get3A_273 : i32 to index
        %get3A_275 = arith.index_cast %mul3A_272 : i32 to index
        %get3A_276 = tpu.vector_load %arg13[%get3A_274, %get3A_275] {strides = array<i32>} : memref<8x3200xf32, #tpu.memory_space<vmem>>, vector<16xf32>,
        %gather3A_277 = tpu.vector_load_idx %arg11[%get3A_223] : memref<10000xf32, #tpu.memory_space<vmem>>[vector<16xi32>], vector<16xf32>,
        %max3A_278 = arith.maximumf %gather3A_277, %get3A_276 : vector<16xf32>
        tpu.vector_store_idx %arg11[%get3A_223], %max3A_278 : memref<10000xf32, #tpu.memory_space<vmem>>[vector<16xi32>], vector<16xf32>,
        %mul3A_279 = arith.constant 16 : i32
        %mul3A_280 = arith.muli %scan3A_219, %mul3A_279 : i32
        %get3A_281 = arith.constant 7 : i32
        %get3A_282 = arith.index_cast %get3A_281 : i32 to index
        %get3A_283 = arith.index_cast %mul3A_280 : i32 to index
        %get3A_284 = tpu.vector_load %arg13[%get3A_282, %get3A_283] {strides = array<i32>} : memref<8x3200xf32, #tpu.memory_space<vmem>>, vector<16xf32>,
        %gather3A_285 = tpu.vector_load_idx %arg12[%get3A_223] : memref<10000xf32, #tpu.memory_space<vmem>>[vector<16xi32>], vector<16xf32>,
        %max3A_286 = arith.maximumf %gather3A_285, %get3A_284 : vector<16xf32>
        tpu.vector_store_idx %arg12[%get3A_223], %max3A_286 : memref<10000xf32, #tpu.memory_space<vmem>>[vector<16xi32>], vector<16xf32>,
        %ne3A_287 = arith.cmpi ne, %gather3A, %iota3A : vector<16xi32>
        %reduce_or3A = arith.constant 1.000000e+00 : f32
        %reduce_or3A_288 = arith.constant 0.000000e+00 : f32
        %reduce_or3A_289 = vector.broadcast %reduce_or3A : f32 to vector<16xf32>
        %reduce_or3A_290 = vector.broadcast %reduce_or3A_288 : f32 to vector<16xf32>
        %reduce_or3A_291 = arith.select %ne3A_287, %reduce_or3A_289, %reduce_or3A_290 : vector<16xi1>, vector<16xf32>
        %reduce_or3A_292 = arith.constant true
        %reduce_or3A_293 = vector.broadcast %reduce_or3A_292 : i1 to vector<16xi1>
        %reduce_or3A_294 = tpu.scan <max>, %reduce_or3A_291 masked %reduce_or3A_293 : vector<16xf32>, vector<16xi1> -> vector<16xf32>
        %reduce_or3A_295 = vector.extract %reduce_or3A_294[15] : f32 from vector<16xf32>
        %reduce_or3A_296 = arith.constant 0.000000e+00 : f32
        %reduce_or3A_297 = arith.cmpf ogt, %reduce_or3A_295, %reduce_or3A_296 : f32
        %convert_element_type3A = arith.extui %reduce_or3A_297 : i1 to i32
        %cond3A = arith.constant 0 : i32
        %cond3A_298 = arith.cmpi ne, %convert_element_type3A, %cond3A : i32
        scf.if %cond3A_298 {
          %gather3A_300 = tpu.vector_load_idx %arg5[%get3A_223] : memref<10000xf32, #tpu.memory_space<vmem>>[vector<16xi32>], vector<16xf32>,
          %gt3A = arith.cmpf ogt, %max3A, %gather3A_300 : vector<16xf32>
          %convert_element_type3A_301 = arith.extui %gt3A : vector<16xi1> to vector<16xi32>
          %gather3A_302 = tpu.vector_load_idx %arg6[%get3A_223] : memref<10000xf32, #tpu.memory_space<vmem>>[vector<16xi32>], vector<16xf32>,
          %gt3A_303 = arith.cmpf ogt, %max3A_238, %gather3A_302 : vector<16xf32>
          %convert_element_type3A_304 = arith.extui %gt3A_303 : vector<16xi1> to vector<16xi32>
          %gather3A_305 = tpu.vector_load_idx %arg7[%get3A_223] : memref<10000xf32, #tpu.memory_space<vmem>>[vector<16xi32>], vector<16xf32>,
          %gt3A_306 = arith.cmpf ogt, %max3A_246, %gather3A_305 : vector<16xf32>
          %convert_element_type3A_307 = arith.extui %gt3A_306 : vector<16xi1> to vector<16xi32>
          %gather3A_308 = tpu.vector_load_idx %arg8[%get3A_223] : memref<10000xf32, #tpu.memory_space<vmem>>[vector<16xi32>], vector<16xf32>,
          %gt3A_309 = arith.cmpf ogt, %max3A_254, %gather3A_308 : vector<16xf32>
          %convert_element_type3A_310 = arith.extui %gt3A_309 : vector<16xi1> to vector<16xi32>
          %gather3A_311 = tpu.vector_load_idx %arg9[%get3A_223] : memref<10000xf32, #tpu.memory_space<vmem>>[vector<16xi32>], vector<16xf32>,
          %gt3A_312 = arith.cmpf ogt, %max3A_262, %gather3A_311 : vector<16xf32>
          %convert_element_type3A_313 = arith.extui %gt3A_312 : vector<16xi1> to vector<16xi32>
          %gather3A_314 = tpu.vector_load_idx %arg10[%get3A_223] : memref<10000xf32, #tpu.memory_space<vmem>>[vector<16xi32>], vector<16xf32>,
          %gt3A_315 = arith.cmpf ogt, %max3A_270, %gather3A_314 : vector<16xf32>
          %convert_element_type3A_316 = arith.extui %gt3A_315 : vector<16xi1> to vector<16xi32>
          %gather3A_317 = tpu.vector_load_idx %arg11[%get3A_223] : memref<10000xf32, #tpu.memory_space<vmem>>[vector<16xi32>], vector<16xf32>,
          %gt3A_318 = arith.cmpf ogt, %max3A_278, %gather3A_317 : vector<16xf32>
          %convert_element_type3A_319 = arith.extui %gt3A_318 : vector<16xi1> to vector<16xi32>
          %gather3A_320 = tpu.vector_load_idx %arg12[%get3A_223] : memref<10000xf32, #tpu.memory_space<vmem>>[vector<16xi32>], vector<16xf32>,
          %gt3A_321 = arith.cmpf ogt, %max3A_286, %gather3A_320 : vector<16xf32>
          %convert_element_type3A_322 = arith.extui %gt3A_321 : vector<16xi1> to vector<16xi32>
          %while3A_323:8 = scf.while (%while3A_324 = %convert_element_type3A_301, %while3A_325 = %convert_element_type3A_304, %while3A_326 = %convert_element_type3A_307, %while3A_327 = %convert_element_type3A_310, %while3A_328 = %convert_element_type3A_313, %while3A_329 = %convert_element_type3A_316, %while3A_330 = %convert_element_type3A_319, %while3A_331 = %convert_element_type3A_322) : (vector<16xi32>, vector<16xi32>, vector<16xi32>, vector<16xi32>, vector<16xi32>, vector<16xi32>, vector<16xi32>, vector<16xi32>) -> (vector<16xi32>, vector<16xi32>, vector<16xi32>, vector<16xi32>, vector<16xi32>, vector<16xi32>, vector<16xi32>, vector<16xi32>) {
            %add3A_332 = arith.addi %while3A_324, %while3A_325 : vector<16xi32>
            %add3A_333 = arith.addi %add3A_332, %while3A_326 : vector<16xi32>
            %add3A_334 = arith.addi %add3A_333, %while3A_327 : vector<16xi32>
            %add3A_335 = arith.addi %add3A_334, %while3A_328 : vector<16xi32>
            %add3A_336 = arith.addi %add3A_335, %while3A_329 : vector<16xi32>
            %add3A_337 = arith.addi %add3A_336, %while3A_330 : vector<16xi32>
            %add3A_338 = arith.addi %add3A_337, %while3A_331 : vector<16xi32>
            %ne3A_339 = arith.constant 0 : i32
            %ne3A_340 = vector.broadcast %ne3A_339 : i32 to vector<16xi32>
            %ne3A_341 = arith.cmpi ne, %add3A_338, %ne3A_340 : vector<16xi32>
            %reduce_or3A_342 = arith.constant 1.000000e+00 : f32
            %reduce_or3A_343 = arith.constant 0.000000e+00 : f32
            %reduce_or3A_344 = vector.broadcast %reduce_or3A_342 : f32 to vector<16xf32>
            %reduce_or3A_345 = vector.broadcast %reduce_or3A_343 : f32 to vector<16xf32>
            %reduce_or3A_346 = arith.select %ne3A_341, %reduce_or3A_344, %reduce_or3A_345 : vector<16xi1>, vector<16xf32>
            %reduce_or3A_347 = arith.constant true
            %reduce_or3A_348 = vector.broadcast %reduce_or3A_347 : i1 to vector<16xi1>
            %reduce_or3A_349 = tpu.scan <max>, %reduce_or3A_346 masked %reduce_or3A_348 : vector<16xf32>, vector<16xi1> -> vector<16xf32>
            %reduce_or3A_350 = vector.extract %reduce_or3A_349[15] : f32 from vector<16xf32>
            %reduce_or3A_351 = arith.constant 0.000000e+00 : f32
            %reduce_or3A_352 = arith.cmpf ogt, %reduce_or3A_350, %reduce_or3A_351 : f32
            scf.condition(%reduce_or3A_352) %while3A_324, %while3A_325, %while3A_326, %while3A_327, %while3A_328, %while3A_329, %while3A_330, %while3A_331 : vector<16xi32>, vector<16xi32>, vector<16xi32>, vector<16xi32>, vector<16xi32>, vector<16xi32>, vector<16xi32>, vector<16xi32>
          } do {
          ^bb0(%while3A_324: vector<16xi32>, %while3A_325: vector<16xi32>, %while3A_326: vector<16xi32>, %while3A_327: vector<16xi32>, %while3A_328: vector<16xi32>, %while3A_329: vector<16xi32>, %while3A_330: vector<16xi32>, %while3A_331: vector<16xi32>):
            %ne3A_332 = arith.constant 0 : i32
            %ne3A_333 = vector.broadcast %ne3A_332 : i32 to vector<16xi32>
            %ne3A_334 = arith.cmpi ne, %while3A_324, %ne3A_333 : vector<16xi32>
            tpu.vector_store_idx %arg5[%get3A_223], %max3A masked %ne3A_334 : memref<10000xf32, #tpu.memory_space<vmem>>[vector<16xi32>], vector<16xf32>, vector<16xi1>
            %gather3A_335 = tpu.vector_load_idx %arg5[%get3A_223] : memref<10000xf32, #tpu.memory_space<vmem>>[vector<16xi32>], vector<16xf32>,
            %gt3A_336 = arith.cmpf ogt, %max3A, %gather3A_335 : vector<16xf32>
            %convert_element_type3A_337 = arith.extui %gt3A_336 : vector<16xi1> to vector<16xi32>
            %ne3A_338 = arith.constant 0 : i32
            %ne3A_339 = vector.broadcast %ne3A_338 : i32 to vector<16xi32>
            %ne3A_340 = arith.cmpi ne, %while3A_325, %ne3A_339 : vector<16xi32>
            tpu.vector_store_idx %arg6[%get3A_223], %max3A_238 masked %ne3A_340 : memref<10000xf32, #tpu.memory_space<vmem>>[vector<16xi32>], vector<16xf32>, vector<16xi1>
            %gather3A_341 = tpu.vector_load_idx %arg6[%get3A_223] : memref<10000xf32, #tpu.memory_space<vmem>>[vector<16xi32>], vector<16xf32>,
            %gt3A_342 = arith.cmpf ogt, %max3A_238, %gather3A_341 : vector<16xf32>
            %convert_element_type3A_343 = arith.extui %gt3A_342 : vector<16xi1> to vector<16xi32>
            %ne3A_344 = arith.constant 0 : i32
            %ne3A_345 = vector.broadcast %ne3A_344 : i32 to vector<16xi32>
            %ne3A_346 = arith.cmpi ne, %while3A_326, %ne3A_345 : vector<16xi32>
            tpu.vector_store_idx %arg7[%get3A_223], %max3A_246 masked %ne3A_346 : memref<10000xf32, #tpu.memory_space<vmem>>[vector<16xi32>], vector<16xf32>, vector<16xi1>
            %gather3A_347 = tpu.vector_load_idx %arg7[%get3A_223] : memref<10000xf32, #tpu.memory_space<vmem>>[vector<16xi32>], vector<16xf32>,
            %gt3A_348 = arith.cmpf ogt, %max3A_246, %gather3A_347 : vector<16xf32>
            %convert_element_type3A_349 = arith.extui %gt3A_348 : vector<16xi1> to vector<16xi32>
            %ne3A_350 = arith.constant 0 : i32
            %ne3A_351 = vector.broadcast %ne3A_350 : i32 to vector<16xi32>
            %ne3A_352 = arith.cmpi ne, %while3A_327, %ne3A_351 : vector<16xi32>
            tpu.vector_store_idx %arg8[%get3A_223], %max3A_254 masked %ne3A_352 : memref<10000xf32, #tpu.memory_space<vmem>>[vector<16xi32>], vector<16xf32>, vector<16xi1>
            %gather3A_353 = tpu.vector_load_idx %arg8[%get3A_223] : memref<10000xf32, #tpu.memory_space<vmem>>[vector<16xi32>], vector<16xf32>,
            %gt3A_354 = arith.cmpf ogt, %max3A_254, %gather3A_353 : vector<16xf32>
            %convert_element_type3A_355 = arith.extui %gt3A_354 : vector<16xi1> to vector<16xi32>
            %ne3A_356 = arith.constant 0 : i32
            %ne3A_357 = vector.broadcast %ne3A_356 : i32 to vector<16xi32>
            %ne3A_358 = arith.cmpi ne, %while3A_328, %ne3A_357 : vector<16xi32>
            tpu.vector_store_idx %arg9[%get3A_223], %max3A_262 masked %ne3A_358 : memref<10000xf32, #tpu.memory_space<vmem>>[vector<16xi32>], vector<16xf32>, vector<16xi1>
            %gather3A_359 = tpu.vector_load_idx %arg9[%get3A_223] : memref<10000xf32, #tpu.memory_space<vmem>>[vector<16xi32>], vector<16xf32>,
            %gt3A_360 = arith.cmpf ogt, %max3A_262, %gather3A_359 : vector<16xf32>
            %convert_element_type3A_361 = arith.extui %gt3A_360 : vector<16xi1> to vector<16xi32>
            %ne3A_362 = arith.constant 0 : i32
            %ne3A_363 = vector.broadcast %ne3A_362 : i32 to vector<16xi32>
            %ne3A_364 = arith.cmpi ne, %while3A_329, %ne3A_363 : vector<16xi32>
            tpu.vector_store_idx %arg10[%get3A_223], %max3A_270 masked %ne3A_364 : memref<10000xf32, #tpu.memory_space<vmem>>[vector<16xi32>], vector<16xf32>, vector<16xi1>
            %gather3A_365 = tpu.vector_load_idx %arg10[%get3A_223] : memref<10000xf32, #tpu.memory_space<vmem>>[vector<16xi32>], vector<16xf32>,
            %gt3A_366 = arith.cmpf ogt, %max3A_270, %gather3A_365 : vector<16xf32>
            %convert_element_type3A_367 = arith.extui %gt3A_366 : vector<16xi1> to vector<16xi32>
            %ne3A_368 = arith.constant 0 : i32
            %ne3A_369 = vector.broadcast %ne3A_368 : i32 to vector<16xi32>
            %ne3A_370 = arith.cmpi ne, %while3A_330, %ne3A_369 : vector<16xi32>
            tpu.vector_store_idx %arg11[%get3A_223], %max3A_278 masked %ne3A_370 : memref<10000xf32, #tpu.memory_space<vmem>>[vector<16xi32>], vector<16xf32>, vector<16xi1>
            %gather3A_371 = tpu.vector_load_idx %arg11[%get3A_223] : memref<10000xf32, #tpu.memory_space<vmem>>[vector<16xi32>], vector<16xf32>,
            %gt3A_372 = arith.cmpf ogt, %max3A_278, %gather3A_371 : vector<16xf32>
            %convert_element_type3A_373 = arith.extui %gt3A_372 : vector<16xi1> to vector<16xi32>
            %ne3A_374 = arith.constant 0 : i32
            %ne3A_375 = vector.broadcast %ne3A_374 : i32 to vector<16xi32>
            %ne3A_376 = arith.cmpi ne, %while3A_331, %ne3A_375 : vector<16xi32>
            tpu.vector_store_idx %arg12[%get3A_223], %max3A_286 masked %ne3A_376 : memref<10000xf32, #tpu.memory_space<vmem>>[vector<16xi32>], vector<16xf32>, vector<16xi1>
            %gather3A_377 = tpu.vector_load_idx %arg12[%get3A_223] : memref<10000xf32, #tpu.memory_space<vmem>>[vector<16xi32>], vector<16xf32>,
            %gt3A_378 = arith.cmpf ogt, %max3A_286, %gather3A_377 : vector<16xf32>
            %convert_element_type3A_379 = arith.extui %gt3A_378 : vector<16xi1> to vector<16xi32>
            scf.yield %convert_element_type3A_337, %convert_element_type3A_343, %convert_element_type3A_349, %convert_element_type3A_355, %convert_element_type3A_361, %convert_element_type3A_367, %convert_element_type3A_373, %convert_element_type3A_379 : vector<16xi32>, vector<16xi32>, vector<16xi32>, vector<16xi32>, vector<16xi32>, vector<16xi32>, vector<16xi32>, vector<16xi32>
          }
        } else {
        }
        %scan3A_299 = arith.constant 0 : i32
        scf.yield %scan3A_299 : i32
      }
      %scan3A_217 = arith.constant 200 : i32
      %while3A_218 = arith.constant 0 : i32
      scf.yield %while3A_218 : i32
    }
    %mul3A_116 = arith.constant 2 : i32
    %mul3A_117 = arith.muli %select_n3A, %mul3A_116 : i32
    %add3A_118 = arith.addi %mul3A_117, %select_n3A_70 : i32
    %mul3A_119 = arith.constant 32 : i32
    %mul3A_120 = arith.muli %add3A_118, %mul3A_119 : i32
    %add3A_121 = arith.addi %mul3A_120, %mul3A_72 : i32
    %add3A_122 = arith.constant 0 : i32
    %add3A_123 = arith.addi %add3A_121, %add3A_122 : i32
    %mul3A_124 = arith.constant 10000 : i32
    %mul3A_125 = arith.muli %add3A_123, %mul3A_124 : i32
    "tpu.region"() ({
      %run_scoped3A = tpu.sem_alloc : memref<!tpu.dma_semaphore, #tpu.memory_space<semaphore_mem>>
      %dma_start3A = tpu.memref_slice %arg4[%mul3A_125] : memref<2560000xf32, #tpu.memory_space<hbm>> -> memref<10000xf32, #tpu.memory_space<hbm>>
      %dma_start3A_196 = tpu.memref_slice %arg4[%mul3A_125] : memref<2560000xf32, #tpu.memory_space<hbm>> -> memref<10000xf32, #tpu.memory_space<hbm>>
      tpu.enqueue_dma source(%arg5 : memref<10000xf32, #tpu.memory_space<vmem>>) target(%dma_start3A_196 : memref<10000xf32, #tpu.memory_space<hbm>>) target_semaphore(%run_scoped3A : memref<!tpu.dma_semaphore, #tpu.memory_space<semaphore_mem>>)
      %dma_wait3A = tpu.memref_slice %arg4[%mul3A_125] : memref<2560000xf32, #tpu.memory_space<hbm>> -> memref<10000xf32, #tpu.memory_space<hbm>>
      %dma_wait3A_197 = tpu.memref_slice %arg4[%mul3A_125] : memref<2560000xf32, #tpu.memory_space<hbm>> -> memref<10000xf32, #tpu.memory_space<hbm>>
      tpu.wait_dma2 semaphore(%run_scoped3A : memref<!tpu.dma_semaphore, #tpu.memory_space<semaphore_mem>>) src(%arg5 : memref<10000xf32, #tpu.memory_space<vmem>>) dst(%dma_wait3A_197 : memref<10000xf32, #tpu.memory_space<hbm>>)
      tpu.yield
    }) : () -> ()
    %mul3A_126 = arith.constant 2 : i32
    %mul3A_127 = arith.muli %select_n3A, %mul3A_126 : i32
    %add3A_128 = arith.addi %mul3A_127, %select_n3A_70 : i32
    %mul3A_129 = arith.constant 32 : i32
    %mul3A_130 = arith.muli %add3A_128, %mul3A_129 : i32
    %add3A_131 = arith.addi %mul3A_130, %mul3A_72 : i32
    %add3A_132 = arith.constant 1 : i32
    %add3A_133 = arith.addi %add3A_131, %add3A_132 : i32
    %mul3A_134 = arith.constant 10000 : i32
    %mul3A_135 = arith.muli %add3A_133, %mul3A_134 : i32
    "tpu.region"() ({
      %run_scoped3A = tpu.sem_alloc : memref<!tpu.dma_semaphore, #tpu.memory_space<semaphore_mem>>
      %dma_start3A = tpu.memref_slice %arg4[%mul3A_135] : memref<2560000xf32, #tpu.memory_space<hbm>> -> memref<10000xf32, #tpu.memory_space<hbm>>
      %dma_start3A_196 = tpu.memref_slice %arg4[%mul3A_135] : memref<2560000xf32, #tpu.memory_space<hbm>> -> memref<10000xf32, #tpu.memory_space<hbm>>
      tpu.enqueue_dma source(%arg6 : memref<10000xf32, #tpu.memory_space<vmem>>) target(%dma_start3A_196 : memref<10000xf32, #tpu.memory_space<hbm>>) target_semaphore(%run_scoped3A : memref<!tpu.dma_semaphore, #tpu.memory_space<semaphore_mem>>)
      %dma_wait3A = tpu.memref_slice %arg4[%mul3A_135] : memref<2560000xf32, #tpu.memory_space<hbm>> -> memref<10000xf32, #tpu.memory_space<hbm>>
      %dma_wait3A_197 = tpu.memref_slice %arg4[%mul3A_135] : memref<2560000xf32, #tpu.memory_space<hbm>> -> memref<10000xf32, #tpu.memory_space<hbm>>
      tpu.wait_dma2 semaphore(%run_scoped3A : memref<!tpu.dma_semaphore, #tpu.memory_space<semaphore_mem>>) src(%arg6 : memref<10000xf32, #tpu.memory_space<vmem>>) dst(%dma_wait3A_197 : memref<10000xf32, #tpu.memory_space<hbm>>)
      tpu.yield
    }) : () -> ()
    %mul3A_136 = arith.constant 2 : i32
    %mul3A_137 = arith.muli %select_n3A, %mul3A_136 : i32
    %add3A_138 = arith.addi %mul3A_137, %select_n3A_70 : i32
    %mul3A_139 = arith.constant 32 : i32
    %mul3A_140 = arith.muli %add3A_138, %mul3A_139 : i32
    %add3A_141 = arith.addi %mul3A_140, %mul3A_72 : i32
    %add3A_142 = arith.constant 2 : i32
    %add3A_143 = arith.addi %add3A_141, %add3A_142 : i32
    %mul3A_144 = arith.constant 10000 : i32
    %mul3A_145 = arith.muli %add3A_143, %mul3A_144 : i32
    "tpu.region"() ({
      %run_scoped3A = tpu.sem_alloc : memref<!tpu.dma_semaphore, #tpu.memory_space<semaphore_mem>>
      %dma_start3A = tpu.memref_slice %arg4[%mul3A_145] : memref<2560000xf32, #tpu.memory_space<hbm>> -> memref<10000xf32, #tpu.memory_space<hbm>>
      %dma_start3A_196 = tpu.memref_slice %arg4[%mul3A_145] : memref<2560000xf32, #tpu.memory_space<hbm>> -> memref<10000xf32, #tpu.memory_space<hbm>>
      tpu.enqueue_dma source(%arg7 : memref<10000xf32, #tpu.memory_space<vmem>>) target(%dma_start3A_196 : memref<10000xf32, #tpu.memory_space<hbm>>) target_semaphore(%run_scoped3A : memref<!tpu.dma_semaphore, #tpu.memory_space<semaphore_mem>>)
      %dma_wait3A = tpu.memref_slice %arg4[%mul3A_145] : memref<2560000xf32, #tpu.memory_space<hbm>> -> memref<10000xf32, #tpu.memory_space<hbm>>
      %dma_wait3A_197 = tpu.memref_slice %arg4[%mul3A_145] : memref<2560000xf32, #tpu.memory_space<hbm>> -> memref<10000xf32, #tpu.memory_space<hbm>>
      tpu.wait_dma2 semaphore(%run_scoped3A : memref<!tpu.dma_semaphore, #tpu.memory_space<semaphore_mem>>) src(%arg7 : memref<10000xf32, #tpu.memory_space<vmem>>) dst(%dma_wait3A_197 : memref<10000xf32, #tpu.memory_space<hbm>>)
      tpu.yield
    }) : () -> ()
    %mul3A_146 = arith.constant 2 : i32
    %mul3A_147 = arith.muli %select_n3A, %mul3A_146 : i32
    %add3A_148 = arith.addi %mul3A_147, %select_n3A_70 : i32
    %mul3A_149 = arith.constant 32 : i32
    %mul3A_150 = arith.muli %add3A_148, %mul3A_149 : i32
    %add3A_151 = arith.addi %mul3A_150, %mul3A_72 : i32
    %add3A_152 = arith.constant 3 : i32
    %add3A_153 = arith.addi %add3A_151, %add3A_152 : i32
    %mul3A_154 = arith.constant 10000 : i32
    %mul3A_155 = arith.muli %add3A_153, %mul3A_154 : i32
    "tpu.region"() ({
      %run_scoped3A = tpu.sem_alloc : memref<!tpu.dma_semaphore, #tpu.memory_space<semaphore_mem>>
      %dma_start3A = tpu.memref_slice %arg4[%mul3A_155] : memref<2560000xf32, #tpu.memory_space<hbm>> -> memref<10000xf32, #tpu.memory_space<hbm>>
      %dma_start3A_196 = tpu.memref_slice %arg4[%mul3A_155] : memref<2560000xf32, #tpu.memory_space<hbm>> -> memref<10000xf32, #tpu.memory_space<hbm>>
      tpu.enqueue_dma source(%arg8 : memref<10000xf32, #tpu.memory_space<vmem>>) target(%dma_start3A_196 : memref<10000xf32, #tpu.memory_space<hbm>>) target_semaphore(%run_scoped3A : memref<!tpu.dma_semaphore, #tpu.memory_space<semaphore_mem>>)
      %dma_wait3A = tpu.memref_slice %arg4[%mul3A_155] : memref<2560000xf32, #tpu.memory_space<hbm>> -> memref<10000xf32, #tpu.memory_space<hbm>>
      %dma_wait3A_197 = tpu.memref_slice %arg4[%mul3A_155] : memref<2560000xf32, #tpu.memory_space<hbm>> -> memref<10000xf32, #tpu.memory_space<hbm>>
      tpu.wait_dma2 semaphore(%run_scoped3A : memref<!tpu.dma_semaphore, #tpu.memory_space<semaphore_mem>>) src(%arg8 : memref<10000xf32, #tpu.memory_space<vmem>>) dst(%dma_wait3A_197 : memref<10000xf32, #tpu.memory_space<hbm>>)
      tpu.yield
    }) : () -> ()
    %mul3A_156 = arith.constant 2 : i32
    %mul3A_157 = arith.muli %select_n3A, %mul3A_156 : i32
    %add3A_158 = arith.addi %mul3A_157, %select_n3A_70 : i32
    %mul3A_159 = arith.constant 32 : i32
    %mul3A_160 = arith.muli %add3A_158, %mul3A_159 : i32
    %add3A_161 = arith.addi %mul3A_160, %mul3A_72 : i32
    %add3A_162 = arith.constant 4 : i32
    %add3A_163 = arith.addi %add3A_161, %add3A_162 : i32
    %mul3A_164 = arith.constant 10000 : i32
    %mul3A_165 = arith.muli %add3A_163, %mul3A_164 : i32
    "tpu.region"() ({
      %run_scoped3A = tpu.sem_alloc : memref<!tpu.dma_semaphore, #tpu.memory_space<semaphore_mem>>
      %dma_start3A = tpu.memref_slice %arg4[%mul3A_165] : memref<2560000xf32, #tpu.memory_space<hbm>> -> memref<10000xf32, #tpu.memory_space<hbm>>
      %dma_start3A_196 = tpu.memref_slice %arg4[%mul3A_165] : memref<2560000xf32, #tpu.memory_space<hbm>> -> memref<10000xf32, #tpu.memory_space<hbm>>
      tpu.enqueue_dma source(%arg9 : memref<10000xf32, #tpu.memory_space<vmem>>) target(%dma_start3A_196 : memref<10000xf32, #tpu.memory_space<hbm>>) target_semaphore(%run_scoped3A : memref<!tpu.dma_semaphore, #tpu.memory_space<semaphore_mem>>)
      %dma_wait3A = tpu.memref_slice %arg4[%mul3A_165] : memref<2560000xf32, #tpu.memory_space<hbm>> -> memref<10000xf32, #tpu.memory_space<hbm>>
      %dma_wait3A_197 = tpu.memref_slice %arg4[%mul3A_165] : memref<2560000xf32, #tpu.memory_space<hbm>> -> memref<10000xf32, #tpu.memory_space<hbm>>
      tpu.wait_dma2 semaphore(%run_scoped3A : memref<!tpu.dma_semaphore, #tpu.memory_space<semaphore_mem>>) src(%arg9 : memref<10000xf32, #tpu.memory_space<vmem>>) dst(%dma_wait3A_197 : memref<10000xf32, #tpu.memory_space<hbm>>)
      tpu.yield
    }) : () -> ()
    %mul3A_166 = arith.constant 2 : i32
    %mul3A_167 = arith.muli %select_n3A, %mul3A_166 : i32
    %add3A_168 = arith.addi %mul3A_167, %select_n3A_70 : i32
    %mul3A_169 = arith.constant 32 : i32
    %mul3A_170 = arith.muli %add3A_168, %mul3A_169 : i32
    %add3A_171 = arith.addi %mul3A_170, %mul3A_72 : i32
    %add3A_172 = arith.constant 5 : i32
    %add3A_173 = arith.addi %add3A_171, %add3A_172 : i32
    %mul3A_174 = arith.constant 10000 : i32
    %mul3A_175 = arith.muli %add3A_173, %mul3A_174 : i32
    "tpu.region"() ({
      %run_scoped3A = tpu.sem_alloc : memref<!tpu.dma_semaphore, #tpu.memory_space<semaphore_mem>>
      %dma_start3A = tpu.memref_slice %arg4[%mul3A_175] : memref<2560000xf32, #tpu.memory_space<hbm>> -> memref<10000xf32, #tpu.memory_space<hbm>>
      %dma_start3A_196 = tpu.memref_slice %arg4[%mul3A_175] : memref<2560000xf32, #tpu.memory_space<hbm>> -> memref<10000xf32, #tpu.memory_space<hbm>>
      tpu.enqueue_dma source(%arg10 : memref<10000xf32, #tpu.memory_space<vmem>>) target(%dma_start3A_196 : memref<10000xf32, #tpu.memory_space<hbm>>) target_semaphore(%run_scoped3A : memref<!tpu.dma_semaphore, #tpu.memory_space<semaphore_mem>>)
      %dma_wait3A = tpu.memref_slice %arg4[%mul3A_175] : memref<2560000xf32, #tpu.memory_space<hbm>> -> memref<10000xf32, #tpu.memory_space<hbm>>
      %dma_wait3A_197 = tpu.memref_slice %arg4[%mul3A_175] : memref<2560000xf32, #tpu.memory_space<hbm>> -> memref<10000xf32, #tpu.memory_space<hbm>>
      tpu.wait_dma2 semaphore(%run_scoped3A : memref<!tpu.dma_semaphore, #tpu.memory_space<semaphore_mem>>) src(%arg10 : memref<10000xf32, #tpu.memory_space<vmem>>) dst(%dma_wait3A_197 : memref<10000xf32, #tpu.memory_space<hbm>>)
      tpu.yield
    }) : () -> ()
    %mul3A_176 = arith.constant 2 : i32
    %mul3A_177 = arith.muli %select_n3A, %mul3A_176 : i32
    %add3A_178 = arith.addi %mul3A_177, %select_n3A_70 : i32
    %mul3A_179 = arith.constant 32 : i32
    %mul3A_180 = arith.muli %add3A_178, %mul3A_179 : i32
    %add3A_181 = arith.addi %mul3A_180, %mul3A_72 : i32
    %add3A_182 = arith.constant 6 : i32
    %add3A_183 = arith.addi %add3A_181, %add3A_182 : i32
    %mul3A_184 = arith.constant 10000 : i32
    %mul3A_185 = arith.muli %add3A_183, %mul3A_184 : i32
    "tpu.region"() ({
      %run_scoped3A = tpu.sem_alloc : memref<!tpu.dma_semaphore, #tpu.memory_space<semaphore_mem>>
      %dma_start3A = tpu.memref_slice %arg4[%mul3A_185] : memref<2560000xf32, #tpu.memory_space<hbm>> -> memref<10000xf32, #tpu.memory_space<hbm>>
      %dma_start3A_196 = tpu.memref_slice %arg4[%mul3A_185] : memref<2560000xf32, #tpu.memory_space<hbm>> -> memref<10000xf32, #tpu.memory_space<hbm>>
      tpu.enqueue_dma source(%arg11 : memref<10000xf32, #tpu.memory_space<vmem>>) target(%dma_start3A_196 : memref<10000xf32, #tpu.memory_space<hbm>>) target_semaphore(%run_scoped3A : memref<!tpu.dma_semaphore, #tpu.memory_space<semaphore_mem>>)
      %dma_wait3A = tpu.memref_slice %arg4[%mul3A_185] : memref<2560000xf32, #tpu.memory_space<hbm>> -> memref<10000xf32, #tpu.memory_space<hbm>>
      %dma_wait3A_197 = tpu.memref_slice %arg4[%mul3A_185] : memref<2560000xf32, #tpu.memory_space<hbm>> -> memref<10000xf32, #tpu.memory_space<hbm>>
      tpu.wait_dma2 semaphore(%run_scoped3A : memref<!tpu.dma_semaphore, #tpu.memory_space<semaphore_mem>>) src(%arg11 : memref<10000xf32, #tpu.memory_space<vmem>>) dst(%dma_wait3A_197 : memref<10000xf32, #tpu.memory_space<hbm>>)
      tpu.yield
    }) : () -> ()
    %mul3A_186 = arith.constant 2 : i32
    %mul3A_187 = arith.muli %select_n3A, %mul3A_186 : i32
    %add3A_188 = arith.addi %mul3A_187, %select_n3A_70 : i32
    %mul3A_189 = arith.constant 32 : i32
    %mul3A_190 = arith.muli %add3A_188, %mul3A_189 : i32
    %add3A_191 = arith.addi %mul3A_190, %mul3A_72 : i32
    %add3A_192 = arith.constant 7 : i32
    %add3A_193 = arith.addi %add3A_191, %add3A_192 : i32
    %mul3A_194 = arith.constant 10000 : i32
    %mul3A_195 = arith.muli %add3A_193, %mul3A_194 : i32
    "tpu.region"() ({
      %run_scoped3A = tpu.sem_alloc : memref<!tpu.dma_semaphore, #tpu.memory_space<semaphore_mem>>
      %dma_start3A = tpu.memref_slice %arg4[%mul3A_195] : memref<2560000xf32, #tpu.memory_space<hbm>> -> memref<10000xf32, #tpu.memory_space<hbm>>
      %dma_start3A_196 = tpu.memref_slice %arg4[%mul3A_195] : memref<2560000xf32, #tpu.memory_space<hbm>> -> memref<10000xf32, #tpu.memory_space<hbm>>
      tpu.enqueue_dma source(%arg12 : memref<10000xf32, #tpu.memory_space<vmem>>) target(%dma_start3A_196 : memref<10000xf32, #tpu.memory_space<hbm>>) target_semaphore(%run_scoped3A : memref<!tpu.dma_semaphore, #tpu.memory_space<semaphore_mem>>)
      %dma_wait3A = tpu.memref_slice %arg4[%mul3A_195] : memref<2560000xf32, #tpu.memory_space<hbm>> -> memref<10000xf32, #tpu.memory_space<hbm>>
      %dma_wait3A_197 = tpu.memref_slice %arg4[%mul3A_195] : memref<2560000xf32, #tpu.memory_space<hbm>> -> memref<10000xf32, #tpu.memory_space<hbm>>
      tpu.wait_dma2 semaphore(%run_scoped3A : memref<!tpu.dma_semaphore, #tpu.memory_space<semaphore_mem>>) src(%arg12 : memref<10000xf32, #tpu.memory_space<vmem>>) dst(%dma_wait3A_197 : memref<10000xf32, #tpu.memory_space<hbm>>)
      tpu.yield
    }) : () -> ()
    return
  }
}

#map = affine_map<(d0, d1) -> (0, 0)>
#map1 = affine_map<(d0, d1) -> (0)>
module attributes {stable_mosaic.version = 14 : i64} {
  func.func @_edge_gather_body(%arg0: i32, %arg1: i32, %arg2: memref<10000x32xf32, #tpu.memory_space<hbm>>, %arg3: memref<10000x32xf32, #tpu.memory_space<hbm>>, %arg4: memref<320000xi32, #tpu.memory_space<hbm>>, %arg5: memref<320000xi32, #tpu.memory_space<hbm>>, %arg6: memref<10240000xf32, #tpu.memory_space<hbm>>, %arg7: memref<10000x32xf32, #tpu.memory_space<vmem_shared>>, %arg8: memref<10000x32xf32, #tpu.memory_space<vmem_shared>>, %arg9: memref<400xi32, #tpu.memory_space<vmem>>, %arg10: memref<400xi32, #tpu.memory_space<vmem>>, %arg11: memref<400x32xf32, #tpu.memory_space<vmem>>, %arg12: memref<400x32xf32, #tpu.memory_space<vmem>>, %arg13: memref<12800xf32, #tpu.memory_space<vmem>>, %arg14: memref<400xi32, #tpu.memory_space<vmem>>, %arg15: memref<400xi32, #tpu.memory_space<vmem>>, %arg16: memref<400x32xf32, #tpu.memory_space<vmem>>, %arg17: memref<400x32xf32, #tpu.memory_space<vmem>>, %arg18: memref<12800xf32, #tpu.memory_space<vmem>>, %arg19: memref<!tpu.dma_semaphore, #tpu.memory_space<semaphore_mem>>, %arg20: memref<!tpu.dma_semaphore, #tpu.memory_space<semaphore_mem>>, %arg21: memref<!tpu.dma_semaphore, #tpu.memory_space<semaphore_mem>>, %arg22: memref<!tpu.dma_semaphore, #tpu.memory_space<semaphore_mem>>) attributes {dimension_semantics = [#tpu.dimension_semantics<core_parallel>, #tpu.dimension_semantics<subcore_parallel>], iteration_bounds = array<i64: 2, 16>, scalar_prefetch = 0 : i64, scratch_operands = 16 : i64, tpu.core_type = #tpu.core_type<sc_vector_subcore>, window_params = [{transform_indices = #map}, {transform_indices = #map}, {transform_indices = #map1}, {transform_indices = #map1}, {transform_indices = #map1}]} {
    %mul3A = arith.constant 16 : i32
    %mul3A_0 = arith.muli %arg0, %mul3A : i32
    %add3A = arith.addi %mul3A_0, %arg1 : i32
    %eq3A = arith.constant 0 : i32
    %eq3A_1 = arith.cmpi eq, %arg1, %eq3A : i32
    %convert_element_type3A = arith.extui %eq3A_1 : i1 to i32
    %cond3A = arith.constant 0 : i32
    %cond3A_2 = arith.cmpi ne, %convert_element_type3A, %cond3A : i32
    scf.if %cond3A_2 {
      "tpu.region"() ({
        %run_scoped3A = tpu.sem_alloc : memref<!tpu.dma_semaphore, #tpu.memory_space<semaphore_mem>>
        tpu.enqueue_dma source(%arg2 : memref<10000x32xf32, #tpu.memory_space<hbm>>) target(%arg7 : memref<10000x32xf32, #tpu.memory_space<vmem_shared>>) target_semaphore(%run_scoped3A : memref<!tpu.dma_semaphore, #tpu.memory_space<semaphore_mem>>)
        tpu.wait_dma2 semaphore(%run_scoped3A : memref<!tpu.dma_semaphore, #tpu.memory_space<semaphore_mem>>) src(%arg2 : memref<10000x32xf32, #tpu.memory_space<hbm>>) dst(%arg7 : memref<10000x32xf32, #tpu.memory_space<vmem_shared>>)
        tpu.yield
      }) : () -> ()
      "tpu.region"() ({
        %run_scoped3A = tpu.sem_alloc : memref<!tpu.dma_semaphore, #tpu.memory_space<semaphore_mem>>
        tpu.enqueue_dma source(%arg3 : memref<10000x32xf32, #tpu.memory_space<hbm>>) target(%arg8 : memref<10000x32xf32, #tpu.memory_space<vmem_shared>>) target_semaphore(%run_scoped3A : memref<!tpu.dma_semaphore, #tpu.memory_space<semaphore_mem>>)
        tpu.wait_dma2 semaphore(%run_scoped3A : memref<!tpu.dma_semaphore, #tpu.memory_space<semaphore_mem>>) src(%arg3 : memref<10000x32xf32, #tpu.memory_space<hbm>>) dst(%arg8 : memref<10000x32xf32, #tpu.memory_space<vmem_shared>>)
        tpu.yield
      }) : () -> ()
    } else {
    }
    %barrier3A = arith.constant 0 : index
    tpu.barrier barrier_id(%barrier3A)
    %mul3A_3 = arith.constant 25 : i32
    %mul3A_4 = arith.muli %add3A, %mul3A_3 : i32
    %mul3A_5 = arith.constant 400 : i32
    %mul3A_6 = arith.muli %mul3A_4, %mul3A_5 : i32
    %dma_start3A = tpu.memref_slice %arg4[%mul3A_6] : memref<320000xi32, #tpu.memory_space<hbm>> -> memref<400xi32, #tpu.memory_space<hbm>>
    %dma_start3A_7 = tpu.memref_slice %arg4[%mul3A_6] : memref<320000xi32, #tpu.memory_space<hbm>> -> memref<400xi32, #tpu.memory_space<hbm>>
    tpu.enqueue_dma source(%dma_start3A_7 : memref<400xi32, #tpu.memory_space<hbm>>) target(%arg9 : memref<400xi32, #tpu.memory_space<vmem>>) target_semaphore(%arg19 : memref<!tpu.dma_semaphore, #tpu.memory_space<semaphore_mem>>)
    %dma_start3A_8 = tpu.memref_slice %arg5[%mul3A_6] : memref<320000xi32, #tpu.memory_space<hbm>> -> memref<400xi32, #tpu.memory_space<hbm>>
    %dma_start3A_9 = tpu.memref_slice %arg5[%mul3A_6] : memref<320000xi32, #tpu.memory_space<hbm>> -> memref<400xi32, #tpu.memory_space<hbm>>
    tpu.enqueue_dma source(%dma_start3A_9 : memref<400xi32, #tpu.memory_space<hbm>>) target(%arg10 : memref<400xi32, #tpu.memory_space<vmem>>) target_semaphore(%arg19 : memref<!tpu.dma_semaphore, #tpu.memory_space<semaphore_mem>>)
    %dma_wait3A = tpu.memref_slice %arg4[%mul3A_6] : memref<320000xi32, #tpu.memory_space<hbm>> -> memref<400xi32, #tpu.memory_space<hbm>>
    %dma_wait3A_10 = tpu.memref_slice %arg4[%mul3A_6] : memref<320000xi32, #tpu.memory_space<hbm>> -> memref<400xi32, #tpu.memory_space<hbm>>
    tpu.wait_dma2 semaphore(%arg19 : memref<!tpu.dma_semaphore, #tpu.memory_space<semaphore_mem>>) src(%dma_wait3A_10 : memref<400xi32, #tpu.memory_space<hbm>>) dst(%arg9 : memref<400xi32, #tpu.memory_space<vmem>>)
    %dma_wait3A_11 = tpu.memref_slice %arg5[%mul3A_6] : memref<320000xi32, #tpu.memory_space<hbm>> -> memref<400xi32, #tpu.memory_space<hbm>>
    %dma_wait3A_12 = tpu.memref_slice %arg5[%mul3A_6] : memref<320000xi32, #tpu.memory_space<hbm>> -> memref<400xi32, #tpu.memory_space<hbm>>
    tpu.wait_dma2 semaphore(%arg19 : memref<!tpu.dma_semaphore, #tpu.memory_space<semaphore_mem>>) src(%dma_wait3A_12 : memref<400xi32, #tpu.memory_space<hbm>>) dst(%arg10 : memref<400xi32, #tpu.memory_space<vmem>>)
    %dma_start3A_13 = arith.constant 0 : i32
    %dma_start3A_14 = arith.constant 0 : i32
    %dma_start3A_15 = tpu.memref_slice %arg11[%dma_start3A_13, %dma_start3A_14] : memref<400x32xf32, #tpu.memory_space<vmem>> -> memref<128x32xf32, #tpu.memory_space<vmem>>
    %dma_start3A_16 = arith.constant 0 : i32
    %dma_start3A_17 = tpu.memref_slice %arg9[%dma_start3A_16] : memref<400xi32, #tpu.memory_space<vmem>> -> memref<128xi32, #tpu.memory_space<vmem>>
    %dma_start3A_18 = arith.constant 0 : i32
    %dma_start3A_19 = arith.constant 0 : i32
    %dma_start3A_20 = tpu.memref_slice %arg7[%dma_start3A_18, %dma_start3A_19] : memref<10000x32xf32, #tpu.memory_space<vmem_shared>> -> memref<10000x32xf32, #tpu.memory_space<vmem_shared>>
    tpu.enqueue_indirect_dma source(%dma_start3A_20 : memref<10000x32xf32, #tpu.memory_space<vmem_shared>>) target(%dma_start3A_15 : memref<128x32xf32, #tpu.memory_space<vmem>>) offsets(%dma_start3A_17 : memref<128xi32, #tpu.memory_space<vmem>>) semaphore(%arg20 : memref<!tpu.dma_semaphore, #tpu.memory_space<semaphore_mem>>)
    %dma_start3A_21 = arith.constant 0 : i32
    %dma_start3A_22 = arith.constant 0 : i32
    %dma_start3A_23 = tpu.memref_slice %arg12[%dma_start3A_21, %dma_start3A_22] : memref<400x32xf32, #tpu.memory_space<vmem>> -> memref<128x32xf32, #tpu.memory_space<vmem>>
    %dma_start3A_24 = arith.constant 0 : i32
    %dma_start3A_25 = tpu.memref_slice %arg10[%dma_start3A_24] : memref<400xi32, #tpu.memory_space<vmem>> -> memref<128xi32, #tpu.memory_space<vmem>>
    %dma_start3A_26 = arith.constant 0 : i32
    %dma_start3A_27 = arith.constant 0 : i32
    %dma_start3A_28 = tpu.memref_slice %arg8[%dma_start3A_26, %dma_start3A_27] : memref<10000x32xf32, #tpu.memory_space<vmem_shared>> -> memref<10000x32xf32, #tpu.memory_space<vmem_shared>>
    tpu.enqueue_indirect_dma source(%dma_start3A_28 : memref<10000x32xf32, #tpu.memory_space<vmem_shared>>) target(%dma_start3A_23 : memref<128x32xf32, #tpu.memory_space<vmem>>) offsets(%dma_start3A_25 : memref<128xi32, #tpu.memory_space<vmem>>) semaphore(%arg21 : memref<!tpu.dma_semaphore, #tpu.memory_space<semaphore_mem>>)
    %dma_start3A_29 = arith.constant 128 : i32
    %dma_start3A_30 = arith.constant 0 : i32
    %dma_start3A_31 = tpu.memref_slice %arg11[%dma_start3A_29, %dma_start3A_30] : memref<400x32xf32, #tpu.memory_space<vmem>> -> memref<128x32xf32, #tpu.memory_space<vmem>>
    %dma_start3A_32 = arith.constant 128 : i32
    %dma_start3A_33 = tpu.memref_slice %arg9[%dma_start3A_32] : memref<400xi32, #tpu.memory_space<vmem>> -> memref<128xi32, #tpu.memory_space<vmem>>
    %dma_start3A_34 = arith.constant 0 : i32
    %dma_start3A_35 = arith.constant 0 : i32
    %dma_start3A_36 = tpu.memref_slice %arg7[%dma_start3A_34, %dma_start3A_35] : memref<10000x32xf32, #tpu.memory_space<vmem_shared>> -> memref<10000x32xf32, #tpu.memory_space<vmem_shared>>
    tpu.enqueue_indirect_dma source(%dma_start3A_36 : memref<10000x32xf32, #tpu.memory_space<vmem_shared>>) target(%dma_start3A_31 : memref<128x32xf32, #tpu.memory_space<vmem>>) offsets(%dma_start3A_33 : memref<128xi32, #tpu.memory_space<vmem>>) semaphore(%arg20 : memref<!tpu.dma_semaphore, #tpu.memory_space<semaphore_mem>>)
    %dma_start3A_37 = arith.constant 128 : i32
    %dma_start3A_38 = arith.constant 0 : i32
    %dma_start3A_39 = tpu.memref_slice %arg12[%dma_start3A_37, %dma_start3A_38] : memref<400x32xf32, #tpu.memory_space<vmem>> -> memref<128x32xf32, #tpu.memory_space<vmem>>
    %dma_start3A_40 = arith.constant 128 : i32
    %dma_start3A_41 = tpu.memref_slice %arg10[%dma_start3A_40] : memref<400xi32, #tpu.memory_space<vmem>> -> memref<128xi32, #tpu.memory_space<vmem>>
    %dma_start3A_42 = arith.constant 0 : i32
    %dma_start3A_43 = arith.constant 0 : i32
    %dma_start3A_44 = tpu.memref_slice %arg8[%dma_start3A_42, %dma_start3A_43] : memref<10000x32xf32, #tpu.memory_space<vmem_shared>> -> memref<10000x32xf32, #tpu.memory_space<vmem_shared>>
    tpu.enqueue_indirect_dma source(%dma_start3A_44 : memref<10000x32xf32, #tpu.memory_space<vmem_shared>>) target(%dma_start3A_39 : memref<128x32xf32, #tpu.memory_space<vmem>>) offsets(%dma_start3A_41 : memref<128xi32, #tpu.memory_space<vmem>>) semaphore(%arg21 : memref<!tpu.dma_semaphore, #tpu.memory_space<semaphore_mem>>)
    %dma_start3A_45 = arith.constant 256 : i32
    %dma_start3A_46 = arith.constant 0 : i32
    %dma_start3A_47 = tpu.memref_slice %arg11[%dma_start3A_45, %dma_start3A_46] : memref<400x32xf32, #tpu.memory_space<vmem>> -> memref<128x32xf32, #tpu.memory_space<vmem>>
    %dma_start3A_48 = arith.constant 256 : i32
    %dma_start3A_49 = tpu.memref_slice %arg9[%dma_start3A_48] : memref<400xi32, #tpu.memory_space<vmem>> -> memref<128xi32, #tpu.memory_space<vmem>>
    %dma_start3A_50 = arith.constant 0 : i32
    %dma_start3A_51 = arith.constant 0 : i32
    %dma_start3A_52 = tpu.memref_slice %arg7[%dma_start3A_50, %dma_start3A_51] : memref<10000x32xf32, #tpu.memory_space<vmem_shared>> -> memref<10000x32xf32, #tpu.memory_space<vmem_shared>>
    tpu.enqueue_indirect_dma source(%dma_start3A_52 : memref<10000x32xf32, #tpu.memory_space<vmem_shared>>) target(%dma_start3A_47 : memref<128x32xf32, #tpu.memory_space<vmem>>) offsets(%dma_start3A_49 : memref<128xi32, #tpu.memory_space<vmem>>) semaphore(%arg20 : memref<!tpu.dma_semaphore, #tpu.memory_space<semaphore_mem>>)
    %dma_start3A_53 = arith.constant 256 : i32
    %dma_start3A_54 = arith.constant 0 : i32
    %dma_start3A_55 = tpu.memref_slice %arg12[%dma_start3A_53, %dma_start3A_54] : memref<400x32xf32, #tpu.memory_space<vmem>> -> memref<128x32xf32, #tpu.memory_space<vmem>>
    %dma_start3A_56 = arith.constant 256 : i32
    %dma_start3A_57 = tpu.memref_slice %arg10[%dma_start3A_56] : memref<400xi32, #tpu.memory_space<vmem>> -> memref<128xi32, #tpu.memory_space<vmem>>
    %dma_start3A_58 = arith.constant 0 : i32
    %dma_start3A_59 = arith.constant 0 : i32
    %dma_start3A_60 = tpu.memref_slice %arg8[%dma_start3A_58, %dma_start3A_59] : memref<10000x32xf32, #tpu.memory_space<vmem_shared>> -> memref<10000x32xf32, #tpu.memory_space<vmem_shared>>
    tpu.enqueue_indirect_dma source(%dma_start3A_60 : memref<10000x32xf32, #tpu.memory_space<vmem_shared>>) target(%dma_start3A_55 : memref<128x32xf32, #tpu.memory_space<vmem>>) offsets(%dma_start3A_57 : memref<128xi32, #tpu.memory_space<vmem>>) semaphore(%arg21 : memref<!tpu.dma_semaphore, #tpu.memory_space<semaphore_mem>>)
    %dma_start3A_61 = arith.constant 384 : i32
    %dma_start3A_62 = arith.constant 0 : i32
    %dma_start3A_63 = tpu.memref_slice %arg11[%dma_start3A_61, %dma_start3A_62] : memref<400x32xf32, #tpu.memory_space<vmem>> -> memref<16x32xf32, #tpu.memory_space<vmem>>
    %dma_start3A_64 = arith.constant 384 : i32
    %dma_start3A_65 = tpu.memref_slice %arg9[%dma_start3A_64] : memref<400xi32, #tpu.memory_space<vmem>> -> memref<16xi32, #tpu.memory_space<vmem>>
    %dma_start3A_66 = arith.constant 0 : i32
    %dma_start3A_67 = arith.constant 0 : i32
    %dma_start3A_68 = tpu.memref_slice %arg7[%dma_start3A_66, %dma_start3A_67] : memref<10000x32xf32, #tpu.memory_space<vmem_shared>> -> memref<10000x32xf32, #tpu.memory_space<vmem_shared>>
    tpu.enqueue_indirect_dma source(%dma_start3A_68 : memref<10000x32xf32, #tpu.memory_space<vmem_shared>>) target(%dma_start3A_63 : memref<16x32xf32, #tpu.memory_space<vmem>>) offsets(%dma_start3A_65 : memref<16xi32, #tpu.memory_space<vmem>>) semaphore(%arg20 : memref<!tpu.dma_semaphore, #tpu.memory_space<semaphore_mem>>)
    %dma_start3A_69 = arith.constant 384 : i32
    %dma_start3A_70 = arith.constant 0 : i32
    %dma_start3A_71 = tpu.memref_slice %arg12[%dma_start3A_69, %dma_start3A_70] : memref<400x32xf32, #tpu.memory_space<vmem>> -> memref<16x32xf32, #tpu.memory_space<vmem>>
    %dma_start3A_72 = arith.constant 384 : i32
    %dma_start3A_73 = tpu.memref_slice %arg10[%dma_start3A_72] : memref<400xi32, #tpu.memory_space<vmem>> -> memref<16xi32, #tpu.memory_space<vmem>>
    %dma_start3A_74 = arith.constant 0 : i32
    %dma_start3A_75 = arith.constant 0 : i32
    %dma_start3A_76 = tpu.memref_slice %arg8[%dma_start3A_74, %dma_start3A_75] : memref<10000x32xf32, #tpu.memory_space<vmem_shared>> -> memref<10000x32xf32, #tpu.memory_space<vmem_shared>>
    tpu.enqueue_indirect_dma source(%dma_start3A_76 : memref<10000x32xf32, #tpu.memory_space<vmem_shared>>) target(%dma_start3A_71 : memref<16x32xf32, #tpu.memory_space<vmem>>) offsets(%dma_start3A_73 : memref<16xi32, #tpu.memory_space<vmem>>) semaphore(%arg21 : memref<!tpu.dma_semaphore, #tpu.memory_space<semaphore_mem>>)
    %scan3A = arith.constant 0 : i32
    %scan3A_77 = arith.constant 0 : i32
    %scan3A_78 = arith.constant 12 : i32
    %scan3A_79 = arith.addi %scan3A_77, %scan3A_78 : i32
    %scan3A_80 = arith.constant 1 : i32
    %scan3A_81 = scf.for %scan3A_167 = %scan3A_77 to %scan3A_79 step %scan3A_80 iter_args(%scan3A_168 = %scan3A) -> (i32)  : i32 {
      %mul3A_169 = arith.constant 2 : i32
      %mul3A_170 = arith.muli %scan3A_167, %mul3A_169 : i32
      %add3A_171 = arith.addi %mul3A_4, %mul3A_170 : i32
      %add3A_172 = arith.constant 1 : i32
      %add3A_173 = arith.addi %add3A_171, %add3A_172 : i32
      %mul3A_174 = arith.constant 400 : i32
      %mul3A_175 = arith.muli %add3A_173, %mul3A_174 : i32
      %dma_start3A_176 = tpu.memref_slice %arg4[%mul3A_175] : memref<320000xi32, #tpu.memory_space<hbm>> -> memref<400xi32, #tpu.memory_space<hbm>>
      %dma_start3A_177 = tpu.memref_slice %arg4[%mul3A_175] : memref<320000xi32, #tpu.memory_space<hbm>> -> memref<400xi32, #tpu.memory_space<hbm>>
      tpu.enqueue_dma source(%dma_start3A_177 : memref<400xi32, #tpu.memory_space<hbm>>) target(%arg14 : memref<400xi32, #tpu.memory_space<vmem>>) target_semaphore(%arg19 : memref<!tpu.dma_semaphore, #tpu.memory_space<semaphore_mem>>)
      %dma_start3A_178 = tpu.memref_slice %arg5[%mul3A_175] : memref<320000xi32, #tpu.memory_space<hbm>> -> memref<400xi32, #tpu.memory_space<hbm>>
      %dma_start3A_179 = tpu.memref_slice %arg5[%mul3A_175] : memref<320000xi32, #tpu.memory_space<hbm>> -> memref<400xi32, #tpu.memory_space<hbm>>
      tpu.enqueue_dma source(%dma_start3A_179 : memref<400xi32, #tpu.memory_space<hbm>>) target(%arg15 : memref<400xi32, #tpu.memory_space<vmem>>) target_semaphore(%arg19 : memref<!tpu.dma_semaphore, #tpu.memory_space<semaphore_mem>>)
      %dma_wait3A_180 = tpu.memref_slice %arg4[%mul3A_175] : memref<320000xi32, #tpu.memory_space<hbm>> -> memref<400xi32, #tpu.memory_space<hbm>>
      %dma_wait3A_181 = tpu.memref_slice %arg4[%mul3A_175] : memref<320000xi32, #tpu.memory_space<hbm>> -> memref<400xi32, #tpu.memory_space<hbm>>
      tpu.wait_dma2 semaphore(%arg19 : memref<!tpu.dma_semaphore, #tpu.memory_space<semaphore_mem>>) src(%dma_wait3A_181 : memref<400xi32, #tpu.memory_space<hbm>>) dst(%arg14 : memref<400xi32, #tpu.memory_space<vmem>>)
      %dma_wait3A_182 = tpu.memref_slice %arg5[%mul3A_175] : memref<320000xi32, #tpu.memory_space<hbm>> -> memref<400xi32, #tpu.memory_space<hbm>>
      %dma_wait3A_183 = tpu.memref_slice %arg5[%mul3A_175] : memref<320000xi32, #tpu.memory_space<hbm>> -> memref<400xi32, #tpu.memory_space<hbm>>
      tpu.wait_dma2 semaphore(%arg19 : memref<!tpu.dma_semaphore, #tpu.memory_space<semaphore_mem>>) src(%dma_wait3A_183 : memref<400xi32, #tpu.memory_space<hbm>>) dst(%arg15 : memref<400xi32, #tpu.memory_space<vmem>>)
      %dma_start3A_184 = arith.constant 0 : i32
      %dma_start3A_185 = arith.constant 0 : i32
      %dma_start3A_186 = tpu.memref_slice %arg16[%dma_start3A_184, %dma_start3A_185] : memref<400x32xf32, #tpu.memory_space<vmem>> -> memref<128x32xf32, #tpu.memory_space<vmem>>
      %dma_start3A_187 = arith.constant 0 : i32
      %dma_start3A_188 = tpu.memref_slice %arg14[%dma_start3A_187] : memref<400xi32, #tpu.memory_space<vmem>> -> memref<128xi32, #tpu.memory_space<vmem>>
      %dma_start3A_189 = arith.constant 0 : i32
      %dma_start3A_190 = arith.constant 0 : i32
      %dma_start3A_191 = tpu.memref_slice %arg7[%dma_start3A_189, %dma_start3A_190] : memref<10000x32xf32, #tpu.memory_space<vmem_shared>> -> memref<10000x32xf32, #tpu.memory_space<vmem_shared>>
      tpu.enqueue_indirect_dma source(%dma_start3A_191 : memref<10000x32xf32, #tpu.memory_space<vmem_shared>>) target(%dma_start3A_186 : memref<128x32xf32, #tpu.memory_space<vmem>>) offsets(%dma_start3A_188 : memref<128xi32, #tpu.memory_space<vmem>>) semaphore(%arg20 : memref<!tpu.dma_semaphore, #tpu.memory_space<semaphore_mem>>)
      %dma_start3A_192 = arith.constant 0 : i32
      %dma_start3A_193 = arith.constant 0 : i32
      %dma_start3A_194 = tpu.memref_slice %arg17[%dma_start3A_192, %dma_start3A_193] : memref<400x32xf32, #tpu.memory_space<vmem>> -> memref<128x32xf32, #tpu.memory_space<vmem>>
      %dma_start3A_195 = arith.constant 0 : i32
      %dma_start3A_196 = tpu.memref_slice %arg15[%dma_start3A_195] : memref<400xi32, #tpu.memory_space<vmem>> -> memref<128xi32, #tpu.memory_space<vmem>>
      %dma_start3A_197 = arith.constant 0 : i32
      %dma_start3A_198 = arith.constant 0 : i32
      %dma_start3A_199 = tpu.memref_slice %arg8[%dma_start3A_197, %dma_start3A_198] : memref<10000x32xf32, #tpu.memory_space<vmem_shared>> -> memref<10000x32xf32, #tpu.memory_space<vmem_shared>>
      tpu.enqueue_indirect_dma source(%dma_start3A_199 : memref<10000x32xf32, #tpu.memory_space<vmem_shared>>) target(%dma_start3A_194 : memref<128x32xf32, #tpu.memory_space<vmem>>) offsets(%dma_start3A_196 : memref<128xi32, #tpu.memory_space<vmem>>) semaphore(%arg21 : memref<!tpu.dma_semaphore, #tpu.memory_space<semaphore_mem>>)
      %dma_start3A_200 = arith.constant 128 : i32
      %dma_start3A_201 = arith.constant 0 : i32
      %dma_start3A_202 = tpu.memref_slice %arg16[%dma_start3A_200, %dma_start3A_201] : memref<400x32xf32, #tpu.memory_space<vmem>> -> memref<128x32xf32, #tpu.memory_space<vmem>>
      %dma_start3A_203 = arith.constant 128 : i32
      %dma_start3A_204 = tpu.memref_slice %arg14[%dma_start3A_203] : memref<400xi32, #tpu.memory_space<vmem>> -> memref<128xi32, #tpu.memory_space<vmem>>
      %dma_start3A_205 = arith.constant 0 : i32
      %dma_start3A_206 = arith.constant 0 : i32
      %dma_start3A_207 = tpu.memref_slice %arg7[%dma_start3A_205, %dma_start3A_206] : memref<10000x32xf32, #tpu.memory_space<vmem_shared>> -> memref<10000x32xf32, #tpu.memory_space<vmem_shared>>
      tpu.enqueue_indirect_dma source(%dma_start3A_207 : memref<10000x32xf32, #tpu.memory_space<vmem_shared>>) target(%dma_start3A_202 : memref<128x32xf32, #tpu.memory_space<vmem>>) offsets(%dma_start3A_204 : memref<128xi32, #tpu.memory_space<vmem>>) semaphore(%arg20 : memref<!tpu.dma_semaphore, #tpu.memory_space<semaphore_mem>>)
      %dma_start3A_208 = arith.constant 128 : i32
      %dma_start3A_209 = arith.constant 0 : i32
      %dma_start3A_210 = tpu.memref_slice %arg17[%dma_start3A_208, %dma_start3A_209] : memref<400x32xf32, #tpu.memory_space<vmem>> -> memref<128x32xf32, #tpu.memory_space<vmem>>
      %dma_start3A_211 = arith.constant 128 : i32
      %dma_start3A_212 = tpu.memref_slice %arg15[%dma_start3A_211] : memref<400xi32, #tpu.memory_space<vmem>> -> memref<128xi32, #tpu.memory_space<vmem>>
      %dma_start3A_213 = arith.constant 0 : i32
      %dma_start3A_214 = arith.constant 0 : i32
      %dma_start3A_215 = tpu.memref_slice %arg8[%dma_start3A_213, %dma_start3A_214] : memref<10000x32xf32, #tpu.memory_space<vmem_shared>> -> memref<10000x32xf32, #tpu.memory_space<vmem_shared>>
      tpu.enqueue_indirect_dma source(%dma_start3A_215 : memref<10000x32xf32, #tpu.memory_space<vmem_shared>>) target(%dma_start3A_210 : memref<128x32xf32, #tpu.memory_space<vmem>>) offsets(%dma_start3A_212 : memref<128xi32, #tpu.memory_space<vmem>>) semaphore(%arg21 : memref<!tpu.dma_semaphore, #tpu.memory_space<semaphore_mem>>)
      %dma_start3A_216 = arith.constant 256 : i32
      %dma_start3A_217 = arith.constant 0 : i32
      %dma_start3A_218 = tpu.memref_slice %arg16[%dma_start3A_216, %dma_start3A_217] : memref<400x32xf32, #tpu.memory_space<vmem>> -> memref<128x32xf32, #tpu.memory_space<vmem>>
      %dma_start3A_219 = arith.constant 256 : i32
      %dma_start3A_220 = tpu.memref_slice %arg14[%dma_start3A_219] : memref<400xi32, #tpu.memory_space<vmem>> -> memref<128xi32, #tpu.memory_space<vmem>>
      %dma_start3A_221 = arith.constant 0 : i32
      %dma_start3A_222 = arith.constant 0 : i32
      %dma_start3A_223 = tpu.memref_slice %arg7[%dma_start3A_221, %dma_start3A_222] : memref<10000x32xf32, #tpu.memory_space<vmem_shared>> -> memref<10000x32xf32, #tpu.memory_space<vmem_shared>>
      tpu.enqueue_indirect_dma source(%dma_start3A_223 : memref<10000x32xf32, #tpu.memory_space<vmem_shared>>) target(%dma_start3A_218 : memref<128x32xf32, #tpu.memory_space<vmem>>) offsets(%dma_start3A_220 : memref<128xi32, #tpu.memory_space<vmem>>) semaphore(%arg20 : memref<!tpu.dma_semaphore, #tpu.memory_space<semaphore_mem>>)
      %dma_start3A_224 = arith.constant 256 : i32
      %dma_start3A_225 = arith.constant 0 : i32
      %dma_start3A_226 = tpu.memref_slice %arg17[%dma_start3A_224, %dma_start3A_225] : memref<400x32xf32, #tpu.memory_space<vmem>> -> memref<128x32xf32, #tpu.memory_space<vmem>>
      %dma_start3A_227 = arith.constant 256 : i32
      %dma_start3A_228 = tpu.memref_slice %arg15[%dma_start3A_227] : memref<400xi32, #tpu.memory_space<vmem>> -> memref<128xi32, #tpu.memory_space<vmem>>
      %dma_start3A_229 = arith.constant 0 : i32
      %dma_start3A_230 = arith.constant 0 : i32
      %dma_start3A_231 = tpu.memref_slice %arg8[%dma_start3A_229, %dma_start3A_230] : memref<10000x32xf32, #tpu.memory_space<vmem_shared>> -> memref<10000x32xf32, #tpu.memory_space<vmem_shared>>
      tpu.enqueue_indirect_dma source(%dma_start3A_231 : memref<10000x32xf32, #tpu.memory_space<vmem_shared>>) target(%dma_start3A_226 : memref<128x32xf32, #tpu.memory_space<vmem>>) offsets(%dma_start3A_228 : memref<128xi32, #tpu.memory_space<vmem>>) semaphore(%arg21 : memref<!tpu.dma_semaphore, #tpu.memory_space<semaphore_mem>>)
      %dma_start3A_232 = arith.constant 384 : i32
      %dma_start3A_233 = arith.constant 0 : i32
      %dma_start3A_234 = tpu.memref_slice %arg16[%dma_start3A_232, %dma_start3A_233] : memref<400x32xf32, #tpu.memory_space<vmem>> -> memref<16x32xf32, #tpu.memory_space<vmem>>
      %dma_start3A_235 = arith.constant 384 : i32
      %dma_start3A_236 = tpu.memref_slice %arg14[%dma_start3A_235] : memref<400xi32, #tpu.memory_space<vmem>> -> memref<16xi32, #tpu.memory_space<vmem>>
      %dma_start3A_237 = arith.constant 0 : i32
      %dma_start3A_238 = arith.constant 0 : i32
      %dma_start3A_239 = tpu.memref_slice %arg7[%dma_start3A_237, %dma_start3A_238] : memref<10000x32xf32, #tpu.memory_space<vmem_shared>> -> memref<10000x32xf32, #tpu.memory_space<vmem_shared>>
      tpu.enqueue_indirect_dma source(%dma_start3A_239 : memref<10000x32xf32, #tpu.memory_space<vmem_shared>>) target(%dma_start3A_234 : memref<16x32xf32, #tpu.memory_space<vmem>>) offsets(%dma_start3A_236 : memref<16xi32, #tpu.memory_space<vmem>>) semaphore(%arg20 : memref<!tpu.dma_semaphore, #tpu.memory_space<semaphore_mem>>)
      %dma_start3A_240 = arith.constant 384 : i32
      %dma_start3A_241 = arith.constant 0 : i32
      %dma_start3A_242 = tpu.memref_slice %arg17[%dma_start3A_240, %dma_start3A_241] : memref<400x32xf32, #tpu.memory_space<vmem>> -> memref<16x32xf32, #tpu.memory_space<vmem>>
      %dma_start3A_243 = arith.constant 384 : i32
      %dma_start3A_244 = tpu.memref_slice %arg15[%dma_start3A_243] : memref<400xi32, #tpu.memory_space<vmem>> -> memref<16xi32, #tpu.memory_space<vmem>>
      %dma_start3A_245 = arith.constant 0 : i32
      %dma_start3A_246 = arith.constant 0 : i32
      %dma_start3A_247 = tpu.memref_slice %arg8[%dma_start3A_245, %dma_start3A_246] : memref<10000x32xf32, #tpu.memory_space<vmem_shared>> -> memref<10000x32xf32, #tpu.memory_space<vmem_shared>>
      tpu.enqueue_indirect_dma source(%dma_start3A_247 : memref<10000x32xf32, #tpu.memory_space<vmem_shared>>) target(%dma_start3A_242 : memref<16x32xf32, #tpu.memory_space<vmem>>) offsets(%dma_start3A_244 : memref<16xi32, #tpu.memory_space<vmem>>) semaphore(%arg21 : memref<!tpu.dma_semaphore, #tpu.memory_space<semaphore_mem>>)
      %mul3A_248 = arith.constant 400 : i32
      %mul3A_249 = arith.muli %add3A_171, %mul3A_248 : i32
      %dma_wait3A_250 = arith.constant 0 : i32
      %dma_wait3A_251 = arith.constant 0 : i32
      %dma_wait3A_252 = tpu.memref_slice %arg11[%dma_wait3A_250, %dma_wait3A_251] : memref<400x32xf32, #tpu.memory_space<vmem>> -> memref<128x32xf32, #tpu.memory_space<vmem>>
      %dma_wait3A_253 = arith.constant 0 : i32
      %dma_wait3A_254 = tpu.memref_slice %arg9[%dma_wait3A_253] : memref<400xi32, #tpu.memory_space<vmem>> -> memref<128xi32, #tpu.memory_space<vmem>>
      %dma_wait3A_255 = arith.constant 0 : i32
      %dma_wait3A_256 = arith.constant 0 : i32
      %dma_wait3A_257 = tpu.memref_slice %arg7[%dma_wait3A_255, %dma_wait3A_256] : memref<10000x32xf32, #tpu.memory_space<vmem_shared>> -> memref<10000x32xf32, #tpu.memory_space<vmem_shared>>
      tpu.wait_indirect_dma semaphore(%arg20 : memref<!tpu.dma_semaphore, #tpu.memory_space<semaphore_mem>>) src(%dma_wait3A_257 : memref<10000x32xf32, #tpu.memory_space<vmem_shared>>) dst(%dma_wait3A_252 : memref<128x32xf32, #tpu.memory_space<vmem>>)
      %dma_wait3A_258 = arith.constant 0 : i32
      %dma_wait3A_259 = arith.constant 0 : i32
      %dma_wait3A_260 = tpu.memref_slice %arg12[%dma_wait3A_258, %dma_wait3A_259] : memref<400x32xf32, #tpu.memory_space<vmem>> -> memref<128x32xf32, #tpu.memory_space<vmem>>
      %dma_wait3A_261 = arith.constant 0 : i32
      %dma_wait3A_262 = tpu.memref_slice %arg10[%dma_wait3A_261] : memref<400xi32, #tpu.memory_space<vmem>> -> memref<128xi32, #tpu.memory_space<vmem>>
      %dma_wait3A_263 = arith.constant 0 : i32
      %dma_wait3A_264 = arith.constant 0 : i32
      %dma_wait3A_265 = tpu.memref_slice %arg8[%dma_wait3A_263, %dma_wait3A_264] : memref<10000x32xf32, #tpu.memory_space<vmem_shared>> -> memref<10000x32xf32, #tpu.memory_space<vmem_shared>>
      tpu.wait_indirect_dma semaphore(%arg21 : memref<!tpu.dma_semaphore, #tpu.memory_space<semaphore_mem>>) src(%dma_wait3A_265 : memref<10000x32xf32, #tpu.memory_space<vmem_shared>>) dst(%dma_wait3A_260 : memref<128x32xf32, #tpu.memory_space<vmem>>)
      %dma_wait3A_266 = arith.constant 128 : i32
      %dma_wait3A_267 = arith.constant 0 : i32
      %dma_wait3A_268 = tpu.memref_slice %arg11[%dma_wait3A_266, %dma_wait3A_267] : memref<400x32xf32, #tpu.memory_space<vmem>> -> memref<128x32xf32, #tpu.memory_space<vmem>>
      %dma_wait3A_269 = arith.constant 128 : i32
      %dma_wait3A_270 = tpu.memref_slice %arg9[%dma_wait3A_269] : memref<400xi32, #tpu.memory_space<vmem>> -> memref<128xi32, #tpu.memory_space<vmem>>
      %dma_wait3A_271 = arith.constant 0 : i32
      %dma_wait3A_272 = arith.constant 0 : i32
      %dma_wait3A_273 = tpu.memref_slice %arg7[%dma_wait3A_271, %dma_wait3A_272] : memref<10000x32xf32, #tpu.memory_space<vmem_shared>> -> memref<10000x32xf32, #tpu.memory_space<vmem_shared>>
      tpu.wait_indirect_dma semaphore(%arg20 : memref<!tpu.dma_semaphore, #tpu.memory_space<semaphore_mem>>) src(%dma_wait3A_273 : memref<10000x32xf32, #tpu.memory_space<vmem_shared>>) dst(%dma_wait3A_268 : memref<128x32xf32, #tpu.memory_space<vmem>>)
      %dma_wait3A_274 = arith.constant 128 : i32
      %dma_wait3A_275 = arith.constant 0 : i32
      %dma_wait3A_276 = tpu.memref_slice %arg12[%dma_wait3A_274, %dma_wait3A_275] : memref<400x32xf32, #tpu.memory_space<vmem>> -> memref<128x32xf32, #tpu.memory_space<vmem>>
      %dma_wait3A_277 = arith.constant 128 : i32
      %dma_wait3A_278 = tpu.memref_slice %arg10[%dma_wait3A_277] : memref<400xi32, #tpu.memory_space<vmem>> -> memref<128xi32, #tpu.memory_space<vmem>>
      %dma_wait3A_279 = arith.constant 0 : i32
      %dma_wait3A_280 = arith.constant 0 : i32
      %dma_wait3A_281 = tpu.memref_slice %arg8[%dma_wait3A_279, %dma_wait3A_280] : memref<10000x32xf32, #tpu.memory_space<vmem_shared>> -> memref<10000x32xf32, #tpu.memory_space<vmem_shared>>
      tpu.wait_indirect_dma semaphore(%arg21 : memref<!tpu.dma_semaphore, #tpu.memory_space<semaphore_mem>>) src(%dma_wait3A_281 : memref<10000x32xf32, #tpu.memory_space<vmem_shared>>) dst(%dma_wait3A_276 : memref<128x32xf32, #tpu.memory_space<vmem>>)
      %dma_wait3A_282 = arith.constant 256 : i32
      %dma_wait3A_283 = arith.constant 0 : i32
      %dma_wait3A_284 = tpu.memref_slice %arg11[%dma_wait3A_282, %dma_wait3A_283] : memref<400x32xf32, #tpu.memory_space<vmem>> -> memref<128x32xf32, #tpu.memory_space<vmem>>
      %dma_wait3A_285 = arith.constant 256 : i32
      %dma_wait3A_286 = tpu.memref_slice %arg9[%dma_wait3A_285] : memref<400xi32, #tpu.memory_space<vmem>> -> memref<128xi32, #tpu.memory_space<vmem>>
      %dma_wait3A_287 = arith.constant 0 : i32
      %dma_wait3A_288 = arith.constant 0 : i32
      %dma_wait3A_289 = tpu.memref_slice %arg7[%dma_wait3A_287, %dma_wait3A_288] : memref<10000x32xf32, #tpu.memory_space<vmem_shared>> -> memref<10000x32xf32, #tpu.memory_space<vmem_shared>>
      tpu.wait_indirect_dma semaphore(%arg20 : memref<!tpu.dma_semaphore, #tpu.memory_space<semaphore_mem>>) src(%dma_wait3A_289 : memref<10000x32xf32, #tpu.memory_space<vmem_shared>>) dst(%dma_wait3A_284 : memref<128x32xf32, #tpu.memory_space<vmem>>)
      %dma_wait3A_290 = arith.constant 256 : i32
      %dma_wait3A_291 = arith.constant 0 : i32
      %dma_wait3A_292 = tpu.memref_slice %arg12[%dma_wait3A_290, %dma_wait3A_291] : memref<400x32xf32, #tpu.memory_space<vmem>> -> memref<128x32xf32, #tpu.memory_space<vmem>>
      %dma_wait3A_293 = arith.constant 256 : i32
      %dma_wait3A_294 = tpu.memref_slice %arg10[%dma_wait3A_293] : memref<400xi32, #tpu.memory_space<vmem>> -> memref<128xi32, #tpu.memory_space<vmem>>
      %dma_wait3A_295 = arith.constant 0 : i32
      %dma_wait3A_296 = arith.constant 0 : i32
      %dma_wait3A_297 = tpu.memref_slice %arg8[%dma_wait3A_295, %dma_wait3A_296] : memref<10000x32xf32, #tpu.memory_space<vmem_shared>> -> memref<10000x32xf32, #tpu.memory_space<vmem_shared>>
      tpu.wait_indirect_dma semaphore(%arg21 : memref<!tpu.dma_semaphore, #tpu.memory_space<semaphore_mem>>) src(%dma_wait3A_297 : memref<10000x32xf32, #tpu.memory_space<vmem_shared>>) dst(%dma_wait3A_292 : memref<128x32xf32, #tpu.memory_space<vmem>>)
      %dma_wait3A_298 = arith.constant 384 : i32
      %dma_wait3A_299 = arith.constant 0 : i32
      %dma_wait3A_300 = tpu.memref_slice %arg11[%dma_wait3A_298, %dma_wait3A_299] : memref<400x32xf32, #tpu.memory_space<vmem>> -> memref<16x32xf32, #tpu.memory_space<vmem>>
      %dma_wait3A_301 = arith.constant 384 : i32
      %dma_wait3A_302 = tpu.memref_slice %arg9[%dma_wait3A_301] : memref<400xi32, #tpu.memory_space<vmem>> -> memref<16xi32, #tpu.memory_space<vmem>>
      %dma_wait3A_303 = arith.constant 0 : i32
      %dma_wait3A_304 = arith.constant 0 : i32
      %dma_wait3A_305 = tpu.memref_slice %arg7[%dma_wait3A_303, %dma_wait3A_304] : memref<10000x32xf32, #tpu.memory_space<vmem_shared>> -> memref<10000x32xf32, #tpu.memory_space<vmem_shared>>
      tpu.wait_indirect_dma semaphore(%arg20 : memref<!tpu.dma_semaphore, #tpu.memory_space<semaphore_mem>>) src(%dma_wait3A_305 : memref<10000x32xf32, #tpu.memory_space<vmem_shared>>) dst(%dma_wait3A_300 : memref<16x32xf32, #tpu.memory_space<vmem>>)
      %dma_wait3A_306 = arith.constant 384 : i32
      %dma_wait3A_307 = arith.constant 0 : i32
      %dma_wait3A_308 = tpu.memref_slice %arg12[%dma_wait3A_306, %dma_wait3A_307] : memref<400x32xf32, #tpu.memory_space<vmem>> -> memref<16x32xf32, #tpu.memory_space<vmem>>
      %dma_wait3A_309 = arith.constant 384 : i32
      %dma_wait3A_310 = tpu.memref_slice %arg10[%dma_wait3A_309] : memref<400xi32, #tpu.memory_space<vmem>> -> memref<16xi32, #tpu.memory_space<vmem>>
      %dma_wait3A_311 = arith.constant 0 : i32
      %dma_wait3A_312 = arith.constant 0 : i32
      %dma_wait3A_313 = tpu.memref_slice %arg8[%dma_wait3A_311, %dma_wait3A_312] : memref<10000x32xf32, #tpu.memory_space<vmem_shared>> -> memref<10000x32xf32, #tpu.memory_space<vmem_shared>>
      tpu.wait_indirect_dma semaphore(%arg21 : memref<!tpu.dma_semaphore, #tpu.memory_space<semaphore_mem>>) src(%dma_wait3A_313 : memref<10000x32xf32, #tpu.memory_space<vmem_shared>>) dst(%dma_wait3A_308 : memref<16x32xf32, #tpu.memory_space<vmem>>)
      %scan3A_314 = arith.constant 0 : i32
      %scan3A_315 = arith.constant 0 : i32
      %scan3A_316 = arith.constant 100 : i32
      %scan3A_317 = arith.addi %scan3A_315, %scan3A_316 : i32
      %scan3A_318 = arith.constant 1 : i32
      %scan3A_319 = scf.for %scan3A_489 = %scan3A_315 to %scan3A_317 step %scan3A_318 iter_args(%scan3A_490 = %scan3A_314) -> (i32)  : i32 {
        %mul3A_491 = arith.constant 4 : i32
        %mul3A_492 = arith.muli %scan3A_489, %mul3A_491 : i32
        %add3A_493 = arith.constant 0 : i32
        %add3A_494 = arith.addi %mul3A_492, %add3A_493 : i32
        %get3A = arith.index_cast %add3A_494 : i32 to index
        %get3A_495 = arith.constant 0 : index
        %get3A_496 = tpu.vector_load %arg11[%get3A, %get3A_495] {strides = array<i32>} : memref<400x32xf32, #tpu.memory_space<vmem>>, vector<16xf32>,
        %get3A_497 = arith.index_cast %add3A_494 : i32 to index
        %get3A_498 = arith.constant 0 : index
        %get3A_499 = tpu.vector_load %arg12[%get3A_497, %get3A_498] {strides = array<i32>} : memref<400x32xf32, #tpu.memory_space<vmem>>, vector<16xf32>,
        %add3A_500 = arith.addf %get3A_496, %get3A_499 : vector<16xf32>
        %max3A = arith.constant 0.000000e+00 : f32
        %max3A_501 = vector.broadcast %max3A : f32 to vector<16xf32>
        %max3A_502 = arith.maximumf %add3A_500, %max3A_501 : vector<16xf32>
        %mul3A_503 = arith.constant 128 : i32
        %mul3A_504 = arith.muli %scan3A_489, %mul3A_503 : i32
        %add3A_505 = arith.constant 0 : i32
        %add3A_506 = arith.addi %mul3A_504, %add3A_505 : i32
        %swap3A = arith.index_cast %add3A_506 : i32 to index
        %swap3A_507 = tpu.vector_load %arg13[%swap3A] {strides = array<i32>} : memref<12800xf32, #tpu.memory_space<vmem>>, vector<16xf32>,
        tpu.vector_store %arg13[%swap3A], %max3A_502 {strides = array<i32>} : memref<12800xf32, #tpu.memory_space<vmem>>, vector<16xf32>,
        %get3A_508 = arith.index_cast %add3A_494 : i32 to index
        %get3A_509 = arith.constant 16 : index
        %get3A_510 = tpu.vector_load %arg11[%get3A_508, %get3A_509] {strides = array<i32>} : memref<400x32xf32, #tpu.memory_space<vmem>>, vector<16xf32>,
        %get3A_511 = arith.index_cast %add3A_494 : i32 to index
        %get3A_512 = arith.constant 16 : index
        %get3A_513 = tpu.vector_load %arg12[%get3A_511, %get3A_512] {strides = array<i32>} : memref<400x32xf32, #tpu.memory_space<vmem>>, vector<16xf32>,
        %add3A_514 = arith.addf %get3A_510, %get3A_513 : vector<16xf32>
        %max3A_515 = arith.constant 0.000000e+00 : f32
        %max3A_516 = vector.broadcast %max3A_515 : f32 to vector<16xf32>
        %max3A_517 = arith.maximumf %add3A_514, %max3A_516 : vector<16xf32>
        %mul3A_518 = arith.constant 128 : i32
        %mul3A_519 = arith.muli %scan3A_489, %mul3A_518 : i32
        %add3A_520 = arith.constant 0 : i32
        %add3A_521 = arith.addi %mul3A_519, %add3A_520 : i32
        %add3A_522 = arith.constant 16 : i32
        %add3A_523 = arith.addi %add3A_521, %add3A_522 : i32
        %swap3A_524 = arith.index_cast %add3A_523 : i32 to index
        %swap3A_525 = tpu.vector_load %arg13[%swap3A_524] {strides = array<i32>} : memref<12800xf32, #tpu.memory_space<vmem>>, vector<16xf32>,
        tpu.vector_store %arg13[%swap3A_524], %max3A_517 {strides = array<i32>} : memref<12800xf32, #tpu.memory_space<vmem>>, vector<16xf32>,
        %mul3A_526 = arith.constant 4 : i32
        %mul3A_527 = arith.muli %scan3A_489, %mul3A_526 : i32
        %add3A_528 = arith.constant 1 : i32
        %add3A_529 = arith.addi %mul3A_527, %add3A_528 : i32
        %get3A_530 = arith.index_cast %add3A_529 : i32 to index
        %get3A_531 = arith.constant 0 : index
        %get3A_532 = tpu.vector_load %arg11[%get3A_530, %get3A_531] {strides = array<i32>} : memref<400x32xf32, #tpu.memory_space<vmem>>, vector<16xf32>,
        %get3A_533 = arith.index_cast %add3A_529 : i32 to index
        %get3A_534 = arith.constant 0 : index
        %get3A_535 = tpu.vector_load %arg12[%get3A_533, %get3A_534] {strides = array<i32>} : memref<400x32xf32, #tpu.memory_space<vmem>>, vector<16xf32>,
        %add3A_536 = arith.addf %get3A_532, %get3A_535 : vector<16xf32>
        %max3A_537 = arith.constant 0.000000e+00 : f32
        %max3A_538 = vector.broadcast %max3A_537 : f32 to vector<16xf32>
        %max3A_539 = arith.maximumf %add3A_536, %max3A_538 : vector<16xf32>
        %mul3A_540 = arith.constant 128 : i32
        %mul3A_541 = arith.muli %scan3A_489, %mul3A_540 : i32
        %add3A_542 = arith.constant 32 : i32
        %add3A_543 = arith.addi %mul3A_541, %add3A_542 : i32
        %swap3A_544 = arith.index_cast %add3A_543 : i32 to index
        %swap3A_545 = tpu.vector_load %arg13[%swap3A_544] {strides = array<i32>} : memref<12800xf32, #tpu.memory_space<vmem>>, vector<16xf32>,
        tpu.vector_store %arg13[%swap3A_544], %max3A_539 {strides = array<i32>} : memref<12800xf32, #tpu.memory_space<vmem>>, vector<16xf32>,
        %get3A_546 = arith.index_cast %add3A_529 : i32 to index
        %get3A_547 = arith.constant 16 : index
        %get3A_548 = tpu.vector_load %arg11[%get3A_546, %get3A_547] {strides = array<i32>} : memref<400x32xf32, #tpu.memory_space<vmem>>, vector<16xf32>,
        %get3A_549 = arith.index_cast %add3A_529 : i32 to index
        %get3A_550 = arith.constant 16 : index
        %get3A_551 = tpu.vector_load %arg12[%get3A_549, %get3A_550] {strides = array<i32>} : memref<400x32xf32, #tpu.memory_space<vmem>>, vector<16xf32>,
        %add3A_552 = arith.addf %get3A_548, %get3A_551 : vector<16xf32>
        %max3A_553 = arith.constant 0.000000e+00 : f32
        %max3A_554 = vector.broadcast %max3A_553 : f32 to vector<16xf32>
        %max3A_555 = arith.maximumf %add3A_552, %max3A_554 : vector<16xf32>
        %mul3A_556 = arith.constant 128 : i32
        %mul3A_557 = arith.muli %scan3A_489, %mul3A_556 : i32
        %add3A_558 = arith.constant 32 : i32
        %add3A_559 = arith.addi %mul3A_557, %add3A_558 : i32
        %add3A_560 = arith.constant 16 : i32
        %add3A_561 = arith.addi %add3A_559, %add3A_560 : i32
        %swap3A_562 = arith.index_cast %add3A_561 : i32 to index
        %swap3A_563 = tpu.vector_load %arg13[%swap3A_562] {strides = array<i32>} : memref<12800xf32, #tpu.memory_space<vmem>>, vector<16xf32>,
        tpu.vector_store %arg13[%swap3A_562], %max3A_555 {strides = array<i32>} : memref<12800xf32, #tpu.memory_space<vmem>>, vector<16xf32>,
        %mul3A_564 = arith.constant 4 : i32
        %mul3A_565 = arith.muli %scan3A_489, %mul3A_564 : i32
        %add3A_566 = arith.constant 2 : i32
        %add3A_567 = arith.addi %mul3A_565, %add3A_566 : i32
        %get3A_568 = arith.index_cast %add3A_567 : i32 to index
        %get3A_569 = arith.constant 0 : index
        %get3A_570 = tpu.vector_load %arg11[%get3A_568, %get3A_569] {strides = array<i32>} : memref<400x32xf32, #tpu.memory_space<vmem>>, vector<16xf32>,
        %get3A_571 = arith.index_cast %add3A_567 : i32 to index
        %get3A_572 = arith.constant 0 : index
        %get3A_573 = tpu.vector_load %arg12[%get3A_571, %get3A_572] {strides = array<i32>} : memref<400x32xf32, #tpu.memory_space<vmem>>, vector<16xf32>,
        %add3A_574 = arith.addf %get3A_570, %get3A_573 : vector<16xf32>
        %max3A_575 = arith.constant 0.000000e+00 : f32
        %max3A_576 = vector.broadcast %max3A_575 : f32 to vector<16xf32>
        %max3A_577 = arith.maximumf %add3A_574, %max3A_576 : vector<16xf32>
        %mul3A_578 = arith.constant 128 : i32
        %mul3A_579 = arith.muli %scan3A_489, %mul3A_578 : i32
        %add3A_580 = arith.constant 64 : i32
        %add3A_581 = arith.addi %mul3A_579, %add3A_580 : i32
        %swap3A_582 = arith.index_cast %add3A_581 : i32 to index
        %swap3A_583 = tpu.vector_load %arg13[%swap3A_582] {strides = array<i32>} : memref<12800xf32, #tpu.memory_space<vmem>>, vector<16xf32>,
        tpu.vector_store %arg13[%swap3A_582], %max3A_577 {strides = array<i32>} : memref<12800xf32, #tpu.memory_space<vmem>>, vector<16xf32>,
        %get3A_584 = arith.index_cast %add3A_567 : i32 to index
        %get3A_585 = arith.constant 16 : index
        %get3A_586 = tpu.vector_load %arg11[%get3A_584, %get3A_585] {strides = array<i32>} : memref<400x32xf32, #tpu.memory_space<vmem>>, vector<16xf32>,
        %get3A_587 = arith.index_cast %add3A_567 : i32 to index
        %get3A_588 = arith.constant 16 : index
        %get3A_589 = tpu.vector_load %arg12[%get3A_587, %get3A_588] {strides = array<i32>} : memref<400x32xf32, #tpu.memory_space<vmem>>, vector<16xf32>,
        %add3A_590 = arith.addf %get3A_586, %get3A_589 : vector<16xf32>
        %max3A_591 = arith.constant 0.000000e+00 : f32
        %max3A_592 = vector.broadcast %max3A_591 : f32 to vector<16xf32>
        %max3A_593 = arith.maximumf %add3A_590, %max3A_592 : vector<16xf32>
        %mul3A_594 = arith.constant 128 : i32
        %mul3A_595 = arith.muli %scan3A_489, %mul3A_594 : i32
        %add3A_596 = arith.constant 64 : i32
        %add3A_597 = arith.addi %mul3A_595, %add3A_596 : i32
        %add3A_598 = arith.constant 16 : i32
        %add3A_599 = arith.addi %add3A_597, %add3A_598 : i32
        %swap3A_600 = arith.index_cast %add3A_599 : i32 to index
        %swap3A_601 = tpu.vector_load %arg13[%swap3A_600] {strides = array<i32>} : memref<12800xf32, #tpu.memory_space<vmem>>, vector<16xf32>,
        tpu.vector_store %arg13[%swap3A_600], %max3A_593 {strides = array<i32>} : memref<12800xf32, #tpu.memory_space<vmem>>, vector<16xf32>,
        %mul3A_602 = arith.constant 4 : i32
        %mul3A_603 = arith.muli %scan3A_489, %mul3A_602 : i32
        %add3A_604 = arith.constant 3 : i32
        %add3A_605 = arith.addi %mul3A_603, %add3A_604 : i32
        %get3A_606 = arith.index_cast %add3A_605 : i32 to index
        %get3A_607 = arith.constant 0 : index
        %get3A_608 = tpu.vector_load %arg11[%get3A_606, %get3A_607] {strides = array<i32>} : memref<400x32xf32, #tpu.memory_space<vmem>>, vector<16xf32>,
        %get3A_609 = arith.index_cast %add3A_605 : i32 to index
        %get3A_610 = arith.constant 0 : index
        %get3A_611 = tpu.vector_load %arg12[%get3A_609, %get3A_610] {strides = array<i32>} : memref<400x32xf32, #tpu.memory_space<vmem>>, vector<16xf32>,
        %add3A_612 = arith.addf %get3A_608, %get3A_611 : vector<16xf32>
        %max3A_613 = arith.constant 0.000000e+00 : f32
        %max3A_614 = vector.broadcast %max3A_613 : f32 to vector<16xf32>
        %max3A_615 = arith.maximumf %add3A_612, %max3A_614 : vector<16xf32>
        %mul3A_616 = arith.constant 128 : i32
        %mul3A_617 = arith.muli %scan3A_489, %mul3A_616 : i32
        %add3A_618 = arith.constant 96 : i32
        %add3A_619 = arith.addi %mul3A_617, %add3A_618 : i32
        %swap3A_620 = arith.index_cast %add3A_619 : i32 to index
        %swap3A_621 = tpu.vector_load %arg13[%swap3A_620] {strides = array<i32>} : memref<12800xf32, #tpu.memory_space<vmem>>, vector<16xf32>,
        tpu.vector_store %arg13[%swap3A_620], %max3A_615 {strides = array<i32>} : memref<12800xf32, #tpu.memory_space<vmem>>, vector<16xf32>,
        %get3A_622 = arith.index_cast %add3A_605 : i32 to index
        %get3A_623 = arith.constant 16 : index
        %get3A_624 = tpu.vector_load %arg11[%get3A_622, %get3A_623] {strides = array<i32>} : memref<400x32xf32, #tpu.memory_space<vmem>>, vector<16xf32>,
        %get3A_625 = arith.index_cast %add3A_605 : i32 to index
        %get3A_626 = arith.constant 16 : index
        %get3A_627 = tpu.vector_load %arg12[%get3A_625, %get3A_626] {strides = array<i32>} : memref<400x32xf32, #tpu.memory_space<vmem>>, vector<16xf32>,
        %add3A_628 = arith.addf %get3A_624, %get3A_627 : vector<16xf32>
        %max3A_629 = arith.constant 0.000000e+00 : f32
        %max3A_630 = vector.broadcast %max3A_629 : f32 to vector<16xf32>
        %max3A_631 = arith.maximumf %add3A_628, %max3A_630 : vector<16xf32>
        %mul3A_632 = arith.constant 128 : i32
        %mul3A_633 = arith.muli %scan3A_489, %mul3A_632 : i32
        %add3A_634 = arith.constant 96 : i32
        %add3A_635 = arith.addi %mul3A_633, %add3A_634 : i32
        %add3A_636 = arith.constant 16 : i32
        %add3A_637 = arith.addi %add3A_635, %add3A_636 : i32
        %swap3A_638 = arith.index_cast %add3A_637 : i32 to index
        %swap3A_639 = tpu.vector_load %arg13[%swap3A_638] {strides = array<i32>} : memref<12800xf32, #tpu.memory_space<vmem>>, vector<16xf32>,
        tpu.vector_store %arg13[%swap3A_638], %max3A_631 {strides = array<i32>} : memref<12800xf32, #tpu.memory_space<vmem>>, vector<16xf32>,
        %scan3A_640 = arith.constant 0 : i32
        scf.yield %scan3A_640 : i32
      }
      %scan3A_320 = arith.constant 100 : i32
      %mul3A_321 = arith.constant 32 : i32
      %mul3A_322 = arith.muli %mul3A_249, %mul3A_321 : i32
      %dma_start3A_323 = tpu.memref_slice %arg6[%mul3A_322] : memref<10240000xf32, #tpu.memory_space<hbm>> -> memref<12800xf32, #tpu.memory_space<hbm>>
      %dma_start3A_324 = tpu.memref_slice %arg6[%mul3A_322] : memref<10240000xf32, #tpu.memory_space<hbm>> -> memref<12800xf32, #tpu.memory_space<hbm>>
      tpu.enqueue_dma source(%arg13 : memref<12800xf32, #tpu.memory_space<vmem>>) target(%dma_start3A_324 : memref<12800xf32, #tpu.memory_space<hbm>>) target_semaphore(%arg22 : memref<!tpu.dma_semaphore, #tpu.memory_space<semaphore_mem>>)
      %add3A_325 = arith.constant 2 : i32
      %add3A_326 = arith.addi %add3A_171, %add3A_325 : i32
      %mul3A_327 = arith.constant 400 : i32
      %mul3A_328 = arith.muli %add3A_326, %mul3A_327 : i32
      %dma_start3A_329 = tpu.memref_slice %arg4[%mul3A_328] : memref<320000xi32, #tpu.memory_space<hbm>> -> memref<400xi32, #tpu.memory_space<hbm>>
      %dma_start3A_330 = tpu.memref_slice %arg4[%mul3A_328] : memref<320000xi32, #tpu.memory_space<hbm>> -> memref<400xi32, #tpu.memory_space<hbm>>
      tpu.enqueue_dma source(%dma_start3A_330 : memref<400xi32, #tpu.memory_space<hbm>>) target(%arg9 : memref<400xi32, #tpu.memory_space<vmem>>) target_semaphore(%arg19 : memref<!tpu.dma_semaphore, #tpu.memory_space<semaphore_mem>>)
      %dma_start3A_331 = tpu.memref_slice %arg5[%mul3A_328] : memref<320000xi32, #tpu.memory_space<hbm>> -> memref<400xi32, #tpu.memory_space<hbm>>
      %dma_start3A_332 = tpu.memref_slice %arg5[%mul3A_328] : memref<320000xi32, #tpu.memory_space<hbm>> -> memref<400xi32, #tpu.memory_space<hbm>>
      tpu.enqueue_dma source(%dma_start3A_332 : memref<400xi32, #tpu.memory_space<hbm>>) target(%arg10 : memref<400xi32, #tpu.memory_space<vmem>>) target_semaphore(%arg19 : memref<!tpu.dma_semaphore, #tpu.memory_space<semaphore_mem>>)
      %dma_wait3A_333 = tpu.memref_slice %arg4[%mul3A_328] : memref<320000xi32, #tpu.memory_space<hbm>> -> memref<400xi32, #tpu.memory_space<hbm>>
      %dma_wait3A_334 = tpu.memref_slice %arg4[%mul3A_328] : memref<320000xi32, #tpu.memory_space<hbm>> -> memref<400xi32, #tpu.memory_space<hbm>>
      tpu.wait_dma2 semaphore(%arg19 : memref<!tpu.dma_semaphore, #tpu.memory_space<semaphore_mem>>) src(%dma_wait3A_334 : memref<400xi32, #tpu.memory_space<hbm>>) dst(%arg9 : memref<400xi32, #tpu.memory_space<vmem>>)
      %dma_wait3A_335 = tpu.memref_slice %arg5[%mul3A_328] : memref<320000xi32, #tpu.memory_space<hbm>> -> memref<400xi32, #tpu.memory_space<hbm>>
      %dma_wait3A_336 = tpu.memref_slice %arg5[%mul3A_328] : memref<320000xi32, #tpu.memory_space<hbm>> -> memref<400xi32, #tpu.memory_space<hbm>>
      tpu.wait_dma2 semaphore(%arg19 : memref<!tpu.dma_semaphore, #tpu.memory_space<semaphore_mem>>) src(%dma_wait3A_336 : memref<400xi32, #tpu.memory_space<hbm>>) dst(%arg10 : memref<400xi32, #tpu.memory_space<vmem>>)
      %dma_start3A_337 = arith.constant 0 : i32
      %dma_start3A_338 = arith.constant 0 : i32
      %dma_start3A_339 = tpu.memref_slice %arg11[%dma_start3A_337, %dma_start3A_338] : memref<400x32xf32, #tpu.memory_space<vmem>> -> memref<128x32xf32, #tpu.memory_space<vmem>>
      %dma_start3A_340 = arith.constant 0 : i32
      %dma_start3A_341 = tpu.memref_slice %arg9[%dma_start3A_340] : memref<400xi32, #tpu.memory_space<vmem>> -> memref<128xi32, #tpu.memory_space<vmem>>
      %dma_start3A_342 = arith.constant 0 : i32
      %dma_start3A_343 = arith.constant 0 : i32
      %dma_start3A_344 = tpu.memref_slice %arg7[%dma_start3A_342, %dma_start3A_343] : memref<10000x32xf32, #tpu.memory_space<vmem_shared>> -> memref<10000x32xf32, #tpu.memory_space<vmem_shared>>
      tpu.enqueue_indirect_dma source(%dma_start3A_344 : memref<10000x32xf32, #tpu.memory_space<vmem_shared>>) target(%dma_start3A_339 : memref<128x32xf32, #tpu.memory_space<vmem>>) offsets(%dma_start3A_341 : memref<128xi32, #tpu.memory_space<vmem>>) semaphore(%arg20 : memref<!tpu.dma_semaphore, #tpu.memory_space<semaphore_mem>>)
      %dma_start3A_345 = arith.constant 0 : i32
      %dma_start3A_346 = arith.constant 0 : i32
      %dma_start3A_347 = tpu.memref_slice %arg12[%dma_start3A_345, %dma_start3A_346] : memref<400x32xf32, #tpu.memory_space<vmem>> -> memref<128x32xf32, #tpu.memory_space<vmem>>
      %dma_start3A_348 = arith.constant 0 : i32
      %dma_start3A_349 = tpu.memref_slice %arg10[%dma_start3A_348] : memref<400xi32, #tpu.memory_space<vmem>> -> memref<128xi32, #tpu.memory_space<vmem>>
      %dma_start3A_350 = arith.constant 0 : i32
      %dma_start3A_351 = arith.constant 0 : i32
      %dma_start3A_352 = tpu.memref_slice %arg8[%dma_start3A_350, %dma_start3A_351] : memref<10000x32xf32, #tpu.memory_space<vmem_shared>> -> memref<10000x32xf32, #tpu.memory_space<vmem_shared>>
      tpu.enqueue_indirect_dma source(%dma_start3A_352 : memref<10000x32xf32, #tpu.memory_space<vmem_shared>>) target(%dma_start3A_347 : memref<128x32xf32, #tpu.memory_space<vmem>>) offsets(%dma_start3A_349 : memref<128xi32, #tpu.memory_space<vmem>>) semaphore(%arg21 : memref<!tpu.dma_semaphore, #tpu.memory_space<semaphore_mem>>)
      %dma_start3A_353 = arith.constant 128 : i32
      %dma_start3A_354 = arith.constant 0 : i32
      %dma_start3A_355 = tpu.memref_slice %arg11[%dma_start3A_353, %dma_start3A_354] : memref<400x32xf32, #tpu.memory_space<vmem>> -> memref<128x32xf32, #tpu.memory_space<vmem>>
      %dma_start3A_356 = arith.constant 128 : i32
      %dma_start3A_357 = tpu.memref_slice %arg9[%dma_start3A_356] : memref<400xi32, #tpu.memory_space<vmem>> -> memref<128xi32, #tpu.memory_space<vmem>>
      %dma_start3A_358 = arith.constant 0 : i32
      %dma_start3A_359 = arith.constant 0 : i32
      %dma_start3A_360 = tpu.memref_slice %arg7[%dma_start3A_358, %dma_start3A_359] : memref<10000x32xf32, #tpu.memory_space<vmem_shared>> -> memref<10000x32xf32, #tpu.memory_space<vmem_shared>>
      tpu.enqueue_indirect_dma source(%dma_start3A_360 : memref<10000x32xf32, #tpu.memory_space<vmem_shared>>) target(%dma_start3A_355 : memref<128x32xf32, #tpu.memory_space<vmem>>) offsets(%dma_start3A_357 : memref<128xi32, #tpu.memory_space<vmem>>) semaphore(%arg20 : memref<!tpu.dma_semaphore, #tpu.memory_space<semaphore_mem>>)
      %dma_start3A_361 = arith.constant 128 : i32
      %dma_start3A_362 = arith.constant 0 : i32
      %dma_start3A_363 = tpu.memref_slice %arg12[%dma_start3A_361, %dma_start3A_362] : memref<400x32xf32, #tpu.memory_space<vmem>> -> memref<128x32xf32, #tpu.memory_space<vmem>>
      %dma_start3A_364 = arith.constant 128 : i32
      %dma_start3A_365 = tpu.memref_slice %arg10[%dma_start3A_364] : memref<400xi32, #tpu.memory_space<vmem>> -> memref<128xi32, #tpu.memory_space<vmem>>
      %dma_start3A_366 = arith.constant 0 : i32
      %dma_start3A_367 = arith.constant 0 : i32
      %dma_start3A_368 = tpu.memref_slice %arg8[%dma_start3A_366, %dma_start3A_367] : memref<10000x32xf32, #tpu.memory_space<vmem_shared>> -> memref<10000x32xf32, #tpu.memory_space<vmem_shared>>
      tpu.enqueue_indirect_dma source(%dma_start3A_368 : memref<10000x32xf32, #tpu.memory_space<vmem_shared>>) target(%dma_start3A_363 : memref<128x32xf32, #tpu.memory_space<vmem>>) offsets(%dma_start3A_365 : memref<128xi32, #tpu.memory_space<vmem>>) semaphore(%arg21 : memref<!tpu.dma_semaphore, #tpu.memory_space<semaphore_mem>>)
      %dma_start3A_369 = arith.constant 256 : i32
      %dma_start3A_370 = arith.constant 0 : i32
      %dma_start3A_371 = tpu.memref_slice %arg11[%dma_start3A_369, %dma_start3A_370] : memref<400x32xf32, #tpu.memory_space<vmem>> -> memref<128x32xf32, #tpu.memory_space<vmem>>
      %dma_start3A_372 = arith.constant 256 : i32
      %dma_start3A_373 = tpu.memref_slice %arg9[%dma_start3A_372] : memref<400xi32, #tpu.memory_space<vmem>> -> memref<128xi32, #tpu.memory_space<vmem>>
      %dma_start3A_374 = arith.constant 0 : i32
      %dma_start3A_375 = arith.constant 0 : i32
      %dma_start3A_376 = tpu.memref_slice %arg7[%dma_start3A_374, %dma_start3A_375] : memref<10000x32xf32, #tpu.memory_space<vmem_shared>> -> memref<10000x32xf32, #tpu.memory_space<vmem_shared>>
      tpu.enqueue_indirect_dma source(%dma_start3A_376 : memref<10000x32xf32, #tpu.memory_space<vmem_shared>>) target(%dma_start3A_371 : memref<128x32xf32, #tpu.memory_space<vmem>>) offsets(%dma_start3A_373 : memref<128xi32, #tpu.memory_space<vmem>>) semaphore(%arg20 : memref<!tpu.dma_semaphore, #tpu.memory_space<semaphore_mem>>)
      %dma_start3A_377 = arith.constant 256 : i32
      %dma_start3A_378 = arith.constant 0 : i32
      %dma_start3A_379 = tpu.memref_slice %arg12[%dma_start3A_377, %dma_start3A_378] : memref<400x32xf32, #tpu.memory_space<vmem>> -> memref<128x32xf32, #tpu.memory_space<vmem>>
      %dma_start3A_380 = arith.constant 256 : i32
      %dma_start3A_381 = tpu.memref_slice %arg10[%dma_start3A_380] : memref<400xi32, #tpu.memory_space<vmem>> -> memref<128xi32, #tpu.memory_space<vmem>>
      %dma_start3A_382 = arith.constant 0 : i32
      %dma_start3A_383 = arith.constant 0 : i32
      %dma_start3A_384 = tpu.memref_slice %arg8[%dma_start3A_382, %dma_start3A_383] : memref<10000x32xf32, #tpu.memory_space<vmem_shared>> -> memref<10000x32xf32, #tpu.memory_space<vmem_shared>>
      tpu.enqueue_indirect_dma source(%dma_start3A_384 : memref<10000x32xf32, #tpu.memory_space<vmem_shared>>) target(%dma_start3A_379 : memref<128x32xf32, #tpu.memory_space<vmem>>) offsets(%dma_start3A_381 : memref<128xi32, #tpu.memory_space<vmem>>) semaphore(%arg21 : memref<!tpu.dma_semaphore, #tpu.memory_space<semaphore_mem>>)
      %dma_start3A_385 = arith.constant 384 : i32
      %dma_start3A_386 = arith.constant 0 : i32
      %dma_start3A_387 = tpu.memref_slice %arg11[%dma_start3A_385, %dma_start3A_386] : memref<400x32xf32, #tpu.memory_space<vmem>> -> memref<16x32xf32, #tpu.memory_space<vmem>>
      %dma_start3A_388 = arith.constant 384 : i32
      %dma_start3A_389 = tpu.memref_slice %arg9[%dma_start3A_388] : memref<400xi32, #tpu.memory_space<vmem>> -> memref<16xi32, #tpu.memory_space<vmem>>
      %dma_start3A_390 = arith.constant 0 : i32
      %dma_start3A_391 = arith.constant 0 : i32
      %dma_start3A_392 = tpu.memref_slice %arg7[%dma_start3A_390, %dma_start3A_391] : memref<10000x32xf32, #tpu.memory_space<vmem_shared>> -> memref<10000x32xf32, #tpu.memory_space<vmem_shared>>
      tpu.enqueue_indirect_dma source(%dma_start3A_392 : memref<10000x32xf32, #tpu.memory_space<vmem_shared>>) target(%dma_start3A_387 : memref<16x32xf32, #tpu.memory_space<vmem>>) offsets(%dma_start3A_389 : memref<16xi32, #tpu.memory_space<vmem>>) semaphore(%arg20 : memref<!tpu.dma_semaphore, #tpu.memory_space<semaphore_mem>>)
      %dma_start3A_393 = arith.constant 384 : i32
      %dma_start3A_394 = arith.constant 0 : i32
      %dma_start3A_395 = tpu.memref_slice %arg12[%dma_start3A_393, %dma_start3A_394] : memref<400x32xf32, #tpu.memory_space<vmem>> -> memref<16x32xf32, #tpu.memory_space<vmem>>
      %dma_start3A_396 = arith.constant 384 : i32
      %dma_start3A_397 = tpu.memref_slice %arg10[%dma_start3A_396] : memref<400xi32, #tpu.memory_space<vmem>> -> memref<16xi32, #tpu.memory_space<vmem>>
      %dma_start3A_398 = arith.constant 0 : i32
      %dma_start3A_399 = arith.constant 0 : i32
      %dma_start3A_400 = tpu.memref_slice %arg8[%dma_start3A_398, %dma_start3A_399] : memref<10000x32xf32, #tpu.memory_space<vmem_shared>> -> memref<10000x32xf32, #tpu.memory_space<vmem_shared>>
      tpu.enqueue_indirect_dma source(%dma_start3A_400 : memref<10000x32xf32, #tpu.memory_space<vmem_shared>>) target(%dma_start3A_395 : memref<16x32xf32, #tpu.memory_space<vmem>>) offsets(%dma_start3A_397 : memref<16xi32, #tpu.memory_space<vmem>>) semaphore(%arg21 : memref<!tpu.dma_semaphore, #tpu.memory_space<semaphore_mem>>)
      %add3A_401 = arith.constant 1 : i32
      %add3A_402 = arith.addi %add3A_171, %add3A_401 : i32
      %mul3A_403 = arith.constant 400 : i32
      %mul3A_404 = arith.muli %add3A_402, %mul3A_403 : i32
      %dma_wait3A_405 = arith.constant 0 : i32
      %dma_wait3A_406 = arith.constant 0 : i32
      %dma_wait3A_407 = tpu.memref_slice %arg16[%dma_wait3A_405, %dma_wait3A_406] : memref<400x32xf32, #tpu.memory_space<vmem>> -> memref<128x32xf32, #tpu.memory_space<vmem>>
      %dma_wait3A_408 = arith.constant 0 : i32
      %dma_wait3A_409 = tpu.memref_slice %arg14[%dma_wait3A_408] : memref<400xi32, #tpu.memory_space<vmem>> -> memref<128xi32, #tpu.memory_space<vmem>>
      %dma_wait3A_410 = arith.constant 0 : i32
      %dma_wait3A_411 = arith.constant 0 : i32
      %dma_wait3A_412 = tpu.memref_slice %arg7[%dma_wait3A_410, %dma_wait3A_411] : memref<10000x32xf32, #tpu.memory_space<vmem_shared>> -> memref<10000x32xf32, #tpu.memory_space<vmem_shared>>
      tpu.wait_indirect_dma semaphore(%arg20 : memref<!tpu.dma_semaphore, #tpu.memory_space<semaphore_mem>>) src(%dma_wait3A_412 : memref<10000x32xf32, #tpu.memory_space<vmem_shared>>) dst(%dma_wait3A_407 : memref<128x32xf32, #tpu.memory_space<vmem>>)
      %dma_wait3A_413 = arith.constant 0 : i32
      %dma_wait3A_414 = arith.constant 0 : i32
      %dma_wait3A_415 = tpu.memref_slice %arg17[%dma_wait3A_413, %dma_wait3A_414] : memref<400x32xf32, #tpu.memory_space<vmem>> -> memref<128x32xf32, #tpu.memory_space<vmem>>
      %dma_wait3A_416 = arith.constant 0 : i32
      %dma_wait3A_417 = tpu.memref_slice %arg15[%dma_wait3A_416] : memref<400xi32, #tpu.memory_space<vmem>> -> memref<128xi32, #tpu.memory_space<vmem>>
      %dma_wait3A_418 = arith.constant 0 : i32
      %dma_wait3A_419 = arith.constant 0 : i32
      %dma_wait3A_420 = tpu.memref_slice %arg8[%dma_wait3A_418, %dma_wait3A_419] : memref<10000x32xf32, #tpu.memory_space<vmem_shared>> -> memref<10000x32xf32, #tpu.memory_space<vmem_shared>>
      tpu.wait_indirect_dma semaphore(%arg21 : memref<!tpu.dma_semaphore, #tpu.memory_space<semaphore_mem>>) src(%dma_wait3A_420 : memref<10000x32xf32, #tpu.memory_space<vmem_shared>>) dst(%dma_wait3A_415 : memref<128x32xf32, #tpu.memory_space<vmem>>)
      %dma_wait3A_421 = arith.constant 128 : i32
      %dma_wait3A_422 = arith.constant 0 : i32
      %dma_wait3A_423 = tpu.memref_slice %arg16[%dma_wait3A_421, %dma_wait3A_422] : memref<400x32xf32, #tpu.memory_space<vmem>> -> memref<128x32xf32, #tpu.memory_space<vmem>>
      %dma_wait3A_424 = arith.constant 128 : i32
      %dma_wait3A_425 = tpu.memref_slice %arg14[%dma_wait3A_424] : memref<400xi32, #tpu.memory_space<vmem>> -> memref<128xi32, #tpu.memory_space<vmem>>
      %dma_wait3A_426 = arith.constant 0 : i32
      %dma_wait3A_427 = arith.constant 0 : i32
      %dma_wait3A_428 = tpu.memref_slice %arg7[%dma_wait3A_426, %dma_wait3A_427] : memref<10000x32xf32, #tpu.memory_space<vmem_shared>> -> memref<10000x32xf32, #tpu.memory_space<vmem_shared>>
      tpu.wait_indirect_dma semaphore(%arg20 : memref<!tpu.dma_semaphore, #tpu.memory_space<semaphore_mem>>) src(%dma_wait3A_428 : memref<10000x32xf32, #tpu.memory_space<vmem_shared>>) dst(%dma_wait3A_423 : memref<128x32xf32, #tpu.memory_space<vmem>>)
      %dma_wait3A_429 = arith.constant 128 : i32
      %dma_wait3A_430 = arith.constant 0 : i32
      %dma_wait3A_431 = tpu.memref_slice %arg17[%dma_wait3A_429, %dma_wait3A_430] : memref<400x32xf32, #tpu.memory_space<vmem>> -> memref<128x32xf32, #tpu.memory_space<vmem>>
      %dma_wait3A_432 = arith.constant 128 : i32
      %dma_wait3A_433 = tpu.memref_slice %arg15[%dma_wait3A_432] : memref<400xi32, #tpu.memory_space<vmem>> -> memref<128xi32, #tpu.memory_space<vmem>>
      %dma_wait3A_434 = arith.constant 0 : i32
      %dma_wait3A_435 = arith.constant 0 : i32
      %dma_wait3A_436 = tpu.memref_slice %arg8[%dma_wait3A_434, %dma_wait3A_435] : memref<10000x32xf32, #tpu.memory_space<vmem_shared>> -> memref<10000x32xf32, #tpu.memory_space<vmem_shared>>
      tpu.wait_indirect_dma semaphore(%arg21 : memref<!tpu.dma_semaphore, #tpu.memory_space<semaphore_mem>>) src(%dma_wait3A_436 : memref<10000x32xf32, #tpu.memory_space<vmem_shared>>) dst(%dma_wait3A_431 : memref<128x32xf32, #tpu.memory_space<vmem>>)
      %dma_wait3A_437 = arith.constant 256 : i32
      %dma_wait3A_438 = arith.constant 0 : i32
      %dma_wait3A_439 = tpu.memref_slice %arg16[%dma_wait3A_437, %dma_wait3A_438] : memref<400x32xf32, #tpu.memory_space<vmem>> -> memref<128x32xf32, #tpu.memory_space<vmem>>
      %dma_wait3A_440 = arith.constant 256 : i32
      %dma_wait3A_441 = tpu.memref_slice %arg14[%dma_wait3A_440] : memref<400xi32, #tpu.memory_space<vmem>> -> memref<128xi32, #tpu.memory_space<vmem>>
      %dma_wait3A_442 = arith.constant 0 : i32
      %dma_wait3A_443 = arith.constant 0 : i32
      %dma_wait3A_444 = tpu.memref_slice %arg7[%dma_wait3A_442, %dma_wait3A_443] : memref<10000x32xf32, #tpu.memory_space<vmem_shared>> -> memref<10000x32xf32, #tpu.memory_space<vmem_shared>>
      tpu.wait_indirect_dma semaphore(%arg20 : memref<!tpu.dma_semaphore, #tpu.memory_space<semaphore_mem>>) src(%dma_wait3A_444 : memref<10000x32xf32, #tpu.memory_space<vmem_shared>>) dst(%dma_wait3A_439 : memref<128x32xf32, #tpu.memory_space<vmem>>)
      %dma_wait3A_445 = arith.constant 256 : i32
      %dma_wait3A_446 = arith.constant 0 : i32
      %dma_wait3A_447 = tpu.memref_slice %arg17[%dma_wait3A_445, %dma_wait3A_446] : memref<400x32xf32, #tpu.memory_space<vmem>> -> memref<128x32xf32, #tpu.memory_space<vmem>>
      %dma_wait3A_448 = arith.constant 256 : i32
      %dma_wait3A_449 = tpu.memref_slice %arg15[%dma_wait3A_448] : memref<400xi32, #tpu.memory_space<vmem>> -> memref<128xi32, #tpu.memory_space<vmem>>
      %dma_wait3A_450 = arith.constant 0 : i32
      %dma_wait3A_451 = arith.constant 0 : i32
      %dma_wait3A_452 = tpu.memref_slice %arg8[%dma_wait3A_450, %dma_wait3A_451] : memref<10000x32xf32, #tpu.memory_space<vmem_shared>> -> memref<10000x32xf32, #tpu.memory_space<vmem_shared>>
      tpu.wait_indirect_dma semaphore(%arg21 : memref<!tpu.dma_semaphore, #tpu.memory_space<semaphore_mem>>) src(%dma_wait3A_452 : memref<10000x32xf32, #tpu.memory_space<vmem_shared>>) dst(%dma_wait3A_447 : memref<128x32xf32, #tpu.memory_space<vmem>>)
      %dma_wait3A_453 = arith.constant 384 : i32
      %dma_wait3A_454 = arith.constant 0 : i32
      %dma_wait3A_455 = tpu.memref_slice %arg16[%dma_wait3A_453, %dma_wait3A_454] : memref<400x32xf32, #tpu.memory_space<vmem>> -> memref<16x32xf32, #tpu.memory_space<vmem>>
      %dma_wait3A_456 = arith.constant 384 : i32
      %dma_wait3A_457 = tpu.memref_slice %arg14[%dma_wait3A_456] : memref<400xi32, #tpu.memory_space<vmem>> -> memref<16xi32, #tpu.memory_space<vmem>>
      %dma_wait3A_458 = arith.constant 0 : i32
      %dma_wait3A_459 = arith.constant 0 : i32
      %dma_wait3A_460 = tpu.memref_slice %arg7[%dma_wait3A_458, %dma_wait3A_459] : memref<10000x32xf32, #tpu.memory_space<vmem_shared>> -> memref<10000x32xf32, #tpu.memory_space<vmem_shared>>
      tpu.wait_indirect_dma semaphore(%arg20 : memref<!tpu.dma_semaphore, #tpu.memory_space<semaphore_mem>>) src(%dma_wait3A_460 : memref<10000x32xf32, #tpu.memory_space<vmem_shared>>) dst(%dma_wait3A_455 : memref<16x32xf32, #tpu.memory_space<vmem>>)
      %dma_wait3A_461 = arith.constant 384 : i32
      %dma_wait3A_462 = arith.constant 0 : i32
      %dma_wait3A_463 = tpu.memref_slice %arg17[%dma_wait3A_461, %dma_wait3A_462] : memref<400x32xf32, #tpu.memory_space<vmem>> -> memref<16x32xf32, #tpu.memory_space<vmem>>
      %dma_wait3A_464 = arith.constant 384 : i32
      %dma_wait3A_465 = tpu.memref_slice %arg15[%dma_wait3A_464] : memref<400xi32, #tpu.memory_space<vmem>> -> memref<16xi32, #tpu.memory_space<vmem>>
      %dma_wait3A_466 = arith.constant 0 : i32
      %dma_wait3A_467 = arith.constant 0 : i32
      %dma_wait3A_468 = tpu.memref_slice %arg8[%dma_wait3A_466, %dma_wait3A_467] : memref<10000x32xf32, #tpu.memory_space<vmem_shared>> -> memref<10000x32xf32, #tpu.memory_space<vmem_shared>>
      tpu.wait_indirect_dma semaphore(%arg21 : memref<!tpu.dma_semaphore, #tpu.memory_space<semaphore_mem>>) src(%dma_wait3A_468 : memref<10000x32xf32, #tpu.memory_space<vmem_shared>>) dst(%dma_wait3A_463 : memref<16x32xf32, #tpu.memory_space<vmem>>)
      %scan3A_469 = arith.constant 0 : i32
      %scan3A_470 = arith.constant 0 : i32
      %scan3A_471 = arith.constant 100 : i32
      %scan3A_472 = arith.addi %scan3A_470, %scan3A_471 : i32
      %scan3A_473 = arith.constant 1 : i32
      %scan3A_474 = scf.for %scan3A_489 = %scan3A_470 to %scan3A_472 step %scan3A_473 iter_args(%scan3A_490 = %scan3A_469) -> (i32)  : i32 {
        %mul3A_491 = arith.constant 4 : i32
        %mul3A_492 = arith.muli %scan3A_489, %mul3A_491 : i32
        %add3A_493 = arith.constant 0 : i32
        %add3A_494 = arith.addi %mul3A_492, %add3A_493 : i32
        %get3A = arith.index_cast %add3A_494 : i32 to index
        %get3A_495 = arith.constant 0 : index
        %get3A_496 = tpu.vector_load %arg16[%get3A, %get3A_495] {strides = array<i32>} : memref<400x32xf32, #tpu.memory_space<vmem>>, vector<16xf32>,
        %get3A_497 = arith.index_cast %add3A_494 : i32 to index
        %get3A_498 = arith.constant 0 : index
        %get3A_499 = tpu.vector_load %arg17[%get3A_497, %get3A_498] {strides = array<i32>} : memref<400x32xf32, #tpu.memory_space<vmem>>, vector<16xf32>,
        %add3A_500 = arith.addf %get3A_496, %get3A_499 : vector<16xf32>
        %max3A = arith.constant 0.000000e+00 : f32
        %max3A_501 = vector.broadcast %max3A : f32 to vector<16xf32>
        %max3A_502 = arith.maximumf %add3A_500, %max3A_501 : vector<16xf32>
        %mul3A_503 = arith.constant 128 : i32
        %mul3A_504 = arith.muli %scan3A_489, %mul3A_503 : i32
        %add3A_505 = arith.constant 0 : i32
        %add3A_506 = arith.addi %mul3A_504, %add3A_505 : i32
        %swap3A = arith.index_cast %add3A_506 : i32 to index
        %swap3A_507 = tpu.vector_load %arg18[%swap3A] {strides = array<i32>} : memref<12800xf32, #tpu.memory_space<vmem>>, vector<16xf32>,
        tpu.vector_store %arg18[%swap3A], %max3A_502 {strides = array<i32>} : memref<12800xf32, #tpu.memory_space<vmem>>, vector<16xf32>,
        %get3A_508 = arith.index_cast %add3A_494 : i32 to index
        %get3A_509 = arith.constant 16 : index
        %get3A_510 = tpu.vector_load %arg16[%get3A_508, %get3A_509] {strides = array<i32>} : memref<400x32xf32, #tpu.memory_space<vmem>>, vector<16xf32>,
        %get3A_511 = arith.index_cast %add3A_494 : i32 to index
        %get3A_512 = arith.constant 16 : index
        %get3A_513 = tpu.vector_load %arg17[%get3A_511, %get3A_512] {strides = array<i32>} : memref<400x32xf32, #tpu.memory_space<vmem>>, vector<16xf32>,
        %add3A_514 = arith.addf %get3A_510, %get3A_513 : vector<16xf32>
        %max3A_515 = arith.constant 0.000000e+00 : f32
        %max3A_516 = vector.broadcast %max3A_515 : f32 to vector<16xf32>
        %max3A_517 = arith.maximumf %add3A_514, %max3A_516 : vector<16xf32>
        %mul3A_518 = arith.constant 128 : i32
        %mul3A_519 = arith.muli %scan3A_489, %mul3A_518 : i32
        %add3A_520 = arith.constant 0 : i32
        %add3A_521 = arith.addi %mul3A_519, %add3A_520 : i32
        %add3A_522 = arith.constant 16 : i32
        %add3A_523 = arith.addi %add3A_521, %add3A_522 : i32
        %swap3A_524 = arith.index_cast %add3A_523 : i32 to index
        %swap3A_525 = tpu.vector_load %arg18[%swap3A_524] {strides = array<i32>} : memref<12800xf32, #tpu.memory_space<vmem>>, vector<16xf32>,
        tpu.vector_store %arg18[%swap3A_524], %max3A_517 {strides = array<i32>} : memref<12800xf32, #tpu.memory_space<vmem>>, vector<16xf32>,
        %mul3A_526 = arith.constant 4 : i32
        %mul3A_527 = arith.muli %scan3A_489, %mul3A_526 : i32
        %add3A_528 = arith.constant 1 : i32
        %add3A_529 = arith.addi %mul3A_527, %add3A_528 : i32
        %get3A_530 = arith.index_cast %add3A_529 : i32 to index
        %get3A_531 = arith.constant 0 : index
        %get3A_532 = tpu.vector_load %arg16[%get3A_530, %get3A_531] {strides = array<i32>} : memref<400x32xf32, #tpu.memory_space<vmem>>, vector<16xf32>,
        %get3A_533 = arith.index_cast %add3A_529 : i32 to index
        %get3A_534 = arith.constant 0 : index
        %get3A_535 = tpu.vector_load %arg17[%get3A_533, %get3A_534] {strides = array<i32>} : memref<400x32xf32, #tpu.memory_space<vmem>>, vector<16xf32>,
        %add3A_536 = arith.addf %get3A_532, %get3A_535 : vector<16xf32>
        %max3A_537 = arith.constant 0.000000e+00 : f32
        %max3A_538 = vector.broadcast %max3A_537 : f32 to vector<16xf32>
        %max3A_539 = arith.maximumf %add3A_536, %max3A_538 : vector<16xf32>
        %mul3A_540 = arith.constant 128 : i32
        %mul3A_541 = arith.muli %scan3A_489, %mul3A_540 : i32
        %add3A_542 = arith.constant 32 : i32
        %add3A_543 = arith.addi %mul3A_541, %add3A_542 : i32
        %swap3A_544 = arith.index_cast %add3A_543 : i32 to index
        %swap3A_545 = tpu.vector_load %arg18[%swap3A_544] {strides = array<i32>} : memref<12800xf32, #tpu.memory_space<vmem>>, vector<16xf32>,
        tpu.vector_store %arg18[%swap3A_544], %max3A_539 {strides = array<i32>} : memref<12800xf32, #tpu.memory_space<vmem>>, vector<16xf32>,
        %get3A_546 = arith.index_cast %add3A_529 : i32 to index
        %get3A_547 = arith.constant 16 : index
        %get3A_548 = tpu.vector_load %arg16[%get3A_546, %get3A_547] {strides = array<i32>} : memref<400x32xf32, #tpu.memory_space<vmem>>, vector<16xf32>,
        %get3A_549 = arith.index_cast %add3A_529 : i32 to index
        %get3A_550 = arith.constant 16 : index
        %get3A_551 = tpu.vector_load %arg17[%get3A_549, %get3A_550] {strides = array<i32>} : memref<400x32xf32, #tpu.memory_space<vmem>>, vector<16xf32>,
        %add3A_552 = arith.addf %get3A_548, %get3A_551 : vector<16xf32>
        %max3A_553 = arith.constant 0.000000e+00 : f32
        %max3A_554 = vector.broadcast %max3A_553 : f32 to vector<16xf32>
        %max3A_555 = arith.maximumf %add3A_552, %max3A_554 : vector<16xf32>
        %mul3A_556 = arith.constant 128 : i32
        %mul3A_557 = arith.muli %scan3A_489, %mul3A_556 : i32
        %add3A_558 = arith.constant 32 : i32
        %add3A_559 = arith.addi %mul3A_557, %add3A_558 : i32
        %add3A_560 = arith.constant 16 : i32
        %add3A_561 = arith.addi %add3A_559, %add3A_560 : i32
        %swap3A_562 = arith.index_cast %add3A_561 : i32 to index
        %swap3A_563 = tpu.vector_load %arg18[%swap3A_562] {strides = array<i32>} : memref<12800xf32, #tpu.memory_space<vmem>>, vector<16xf32>,
        tpu.vector_store %arg18[%swap3A_562], %max3A_555 {strides = array<i32>} : memref<12800xf32, #tpu.memory_space<vmem>>, vector<16xf32>,
        %mul3A_564 = arith.constant 4 : i32
        %mul3A_565 = arith.muli %scan3A_489, %mul3A_564 : i32
        %add3A_566 = arith.constant 2 : i32
        %add3A_567 = arith.addi %mul3A_565, %add3A_566 : i32
        %get3A_568 = arith.index_cast %add3A_567 : i32 to index
        %get3A_569 = arith.constant 0 : index
        %get3A_570 = tpu.vector_load %arg16[%get3A_568, %get3A_569] {strides = array<i32>} : memref<400x32xf32, #tpu.memory_space<vmem>>, vector<16xf32>,
        %get3A_571 = arith.index_cast %add3A_567 : i32 to index
        %get3A_572 = arith.constant 0 : index
        %get3A_573 = tpu.vector_load %arg17[%get3A_571, %get3A_572] {strides = array<i32>} : memref<400x32xf32, #tpu.memory_space<vmem>>, vector<16xf32>,
        %add3A_574 = arith.addf %get3A_570, %get3A_573 : vector<16xf32>
        %max3A_575 = arith.constant 0.000000e+00 : f32
        %max3A_576 = vector.broadcast %max3A_575 : f32 to vector<16xf32>
        %max3A_577 = arith.maximumf %add3A_574, %max3A_576 : vector<16xf32>
        %mul3A_578 = arith.constant 128 : i32
        %mul3A_579 = arith.muli %scan3A_489, %mul3A_578 : i32
        %add3A_580 = arith.constant 64 : i32
        %add3A_581 = arith.addi %mul3A_579, %add3A_580 : i32
        %swap3A_582 = arith.index_cast %add3A_581 : i32 to index
        %swap3A_583 = tpu.vector_load %arg18[%swap3A_582] {strides = array<i32>} : memref<12800xf32, #tpu.memory_space<vmem>>, vector<16xf32>,
        tpu.vector_store %arg18[%swap3A_582], %max3A_577 {strides = array<i32>} : memref<12800xf32, #tpu.memory_space<vmem>>, vector<16xf32>,
        %get3A_584 = arith.index_cast %add3A_567 : i32 to index
        %get3A_585 = arith.constant 16 : index
        %get3A_586 = tpu.vector_load %arg16[%get3A_584, %get3A_585] {strides = array<i32>} : memref<400x32xf32, #tpu.memory_space<vmem>>, vector<16xf32>,
        %get3A_587 = arith.index_cast %add3A_567 : i32 to index
        %get3A_588 = arith.constant 16 : index
        %get3A_589 = tpu.vector_load %arg17[%get3A_587, %get3A_588] {strides = array<i32>} : memref<400x32xf32, #tpu.memory_space<vmem>>, vector<16xf32>,
        %add3A_590 = arith.addf %get3A_586, %get3A_589 : vector<16xf32>
        %max3A_591 = arith.constant 0.000000e+00 : f32
        %max3A_592 = vector.broadcast %max3A_591 : f32 to vector<16xf32>
        %max3A_593 = arith.maximumf %add3A_590, %max3A_592 : vector<16xf32>
        %mul3A_594 = arith.constant 128 : i32
        %mul3A_595 = arith.muli %scan3A_489, %mul3A_594 : i32
        %add3A_596 = arith.constant 64 : i32
        %add3A_597 = arith.addi %mul3A_595, %add3A_596 : i32
        %add3A_598 = arith.constant 16 : i32
        %add3A_599 = arith.addi %add3A_597, %add3A_598 : i32
        %swap3A_600 = arith.index_cast %add3A_599 : i32 to index
        %swap3A_601 = tpu.vector_load %arg18[%swap3A_600] {strides = array<i32>} : memref<12800xf32, #tpu.memory_space<vmem>>, vector<16xf32>,
        tpu.vector_store %arg18[%swap3A_600], %max3A_593 {strides = array<i32>} : memref<12800xf32, #tpu.memory_space<vmem>>, vector<16xf32>,
        %mul3A_602 = arith.constant 4 : i32
        %mul3A_603 = arith.muli %scan3A_489, %mul3A_602 : i32
        %add3A_604 = arith.constant 3 : i32
        %add3A_605 = arith.addi %mul3A_603, %add3A_604 : i32
        %get3A_606 = arith.index_cast %add3A_605 : i32 to index
        %get3A_607 = arith.constant 0 : index
        %get3A_608 = tpu.vector_load %arg16[%get3A_606, %get3A_607] {strides = array<i32>} : memref<400x32xf32, #tpu.memory_space<vmem>>, vector<16xf32>,
        %get3A_609 = arith.index_cast %add3A_605 : i32 to index
        %get3A_610 = arith.constant 0 : index
        %get3A_611 = tpu.vector_load %arg17[%get3A_609, %get3A_610] {strides = array<i32>} : memref<400x32xf32, #tpu.memory_space<vmem>>, vector<16xf32>,
        %add3A_612 = arith.addf %get3A_608, %get3A_611 : vector<16xf32>
        %max3A_613 = arith.constant 0.000000e+00 : f32
        %max3A_614 = vector.broadcast %max3A_613 : f32 to vector<16xf32>
        %max3A_615 = arith.maximumf %add3A_612, %max3A_614 : vector<16xf32>
        %mul3A_616 = arith.constant 128 : i32
        %mul3A_617 = arith.muli %scan3A_489, %mul3A_616 : i32
        %add3A_618 = arith.constant 96 : i32
        %add3A_619 = arith.addi %mul3A_617, %add3A_618 : i32
        %swap3A_620 = arith.index_cast %add3A_619 : i32 to index
        %swap3A_621 = tpu.vector_load %arg18[%swap3A_620] {strides = array<i32>} : memref<12800xf32, #tpu.memory_space<vmem>>, vector<16xf32>,
        tpu.vector_store %arg18[%swap3A_620], %max3A_615 {strides = array<i32>} : memref<12800xf32, #tpu.memory_space<vmem>>, vector<16xf32>,
        %get3A_622 = arith.index_cast %add3A_605 : i32 to index
        %get3A_623 = arith.constant 16 : index
        %get3A_624 = tpu.vector_load %arg16[%get3A_622, %get3A_623] {strides = array<i32>} : memref<400x32xf32, #tpu.memory_space<vmem>>, vector<16xf32>,
        %get3A_625 = arith.index_cast %add3A_605 : i32 to index
        %get3A_626 = arith.constant 16 : index
        %get3A_627 = tpu.vector_load %arg17[%get3A_625, %get3A_626] {strides = array<i32>} : memref<400x32xf32, #tpu.memory_space<vmem>>, vector<16xf32>,
        %add3A_628 = arith.addf %get3A_624, %get3A_627 : vector<16xf32>
        %max3A_629 = arith.constant 0.000000e+00 : f32
        %max3A_630 = vector.broadcast %max3A_629 : f32 to vector<16xf32>
        %max3A_631 = arith.maximumf %add3A_628, %max3A_630 : vector<16xf32>
        %mul3A_632 = arith.constant 128 : i32
        %mul3A_633 = arith.muli %scan3A_489, %mul3A_632 : i32
        %add3A_634 = arith.constant 96 : i32
        %add3A_635 = arith.addi %mul3A_633, %add3A_634 : i32
        %add3A_636 = arith.constant 16 : i32
        %add3A_637 = arith.addi %add3A_635, %add3A_636 : i32
        %swap3A_638 = arith.index_cast %add3A_637 : i32 to index
        %swap3A_639 = tpu.vector_load %arg18[%swap3A_638] {strides = array<i32>} : memref<12800xf32, #tpu.memory_space<vmem>>, vector<16xf32>,
        tpu.vector_store %arg18[%swap3A_638], %max3A_631 {strides = array<i32>} : memref<12800xf32, #tpu.memory_space<vmem>>, vector<16xf32>,
        %scan3A_640 = arith.constant 0 : i32
        scf.yield %scan3A_640 : i32
      }
      %scan3A_475 = arith.constant 100 : i32
      %mul3A_476 = arith.constant 32 : i32
      %mul3A_477 = arith.muli %mul3A_404, %mul3A_476 : i32
      %dma_start3A_478 = tpu.memref_slice %arg6[%mul3A_477] : memref<10240000xf32, #tpu.memory_space<hbm>> -> memref<12800xf32, #tpu.memory_space<hbm>>
      %dma_start3A_479 = tpu.memref_slice %arg6[%mul3A_477] : memref<10240000xf32, #tpu.memory_space<hbm>> -> memref<12800xf32, #tpu.memory_space<hbm>>
      tpu.enqueue_dma source(%arg18 : memref<12800xf32, #tpu.memory_space<vmem>>) target(%dma_start3A_479 : memref<12800xf32, #tpu.memory_space<hbm>>) target_semaphore(%arg22 : memref<!tpu.dma_semaphore, #tpu.memory_space<semaphore_mem>>)
      %dma_wait3A_480 = arith.constant 0 : i32
      %dma_wait3A_481 = tpu.memref_slice %arg6[%dma_wait3A_480] : memref<10240000xf32, #tpu.memory_space<hbm>> -> memref<12800xf32, #tpu.memory_space<hbm>>
      %dma_wait3A_482 = arith.constant 0 : i32
      %dma_wait3A_483 = tpu.memref_slice %arg6[%dma_wait3A_482] : memref<10240000xf32, #tpu.memory_space<hbm>> -> memref<12800xf32, #tpu.memory_space<hbm>>
      tpu.wait_dma2 semaphore(%arg22 : memref<!tpu.dma_semaphore, #tpu.memory_space<semaphore_mem>>) src(%arg13 : memref<12800xf32, #tpu.memory_space<vmem>>) dst(%dma_wait3A_483 : memref<12800xf32, #tpu.memory_space<hbm>>)
      %dma_wait3A_484 = arith.constant 0 : i32
      %dma_wait3A_485 = tpu.memref_slice %arg6[%dma_wait3A_484] : memref<10240000xf32, #tpu.memory_space<hbm>> -> memref<12800xf32, #tpu.memory_space<hbm>>
      %dma_wait3A_486 = arith.constant 0 : i32
      %dma_wait3A_487 = tpu.memref_slice %arg6[%dma_wait3A_486] : memref<10240000xf32, #tpu.memory_space<hbm>> -> memref<12800xf32, #tpu.memory_space<hbm>>
      tpu.wait_dma2 semaphore(%arg22 : memref<!tpu.dma_semaphore, #tpu.memory_space<semaphore_mem>>) src(%arg18 : memref<12800xf32, #tpu.memory_space<vmem>>) dst(%dma_wait3A_487 : memref<12800xf32, #tpu.memory_space<hbm>>)
      %scan3A_488 = arith.constant 0 : i32
      scf.yield %scan3A_488 : i32
    }
    %scan3A_82 = arith.constant 12 : i32
    %add3A_83 = arith.constant 25 : i32
    %add3A_84 = arith.addi %mul3A_4, %add3A_83 : i32
    %sub3A = arith.constant 1 : i32
    %sub3A_85 = arith.subi %add3A_84, %sub3A : i32
    %mul3A_86 = arith.constant 400 : i32
    %mul3A_87 = arith.muli %sub3A_85, %mul3A_86 : i32
    %dma_wait3A_88 = arith.constant 0 : i32
    %dma_wait3A_89 = arith.constant 0 : i32
    %dma_wait3A_90 = tpu.memref_slice %arg11[%dma_wait3A_88, %dma_wait3A_89] : memref<400x32xf32, #tpu.memory_space<vmem>> -> memref<128x32xf32, #tpu.memory_space<vmem>>
    %dma_wait3A_91 = arith.constant 0 : i32
    %dma_wait3A_92 = tpu.memref_slice %arg9[%dma_wait3A_91] : memref<400xi32, #tpu.memory_space<vmem>> -> memref<128xi32, #tpu.memory_space<vmem>>
    %dma_wait3A_93 = arith.constant 0 : i32
    %dma_wait3A_94 = arith.constant 0 : i32
    %dma_wait3A_95 = tpu.memref_slice %arg7[%dma_wait3A_93, %dma_wait3A_94] : memref<10000x32xf32, #tpu.memory_space<vmem_shared>> -> memref<10000x32xf32, #tpu.memory_space<vmem_shared>>
    tpu.wait_indirect_dma semaphore(%arg20 : memref<!tpu.dma_semaphore, #tpu.memory_space<semaphore_mem>>) src(%dma_wait3A_95 : memref<10000x32xf32, #tpu.memory_space<vmem_shared>>) dst(%dma_wait3A_90 : memref<128x32xf32, #tpu.memory_space<vmem>>)
    %dma_wait3A_96 = arith.constant 0 : i32
    %dma_wait3A_97 = arith.constant 0 : i32
    %dma_wait3A_98 = tpu.memref_slice %arg12[%dma_wait3A_96, %dma_wait3A_97] : memref<400x32xf32, #tpu.memory_space<vmem>> -> memref<128x32xf32, #tpu.memory_space<vmem>>
    %dma_wait3A_99 = arith.constant 0 : i32
    %dma_wait3A_100 = tpu.memref_slice %arg10[%dma_wait3A_99] : memref<400xi32, #tpu.memory_space<vmem>> -> memref<128xi32, #tpu.memory_space<vmem>>
    %dma_wait3A_101 = arith.constant 0 : i32
    %dma_wait3A_102 = arith.constant 0 : i32
    %dma_wait3A_103 = tpu.memref_slice %arg8[%dma_wait3A_101, %dma_wait3A_102] : memref<10000x32xf32, #tpu.memory_space<vmem_shared>> -> memref<10000x32xf32, #tpu.memory_space<vmem_shared>>
    tpu.wait_indirect_dma semaphore(%arg21 : memref<!tpu.dma_semaphore, #tpu.memory_space<semaphore_mem>>) src(%dma_wait3A_103 : memref<10000x32xf32, #tpu.memory_space<vmem_shared>>) dst(%dma_wait3A_98 : memref<128x32xf32, #tpu.memory_space<vmem>>)
    %dma_wait3A_104 = arith.constant 128 : i32
    %dma_wait3A_105 = arith.constant 0 : i32
    %dma_wait3A_106 = tpu.memref_slice %arg11[%dma_wait3A_104, %dma_wait3A_105] : memref<400x32xf32, #tpu.memory_space<vmem>> -> memref<128x32xf32, #tpu.memory_space<vmem>>
    %dma_wait3A_107 = arith.constant 128 : i32
    %dma_wait3A_108 = tpu.memref_slice %arg9[%dma_wait3A_107] : memref<400xi32, #tpu.memory_space<vmem>> -> memref<128xi32, #tpu.memory_space<vmem>>
    %dma_wait3A_109 = arith.constant 0 : i32
    %dma_wait3A_110 = arith.constant 0 : i32
    %dma_wait3A_111 = tpu.memref_slice %arg7[%dma_wait3A_109, %dma_wait3A_110] : memref<10000x32xf32, #tpu.memory_space<vmem_shared>> -> memref<10000x32xf32, #tpu.memory_space<vmem_shared>>
    tpu.wait_indirect_dma semaphore(%arg20 : memref<!tpu.dma_semaphore, #tpu.memory_space<semaphore_mem>>) src(%dma_wait3A_111 : memref<10000x32xf32, #tpu.memory_space<vmem_shared>>) dst(%dma_wait3A_106 : memref<128x32xf32, #tpu.memory_space<vmem>>)
    %dma_wait3A_112 = arith.constant 128 : i32
    %dma_wait3A_113 = arith.constant 0 : i32
    %dma_wait3A_114 = tpu.memref_slice %arg12[%dma_wait3A_112, %dma_wait3A_113] : memref<400x32xf32, #tpu.memory_space<vmem>> -> memref<128x32xf32, #tpu.memory_space<vmem>>
    %dma_wait3A_115 = arith.constant 128 : i32
    %dma_wait3A_116 = tpu.memref_slice %arg10[%dma_wait3A_115] : memref<400xi32, #tpu.memory_space<vmem>> -> memref<128xi32, #tpu.memory_space<vmem>>
    %dma_wait3A_117 = arith.constant 0 : i32
    %dma_wait3A_118 = arith.constant 0 : i32
    %dma_wait3A_119 = tpu.memref_slice %arg8[%dma_wait3A_117, %dma_wait3A_118] : memref<10000x32xf32, #tpu.memory_space<vmem_shared>> -> memref<10000x32xf32, #tpu.memory_space<vmem_shared>>
    tpu.wait_indirect_dma semaphore(%arg21 : memref<!tpu.dma_semaphore, #tpu.memory_space<semaphore_mem>>) src(%dma_wait3A_119 : memref<10000x32xf32, #tpu.memory_space<vmem_shared>>) dst(%dma_wait3A_114 : memref<128x32xf32, #tpu.memory_space<vmem>>)
    %dma_wait3A_120 = arith.constant 256 : i32
    %dma_wait3A_121 = arith.constant 0 : i32
    %dma_wait3A_122 = tpu.memref_slice %arg11[%dma_wait3A_120, %dma_wait3A_121] : memref<400x32xf32, #tpu.memory_space<vmem>> -> memref<128x32xf32, #tpu.memory_space<vmem>>
    %dma_wait3A_123 = arith.constant 256 : i32
    %dma_wait3A_124 = tpu.memref_slice %arg9[%dma_wait3A_123] : memref<400xi32, #tpu.memory_space<vmem>> -> memref<128xi32, #tpu.memory_space<vmem>>
    %dma_wait3A_125 = arith.constant 0 : i32
    %dma_wait3A_126 = arith.constant 0 : i32
    %dma_wait3A_127 = tpu.memref_slice %arg7[%dma_wait3A_125, %dma_wait3A_126] : memref<10000x32xf32, #tpu.memory_space<vmem_shared>> -> memref<10000x32xf32, #tpu.memory_space<vmem_shared>>
    tpu.wait_indirect_dma semaphore(%arg20 : memref<!tpu.dma_semaphore, #tpu.memory_space<semaphore_mem>>) src(%dma_wait3A_127 : memref<10000x32xf32, #tpu.memory_space<vmem_shared>>) dst(%dma_wait3A_122 : memref<128x32xf32, #tpu.memory_space<vmem>>)
    %dma_wait3A_128 = arith.constant 256 : i32
    %dma_wait3A_129 = arith.constant 0 : i32
    %dma_wait3A_130 = tpu.memref_slice %arg12[%dma_wait3A_128, %dma_wait3A_129] : memref<400x32xf32, #tpu.memory_space<vmem>> -> memref<128x32xf32, #tpu.memory_space<vmem>>
    %dma_wait3A_131 = arith.constant 256 : i32
    %dma_wait3A_132 = tpu.memref_slice %arg10[%dma_wait3A_131] : memref<400xi32, #tpu.memory_space<vmem>> -> memref<128xi32, #tpu.memory_space<vmem>>
    %dma_wait3A_133 = arith.constant 0 : i32
    %dma_wait3A_134 = arith.constant 0 : i32
    %dma_wait3A_135 = tpu.memref_slice %arg8[%dma_wait3A_133, %dma_wait3A_134] : memref<10000x32xf32, #tpu.memory_space<vmem_shared>> -> memref<10000x32xf32, #tpu.memory_space<vmem_shared>>
    tpu.wait_indirect_dma semaphore(%arg21 : memref<!tpu.dma_semaphore, #tpu.memory_space<semaphore_mem>>) src(%dma_wait3A_135 : memref<10000x32xf32, #tpu.memory_space<vmem_shared>>) dst(%dma_wait3A_130 : memref<128x32xf32, #tpu.memory_space<vmem>>)
    %dma_wait3A_136 = arith.constant 384 : i32
    %dma_wait3A_137 = arith.constant 0 : i32
    %dma_wait3A_138 = tpu.memref_slice %arg11[%dma_wait3A_136, %dma_wait3A_137] : memref<400x32xf32, #tpu.memory_space<vmem>> -> memref<16x32xf32, #tpu.memory_space<vmem>>
    %dma_wait3A_139 = arith.constant 384 : i32
    %dma_wait3A_140 = tpu.memref_slice %arg9[%dma_wait3A_139] : memref<400xi32, #tpu.memory_space<vmem>> -> memref<16xi32, #tpu.memory_space<vmem>>
    %dma_wait3A_141 = arith.constant 0 : i32
    %dma_wait3A_142 = arith.constant 0 : i32
    %dma_wait3A_143 = tpu.memref_slice %arg7[%dma_wait3A_141, %dma_wait3A_142] : memref<10000x32xf32, #tpu.memory_space<vmem_shared>> -> memref<10000x32xf32, #tpu.memory_space<vmem_shared>>
    tpu.wait_indirect_dma semaphore(%arg20 : memref<!tpu.dma_semaphore, #tpu.memory_space<semaphore_mem>>) src(%dma_wait3A_143 : memref<10000x32xf32, #tpu.memory_space<vmem_shared>>) dst(%dma_wait3A_138 : memref<16x32xf32, #tpu.memory_space<vmem>>)
    %dma_wait3A_144 = arith.constant 384 : i32
    %dma_wait3A_145 = arith.constant 0 : i32
    %dma_wait3A_146 = tpu.memref_slice %arg12[%dma_wait3A_144, %dma_wait3A_145] : memref<400x32xf32, #tpu.memory_space<vmem>> -> memref<16x32xf32, #tpu.memory_space<vmem>>
    %dma_wait3A_147 = arith.constant 384 : i32
    %dma_wait3A_148 = tpu.memref_slice %arg10[%dma_wait3A_147] : memref<400xi32, #tpu.memory_space<vmem>> -> memref<16xi32, #tpu.memory_space<vmem>>
    %dma_wait3A_149 = arith.constant 0 : i32
    %dma_wait3A_150 = arith.constant 0 : i32
    %dma_wait3A_151 = tpu.memref_slice %arg8[%dma_wait3A_149, %dma_wait3A_150] : memref<10000x32xf32, #tpu.memory_space<vmem_shared>> -> memref<10000x32xf32, #tpu.memory_space<vmem_shared>>
    tpu.wait_indirect_dma semaphore(%arg21 : memref<!tpu.dma_semaphore, #tpu.memory_space<semaphore_mem>>) src(%dma_wait3A_151 : memref<10000x32xf32, #tpu.memory_space<vmem_shared>>) dst(%dma_wait3A_146 : memref<16x32xf32, #tpu.memory_space<vmem>>)
    %scan3A_152 = arith.constant 0 : i32
    %scan3A_153 = arith.constant 0 : i32
    %scan3A_154 = arith.constant 100 : i32
    %scan3A_155 = arith.addi %scan3A_153, %scan3A_154 : i32
    %scan3A_156 = arith.constant 1 : i32
    %scan3A_157 = scf.for %scan3A_167 = %scan3A_153 to %scan3A_155 step %scan3A_156 iter_args(%scan3A_168 = %scan3A_152) -> (i32)  : i32 {
      %mul3A_169 = arith.constant 4 : i32
      %mul3A_170 = arith.muli %scan3A_167, %mul3A_169 : i32
      %add3A_171 = arith.constant 0 : i32
      %add3A_172 = arith.addi %mul3A_170, %add3A_171 : i32
      %get3A = arith.index_cast %add3A_172 : i32 to index
      %get3A_173 = arith.constant 0 : index
      %get3A_174 = tpu.vector_load %arg11[%get3A, %get3A_173] {strides = array<i32>} : memref<400x32xf32, #tpu.memory_space<vmem>>, vector<16xf32>,
      %get3A_175 = arith.index_cast %add3A_172 : i32 to index
      %get3A_176 = arith.constant 0 : index
      %get3A_177 = tpu.vector_load %arg12[%get3A_175, %get3A_176] {strides = array<i32>} : memref<400x32xf32, #tpu.memory_space<vmem>>, vector<16xf32>,
      %add3A_178 = arith.addf %get3A_174, %get3A_177 : vector<16xf32>
      %max3A = arith.constant 0.000000e+00 : f32
      %max3A_179 = vector.broadcast %max3A : f32 to vector<16xf32>
      %max3A_180 = arith.maximumf %add3A_178, %max3A_179 : vector<16xf32>
      %mul3A_181 = arith.constant 128 : i32
      %mul3A_182 = arith.muli %scan3A_167, %mul3A_181 : i32
      %add3A_183 = arith.constant 0 : i32
      %add3A_184 = arith.addi %mul3A_182, %add3A_183 : i32
      %swap3A = arith.index_cast %add3A_184 : i32 to index
      %swap3A_185 = tpu.vector_load %arg13[%swap3A] {strides = array<i32>} : memref<12800xf32, #tpu.memory_space<vmem>>, vector<16xf32>,
      tpu.vector_store %arg13[%swap3A], %max3A_180 {strides = array<i32>} : memref<12800xf32, #tpu.memory_space<vmem>>, vector<16xf32>,
      %get3A_186 = arith.index_cast %add3A_172 : i32 to index
      %get3A_187 = arith.constant 16 : index
      %get3A_188 = tpu.vector_load %arg11[%get3A_186, %get3A_187] {strides = array<i32>} : memref<400x32xf32, #tpu.memory_space<vmem>>, vector<16xf32>,
      %get3A_189 = arith.index_cast %add3A_172 : i32 to index
      %get3A_190 = arith.constant 16 : index
      %get3A_191 = tpu.vector_load %arg12[%get3A_189, %get3A_190] {strides = array<i32>} : memref<400x32xf32, #tpu.memory_space<vmem>>, vector<16xf32>,
      %add3A_192 = arith.addf %get3A_188, %get3A_191 : vector<16xf32>
      %max3A_193 = arith.constant 0.000000e+00 : f32
      %max3A_194 = vector.broadcast %max3A_193 : f32 to vector<16xf32>
      %max3A_195 = arith.maximumf %add3A_192, %max3A_194 : vector<16xf32>
      %mul3A_196 = arith.constant 128 : i32
      %mul3A_197 = arith.muli %scan3A_167, %mul3A_196 : i32
      %add3A_198 = arith.constant 0 : i32
      %add3A_199 = arith.addi %mul3A_197, %add3A_198 : i32
      %add3A_200 = arith.constant 16 : i32
      %add3A_201 = arith.addi %add3A_199, %add3A_200 : i32
      %swap3A_202 = arith.index_cast %add3A_201 : i32 to index
      %swap3A_203 = tpu.vector_load %arg13[%swap3A_202] {strides = array<i32>} : memref<12800xf32, #tpu.memory_space<vmem>>, vector<16xf32>,
      tpu.vector_store %arg13[%swap3A_202], %max3A_195 {strides = array<i32>} : memref<12800xf32, #tpu.memory_space<vmem>>, vector<16xf32>,
      %mul3A_204 = arith.constant 4 : i32
      %mul3A_205 = arith.muli %scan3A_167, %mul3A_204 : i32
      %add3A_206 = arith.constant 1 : i32
      %add3A_207 = arith.addi %mul3A_205, %add3A_206 : i32
      %get3A_208 = arith.index_cast %add3A_207 : i32 to index
      %get3A_209 = arith.constant 0 : index
      %get3A_210 = tpu.vector_load %arg11[%get3A_208, %get3A_209] {strides = array<i32>} : memref<400x32xf32, #tpu.memory_space<vmem>>, vector<16xf32>,
      %get3A_211 = arith.index_cast %add3A_207 : i32 to index
      %get3A_212 = arith.constant 0 : index
      %get3A_213 = tpu.vector_load %arg12[%get3A_211, %get3A_212] {strides = array<i32>} : memref<400x32xf32, #tpu.memory_space<vmem>>, vector<16xf32>,
      %add3A_214 = arith.addf %get3A_210, %get3A_213 : vector<16xf32>
      %max3A_215 = arith.constant 0.000000e+00 : f32
      %max3A_216 = vector.broadcast %max3A_215 : f32 to vector<16xf32>
      %max3A_217 = arith.maximumf %add3A_214, %max3A_216 : vector<16xf32>
      %mul3A_218 = arith.constant 128 : i32
      %mul3A_219 = arith.muli %scan3A_167, %mul3A_218 : i32
      %add3A_220 = arith.constant 32 : i32
      %add3A_221 = arith.addi %mul3A_219, %add3A_220 : i32
      %swap3A_222 = arith.index_cast %add3A_221 : i32 to index
      %swap3A_223 = tpu.vector_load %arg13[%swap3A_222] {strides = array<i32>} : memref<12800xf32, #tpu.memory_space<vmem>>, vector<16xf32>,
      tpu.vector_store %arg13[%swap3A_222], %max3A_217 {strides = array<i32>} : memref<12800xf32, #tpu.memory_space<vmem>>, vector<16xf32>,
      %get3A_224 = arith.index_cast %add3A_207 : i32 to index
      %get3A_225 = arith.constant 16 : index
      %get3A_226 = tpu.vector_load %arg11[%get3A_224, %get3A_225] {strides = array<i32>} : memref<400x32xf32, #tpu.memory_space<vmem>>, vector<16xf32>,
      %get3A_227 = arith.index_cast %add3A_207 : i32 to index
      %get3A_228 = arith.constant 16 : index
      %get3A_229 = tpu.vector_load %arg12[%get3A_227, %get3A_228] {strides = array<i32>} : memref<400x32xf32, #tpu.memory_space<vmem>>, vector<16xf32>,
      %add3A_230 = arith.addf %get3A_226, %get3A_229 : vector<16xf32>
      %max3A_231 = arith.constant 0.000000e+00 : f32
      %max3A_232 = vector.broadcast %max3A_231 : f32 to vector<16xf32>
      %max3A_233 = arith.maximumf %add3A_230, %max3A_232 : vector<16xf32>
      %mul3A_234 = arith.constant 128 : i32
      %mul3A_235 = arith.muli %scan3A_167, %mul3A_234 : i32
      %add3A_236 = arith.constant 32 : i32
      %add3A_237 = arith.addi %mul3A_235, %add3A_236 : i32
      %add3A_238 = arith.constant 16 : i32
      %add3A_239 = arith.addi %add3A_237, %add3A_238 : i32
      %swap3A_240 = arith.index_cast %add3A_239 : i32 to index
      %swap3A_241 = tpu.vector_load %arg13[%swap3A_240] {strides = array<i32>} : memref<12800xf32, #tpu.memory_space<vmem>>, vector<16xf32>,
      tpu.vector_store %arg13[%swap3A_240], %max3A_233 {strides = array<i32>} : memref<12800xf32, #tpu.memory_space<vmem>>, vector<16xf32>,
      %mul3A_242 = arith.constant 4 : i32
      %mul3A_243 = arith.muli %scan3A_167, %mul3A_242 : i32
      %add3A_244 = arith.constant 2 : i32
      %add3A_245 = arith.addi %mul3A_243, %add3A_244 : i32
      %get3A_246 = arith.index_cast %add3A_245 : i32 to index
      %get3A_247 = arith.constant 0 : index
      %get3A_248 = tpu.vector_load %arg11[%get3A_246, %get3A_247] {strides = array<i32>} : memref<400x32xf32, #tpu.memory_space<vmem>>, vector<16xf32>,
      %get3A_249 = arith.index_cast %add3A_245 : i32 to index
      %get3A_250 = arith.constant 0 : index
      %get3A_251 = tpu.vector_load %arg12[%get3A_249, %get3A_250] {strides = array<i32>} : memref<400x32xf32, #tpu.memory_space<vmem>>, vector<16xf32>,
      %add3A_252 = arith.addf %get3A_248, %get3A_251 : vector<16xf32>
      %max3A_253 = arith.constant 0.000000e+00 : f32
      %max3A_254 = vector.broadcast %max3A_253 : f32 to vector<16xf32>
      %max3A_255 = arith.maximumf %add3A_252, %max3A_254 : vector<16xf32>
      %mul3A_256 = arith.constant 128 : i32
      %mul3A_257 = arith.muli %scan3A_167, %mul3A_256 : i32
      %add3A_258 = arith.constant 64 : i32
      %add3A_259 = arith.addi %mul3A_257, %add3A_258 : i32
      %swap3A_260 = arith.index_cast %add3A_259 : i32 to index
      %swap3A_261 = tpu.vector_load %arg13[%swap3A_260] {strides = array<i32>} : memref<12800xf32, #tpu.memory_space<vmem>>, vector<16xf32>,
      tpu.vector_store %arg13[%swap3A_260], %max3A_255 {strides = array<i32>} : memref<12800xf32, #tpu.memory_space<vmem>>, vector<16xf32>,
      %get3A_262 = arith.index_cast %add3A_245 : i32 to index
      %get3A_263 = arith.constant 16 : index
      %get3A_264 = tpu.vector_load %arg11[%get3A_262, %get3A_263] {strides = array<i32>} : memref<400x32xf32, #tpu.memory_space<vmem>>, vector<16xf32>,
      %get3A_265 = arith.index_cast %add3A_245 : i32 to index
      %get3A_266 = arith.constant 16 : index
      %get3A_267 = tpu.vector_load %arg12[%get3A_265, %get3A_266] {strides = array<i32>} : memref<400x32xf32, #tpu.memory_space<vmem>>, vector<16xf32>,
      %add3A_268 = arith.addf %get3A_264, %get3A_267 : vector<16xf32>
      %max3A_269 = arith.constant 0.000000e+00 : f32
      %max3A_270 = vector.broadcast %max3A_269 : f32 to vector<16xf32>
      %max3A_271 = arith.maximumf %add3A_268, %max3A_270 : vector<16xf32>
      %mul3A_272 = arith.constant 128 : i32
      %mul3A_273 = arith.muli %scan3A_167, %mul3A_272 : i32
      %add3A_274 = arith.constant 64 : i32
      %add3A_275 = arith.addi %mul3A_273, %add3A_274 : i32
      %add3A_276 = arith.constant 16 : i32
      %add3A_277 = arith.addi %add3A_275, %add3A_276 : i32
      %swap3A_278 = arith.index_cast %add3A_277 : i32 to index
      %swap3A_279 = tpu.vector_load %arg13[%swap3A_278] {strides = array<i32>} : memref<12800xf32, #tpu.memory_space<vmem>>, vector<16xf32>,
      tpu.vector_store %arg13[%swap3A_278], %max3A_271 {strides = array<i32>} : memref<12800xf32, #tpu.memory_space<vmem>>, vector<16xf32>,
      %mul3A_280 = arith.constant 4 : i32
      %mul3A_281 = arith.muli %scan3A_167, %mul3A_280 : i32
      %add3A_282 = arith.constant 3 : i32
      %add3A_283 = arith.addi %mul3A_281, %add3A_282 : i32
      %get3A_284 = arith.index_cast %add3A_283 : i32 to index
      %get3A_285 = arith.constant 0 : index
      %get3A_286 = tpu.vector_load %arg11[%get3A_284, %get3A_285] {strides = array<i32>} : memref<400x32xf32, #tpu.memory_space<vmem>>, vector<16xf32>,
      %get3A_287 = arith.index_cast %add3A_283 : i32 to index
      %get3A_288 = arith.constant 0 : index
      %get3A_289 = tpu.vector_load %arg12[%get3A_287, %get3A_288] {strides = array<i32>} : memref<400x32xf32, #tpu.memory_space<vmem>>, vector<16xf32>,
      %add3A_290 = arith.addf %get3A_286, %get3A_289 : vector<16xf32>
      %max3A_291 = arith.constant 0.000000e+00 : f32
      %max3A_292 = vector.broadcast %max3A_291 : f32 to vector<16xf32>
      %max3A_293 = arith.maximumf %add3A_290, %max3A_292 : vector<16xf32>
      %mul3A_294 = arith.constant 128 : i32
      %mul3A_295 = arith.muli %scan3A_167, %mul3A_294 : i32
      %add3A_296 = arith.constant 96 : i32
      %add3A_297 = arith.addi %mul3A_295, %add3A_296 : i32
      %swap3A_298 = arith.index_cast %add3A_297 : i32 to index
      %swap3A_299 = tpu.vector_load %arg13[%swap3A_298] {strides = array<i32>} : memref<12800xf32, #tpu.memory_space<vmem>>, vector<16xf32>,
      tpu.vector_store %arg13[%swap3A_298], %max3A_293 {strides = array<i32>} : memref<12800xf32, #tpu.memory_space<vmem>>, vector<16xf32>,
      %get3A_300 = arith.index_cast %add3A_283 : i32 to index
      %get3A_301 = arith.constant 16 : index
      %get3A_302 = tpu.vector_load %arg11[%get3A_300, %get3A_301] {strides = array<i32>} : memref<400x32xf32, #tpu.memory_space<vmem>>, vector<16xf32>,
      %get3A_303 = arith.index_cast %add3A_283 : i32 to index
      %get3A_304 = arith.constant 16 : index
      %get3A_305 = tpu.vector_load %arg12[%get3A_303, %get3A_304] {strides = array<i32>} : memref<400x32xf32, #tpu.memory_space<vmem>>, vector<16xf32>,
      %add3A_306 = arith.addf %get3A_302, %get3A_305 : vector<16xf32>
      %max3A_307 = arith.constant 0.000000e+00 : f32
      %max3A_308 = vector.broadcast %max3A_307 : f32 to vector<16xf32>
      %max3A_309 = arith.maximumf %add3A_306, %max3A_308 : vector<16xf32>
      %mul3A_310 = arith.constant 128 : i32
      %mul3A_311 = arith.muli %scan3A_167, %mul3A_310 : i32
      %add3A_312 = arith.constant 96 : i32
      %add3A_313 = arith.addi %mul3A_311, %add3A_312 : i32
      %add3A_314 = arith.constant 16 : i32
      %add3A_315 = arith.addi %add3A_313, %add3A_314 : i32
      %swap3A_316 = arith.index_cast %add3A_315 : i32 to index
      %swap3A_317 = tpu.vector_load %arg13[%swap3A_316] {strides = array<i32>} : memref<12800xf32, #tpu.memory_space<vmem>>, vector<16xf32>,
      tpu.vector_store %arg13[%swap3A_316], %max3A_309 {strides = array<i32>} : memref<12800xf32, #tpu.memory_space<vmem>>, vector<16xf32>,
      %scan3A_318 = arith.constant 0 : i32
      scf.yield %scan3A_318 : i32
    }
    %scan3A_158 = arith.constant 100 : i32
    %mul3A_159 = arith.constant 32 : i32
    %mul3A_160 = arith.muli %mul3A_87, %mul3A_159 : i32
    %dma_start3A_161 = tpu.memref_slice %arg6[%mul3A_160] : memref<10240000xf32, #tpu.memory_space<hbm>> -> memref<12800xf32, #tpu.memory_space<hbm>>
    %dma_start3A_162 = tpu.memref_slice %arg6[%mul3A_160] : memref<10240000xf32, #tpu.memory_space<hbm>> -> memref<12800xf32, #tpu.memory_space<hbm>>
    tpu.enqueue_dma source(%arg13 : memref<12800xf32, #tpu.memory_space<vmem>>) target(%dma_start3A_162 : memref<12800xf32, #tpu.memory_space<hbm>>) target_semaphore(%arg22 : memref<!tpu.dma_semaphore, #tpu.memory_space<semaphore_mem>>)
    %dma_wait3A_163 = arith.constant 0 : i32
    %dma_wait3A_164 = tpu.memref_slice %arg6[%dma_wait3A_163] : memref<10240000xf32, #tpu.memory_space<hbm>> -> memref<12800xf32, #tpu.memory_space<hbm>>
    %dma_wait3A_165 = arith.constant 0 : i32
    %dma_wait3A_166 = tpu.memref_slice %arg6[%dma_wait3A_165] : memref<10240000xf32, #tpu.memory_space<hbm>> -> memref<12800xf32, #tpu.memory_space<hbm>>
    tpu.wait_dma2 semaphore(%arg22 : memref<!tpu.dma_semaphore, #tpu.memory_space<semaphore_mem>>) src(%arg13 : memref<12800xf32, #tpu.memory_space<vmem>>) dst(%dma_wait3A_166 : memref<12800xf32, #tpu.memory_space<hbm>>)
    return
  }
}

module attributes {stable_mosaic.version = 14 : i64} {
  func.func @_prep_body(%arg0: memref<10000x128xf32, #tpu.memory_space<vmem>>, %arg1: memref<256x32xf32, #tpu.memory_space<vmem>>, %arg2: memref<1x32xf32, #tpu.memory_space<vmem>>, %arg3: memref<10000x32xf32, #tpu.memory_space<vmem>>, %arg4: memref<10000x32xf32, #tpu.memory_space<vmem>>) attributes {dimension_semantics = [], scalar_prefetch = 0 : i64, scratch_operands = 0 : i64, tpu.core_type = #tpu.core_type<tc>} {
    %get3A = arith.constant 0 : index
    %get3A_0 = arith.constant 0 : index
    %get3A_1 = vector.load %arg0[%get3A, %get3A_0] : memref<10000x128xf32, #tpu.memory_space<vmem>>, vector<10000x128xf32>
    %get3A_2 = arith.constant 0 : index
    %get3A_3 = arith.constant 0 : index
    %get3A_4 = vector.load %arg1[%get3A_2, %get3A_3] : memref<256x32xf32, #tpu.memory_space<vmem>>, vector<128x32xf32>
    %get3A_5 = arith.constant 128 : index
    %get3A_6 = arith.constant 0 : index
    %get3A_7 = vector.load %arg1[%get3A_5, %get3A_6] : memref<256x32xf32, #tpu.memory_space<vmem>>, vector<128x32xf32>
    %sub3A = arith.subf %get3A_4, %get3A_7 : vector<128x32xf32>
    %dot_general3A = arith.constant dense<0.000000e+00> : vector<10000x32xf32>
    %dot_general3A_8 = tpu.matmul %get3A_1, %sub3A, %dot_general3A {dimension_numbers = #tpu.dot_dimension_numbers<[1], [0], [0], [1], [0, 0, 1, 1], [], []>, transpose_lhs_hint = false} : vector<10000x128xf32>, vector<128x32xf32>, vector<10000x32xf32> -> vector<10000x32xf32>
    %get3A_9 = arith.constant 0 : index
    %get3A_10 = arith.constant 0 : index
    %get3A_11 = vector.load %arg2[%get3A_9, %get3A_10] : memref<1x32xf32, #tpu.memory_space<vmem>>, vector<1x32xf32>
    %add3A = vector.broadcast %get3A_11 : vector<1x32xf32> to vector<10000x32xf32>
    %add3A_12 = arith.addf %dot_general3A_8, %add3A : vector<10000x32xf32>
    %swap3A = arith.constant 0 : index
    %swap3A_13 = arith.constant 0 : index
    %swap3A_14 = vector.load %arg3[%swap3A, %swap3A_13] : memref<10000x32xf32, #tpu.memory_space<vmem>>, vector<10000x32xf32>
    tpu.vector_store %arg3[%swap3A, %swap3A_13], %add3A_12 {strides = array<i32>} : memref<10000x32xf32, #tpu.memory_space<vmem>>, vector<10000x32xf32>,
    %dot_general3A_15 = arith.constant dense<0.000000e+00> : vector<10000x32xf32>
    %dot_general3A_16 = tpu.matmul %get3A_1, %get3A_7, %dot_general3A_15 {dimension_numbers = #tpu.dot_dimension_numbers<[1], [0], [0], [1], [0, 0, 1, 1], [], []>, transpose_lhs_hint = false} : vector<10000x128xf32>, vector<128x32xf32>, vector<10000x32xf32> -> vector<10000x32xf32>
    %swap3A_17 = arith.constant 0 : index
    %swap3A_18 = arith.constant 0 : index
    %swap3A_19 = vector.load %arg4[%swap3A_17, %swap3A_18] : memref<10000x32xf32, #tpu.memory_space<vmem>>, vector<10000x32xf32>
    tpu.vector_store %arg4[%swap3A_17, %swap3A_18], %dot_general3A_16 {strides = array<i32>} : memref<10000x32xf32, #tpu.memory_space<vmem>>, vector<10000x32xf32>,
    return
  }
}

module attributes {stable_mosaic.version = 14 : i64} {
  func.func @_mm_body(%arg0: i32, %arg1: memref<3200x128xf32, #tpu.memory_space<vmem>>, %arg2: memref<128x128xf32, #tpu.memory_space<vmem>>, %arg3: memref<128x1xf32, #tpu.memory_space<vmem>>, %arg4: memref<128x3200xf32, #tpu.memory_space<vmem>>) attributes {dimension_semantics = [#tpu.dimension_semantics<arbitrary>], iteration_bounds = array<i64: 25>, scalar_prefetch = 0 : i64, scratch_operands = 0 : i64, tpu.core_type = #tpu.core_type<tc>, window_params = [{transform_indices = @transform_0, window_bounds = array<i64: 3200, 128>}, {pipeline_mode = #tpu.pipeline_mode<synchronous>, transform_indices = @transform_1, window_bounds = array<i64: 128, 128>}, {pipeline_mode = #tpu.pipeline_mode<synchronous>, transform_indices = @transform_2, window_bounds = array<i64: 128, 1>}, {transform_indices = @transform_3, window_bounds = array<i64: 128, 3200>}]} {
    %get3A = arith.constant 0 : index
    %get3A_0 = arith.constant 0 : index
    %get3A_1 = vector.load %arg2[%get3A, %get3A_0] : memref<128x128xf32, #tpu.memory_space<vmem>>, vector<128x128xf32>
    %get3A_2 = arith.constant 0 : index
    %get3A_3 = arith.constant 0 : index
    %get3A_4 = vector.load %arg1[%get3A_2, %get3A_3] : memref<3200x128xf32, #tpu.memory_space<vmem>>, vector<3200x128xf32>
    %dot_general3A = arith.constant dense<0.000000e+00> : vector<128x3200xf32>
    %dot_general3A_5 = tpu.matmul %get3A_1, %get3A_4, %dot_general3A {dimension_numbers = #tpu.dot_dimension_numbers<[1], [1], [0], [0], [0, 0, 1, 0], [], []>, transpose_lhs_hint = false} : vector<128x128xf32>, vector<3200x128xf32>, vector<128x3200xf32> -> vector<128x3200xf32>
    %get3A_6 = arith.constant 0 : index
    %get3A_7 = arith.constant 0 : index
    %get3A_8 = vector.load %arg3[%get3A_6, %get3A_7] : memref<128x1xf32, #tpu.memory_space<vmem>>, vector<128x1xf32>
    %add3A = vector.broadcast %get3A_8 : vector<128x1xf32> to vector<128x3200xf32>
    %add3A_9 = arith.addf %dot_general3A_5, %add3A : vector<128x3200xf32>
    %swap3A = arith.constant 0 : index
    %swap3A_10 = arith.constant 0 : index
    %swap3A_11 = vector.load %arg4[%swap3A, %swap3A_10] : memref<128x3200xf32, #tpu.memory_space<vmem>>, vector<128x3200xf32>
    tpu.vector_store %arg4[%swap3A, %swap3A_10], %add3A_9 {strides = array<i32>} : memref<128x3200xf32, #tpu.memory_space<vmem>>, vector<128x3200xf32>,
    return
  }
  func.func @transform_0(%arg0: i32) -> (i32, i32) {
    %c0_i32 = arith.constant 0 : i32
    %c0_i32_0 = arith.constant 0 : i32
    return %arg0, %c0_i32 : i32, i32
  }
  func.func @transform_1(%arg0: i32) -> (i32, i32) {
    %c0_i32 = arith.constant 0 : i32
    %c0_i32_0 = arith.constant 0 : i32
    %c0_i32_1 = arith.constant 0 : i32
    return %c0_i32, %c0_i32_0 : i32, i32
  }
  func.func @transform_2(%arg0: i32) -> (i32, i32) {
    %c0_i32 = arith.constant 0 : i32
    %c0_i32_0 = arith.constant 0 : i32
    %c0_i32_1 = arith.constant 0 : i32
    return %c0_i32, %c0_i32_0 : i32, i32
  }
  func.func @transform_3(%arg0: i32) -> (i32, i32) {
    %c0_i32 = arith.constant 0 : i32
    %c0_i32_0 = arith.constant 0 : i32
    return %c0_i32, %arg0 : i32, i32
  }
}

module attributes {stable_mosaic.version = 14 : i64} {
  func.func @_final_body(%arg0: memref<256x10000xf32, #tpu.memory_space<vmem>>, %arg1: memref<10000x1xi32, #tpu.memory_space<vmem>>, %arg2: memref<32x1xf32, #tpu.memory_space<vmem>>, %arg3: memref<32x1xf32, #tpu.memory_space<vmem>>, %arg4: memref<32x16xf32, #tpu.memory_space<vmem>>, %arg5: memref<16x1xf32, #tpu.memory_space<vmem>>, %arg6: memref<16x1xf32, #tpu.memory_space<vmem>>, %arg7: memref<1x1xf32, #tpu.memory_space<vmem>>, %arg8: memref<1x64xf32, #tpu.memory_space<vmem>>) attributes {dimension_semantics = [], scalar_prefetch = 0 : i64, scratch_operands = 0 : i64, tpu.core_type = #tpu.core_type<tc>} {
    %get3A = arith.constant 0 : index
    %get3A_0 = arith.constant 0 : index
    %get3A_1 = vector.load %arg0[%get3A, %get3A_0] : memref<256x10000xf32, #tpu.memory_space<vmem>>, vector<256x10000xf32>
    %slice3A = vector.extract_strided_slice %get3A_1 {offsets = [0, 0], sizes = [32, 10000], strides = [1, 1]} : vector<256x10000xf32> to vector<32x10000xf32>
    %slice3A_2 = vector.extract_strided_slice %get3A_1 {offsets = [32, 0], sizes = [32, 10000], strides = [1, 1]} : vector<256x10000xf32> to vector<32x10000xf32>
    %max3A = arith.maximumf %slice3A, %slice3A_2 : vector<32x10000xf32>
    %slice3A_3 = vector.extract_strided_slice %get3A_1 {offsets = [64, 0], sizes = [32, 10000], strides = [1, 1]} : vector<256x10000xf32> to vector<32x10000xf32>
    %max3A_4 = arith.maximumf %max3A, %slice3A_3 : vector<32x10000xf32>
    %slice3A_5 = vector.extract_strided_slice %get3A_1 {offsets = [96, 0], sizes = [32, 10000], strides = [1, 1]} : vector<256x10000xf32> to vector<32x10000xf32>
    %max3A_6 = arith.maximumf %max3A_4, %slice3A_5 : vector<32x10000xf32>
    %slice3A_7 = vector.extract_strided_slice %get3A_1 {offsets = [128, 0], sizes = [32, 10000], strides = [1, 1]} : vector<256x10000xf32> to vector<32x10000xf32>
    %max3A_8 = arith.maximumf %max3A_6, %slice3A_7 : vector<32x10000xf32>
    %slice3A_9 = vector.extract_strided_slice %get3A_1 {offsets = [160, 0], sizes = [32, 10000], strides = [1, 1]} : vector<256x10000xf32> to vector<32x10000xf32>
    %max3A_10 = arith.maximumf %max3A_8, %slice3A_9 : vector<32x10000xf32>
    %slice3A_11 = vector.extract_strided_slice %get3A_1 {offsets = [192, 0], sizes = [32, 10000], strides = [1, 1]} : vector<256x10000xf32> to vector<32x10000xf32>
    %max3A_12 = arith.maximumf %max3A_10, %slice3A_11 : vector<32x10000xf32>
    %slice3A_13 = vector.extract_strided_slice %get3A_1 {offsets = [224, 0], sizes = [32, 10000], strides = [1, 1]} : vector<256x10000xf32> to vector<32x10000xf32>
    %max3A_14 = arith.maximumf %max3A_12, %slice3A_13 : vector<32x10000xf32>
    %eq3A = arith.constant 0xFF800000 : f32
    %eq3A_15 = vector.broadcast %eq3A : f32 to vector<32x10000xf32>
    %eq3A_16 = arith.cmpf oeq, %max3A_14, %eq3A_15 : vector<32x10000xf32>
    %jit3A = arith.constant 0.000000e+00 : f32
    %broadcast_in_dim3A = vector.broadcast %jit3A : f32 to vector<32x10000xf32>
    %select_n3A = arith.select %eq3A_16, %broadcast_in_dim3A, %max3A_14 : vector<32x10000xi1>, vector<32x10000xf32>
    %reduce_sum3A = arith.constant dense<0.000000e+00> : vector<32xf32>
    %reduce_sum3A_17 = vector.multi_reduction <add>, %select_n3A, %reduce_sum3A [1] : vector<32x10000xf32> to vector<32xf32>
    %broadcast_in_dim3A_18 = vector.shape_cast %reduce_sum3A_17 : vector<32xf32> to vector<32x1xf32>
    %div3A = arith.constant 1.000000e+04 : f32
    %div3A_19 = vector.broadcast %div3A : f32 to vector<32x1xf32>
    %div3A_20 = arith.divf %broadcast_in_dim3A_18, %div3A_19 : vector<32x1xf32>
    %sub3A = vector.broadcast %div3A_20 : vector<32x1xf32> to vector<32x10000xf32>
    %sub3A_21 = arith.subf %select_n3A, %sub3A : vector<32x10000xf32>
    %mul3A = arith.mulf %sub3A_21, %sub3A_21 : vector<32x10000xf32>
    %reduce_sum3A_22 = arith.constant dense<0.000000e+00> : vector<32xf32>
    %reduce_sum3A_23 = vector.multi_reduction <add>, %mul3A, %reduce_sum3A_22 [1] : vector<32x10000xf32> to vector<32xf32>
    %broadcast_in_dim3A_24 = vector.shape_cast %reduce_sum3A_23 : vector<32xf32> to vector<32x1xf32>
    %div3A_25 = arith.constant 1.000000e+04 : f32
    %div3A_26 = vector.broadcast %div3A_25 : f32 to vector<32x1xf32>
    %div3A_27 = arith.divf %broadcast_in_dim3A_24, %div3A_26 : vector<32x1xf32>
    %add3A = arith.constant 9.99999974E-6 : f32
    %add3A_28 = vector.broadcast %add3A : f32 to vector<32x1xf32>
    %add3A_29 = arith.addf %div3A_27, %add3A_28 : vector<32x1xf32>
    %rsqrt3A = math.rsqrt %add3A_29 : vector<32x1xf32>
    %mul3A_30 = vector.broadcast %rsqrt3A : vector<32x1xf32> to vector<32x10000xf32>
    %mul3A_31 = arith.mulf %sub3A_21, %mul3A_30 : vector<32x10000xf32>
    %get3A_32 = arith.constant 0 : index
    %get3A_33 = arith.constant 0 : index
    %get3A_34 = vector.load %arg2[%get3A_32, %get3A_33] : memref<32x1xf32, #tpu.memory_space<vmem>>, vector<32x1xf32>
    %mul3A_35 = vector.broadcast %get3A_34 : vector<32x1xf32> to vector<32x10000xf32>
    %mul3A_36 = arith.mulf %mul3A_31, %mul3A_35 : vector<32x10000xf32>
    %get3A_37 = arith.constant 0 : index
    %get3A_38 = arith.constant 0 : index
    %get3A_39 = vector.load %arg3[%get3A_37, %get3A_38] : memref<32x1xf32, #tpu.memory_space<vmem>>, vector<32x1xf32>
    %add3A_40 = vector.broadcast %get3A_39 : vector<32x1xf32> to vector<32x10000xf32>
    %add3A_41 = arith.addf %mul3A_36, %add3A_40 : vector<32x10000xf32>
    %max3A_42 = arith.constant 0.000000e+00 : f32
    %max3A_43 = vector.broadcast %max3A_42 : f32 to vector<32x10000xf32>
    %max3A_44 = arith.maximumf %add3A_41, %max3A_43 : vector<32x10000xf32>
    %get3A_45 = arith.constant 0 : index
    %get3A_46 = arith.constant 0 : index
    %get3A_47 = vector.load %arg1[%get3A_45, %get3A_46] : memref<10000x1xi32, #tpu.memory_space<vmem>>, vector<10000x1xi32>
    %iota3A = tpu.iota {dimensions = array<i32: 1>} : vector<10000x64xi32>
    %eq3A_48 = vector.broadcast %get3A_47 : vector<10000x1xi32> to vector<10000x64xi32>
    %eq3A_49 = arith.cmpi eq, %eq3A_48, %iota3A : vector<10000x64xi32>
    %convert_element_type3A = arith.extui %eq3A_49 : vector<10000x64xi1> to vector<10000x64xi32>
    %convert_element_type3A_50 = arith.sitofp %convert_element_type3A : vector<10000x64xi32> to vector<10000x64xf32>
    %dot_general3A = arith.constant dense<0.000000e+00> : vector<32x64xf32>
    %dot_general3A_51 = tpu.matmul %max3A_44, %convert_element_type3A_50, %dot_general3A {dimension_numbers = #tpu.dot_dimension_numbers<[1], [0], [0], [1], [0, 0, 1, 1], [], []>, transpose_lhs_hint = false} : vector<32x10000xf32>, vector<10000x64xf32>, vector<32x64xf32> -> vector<32x64xf32>
    %reduce_sum3A_52 = arith.constant dense<0.000000e+00> : vector<64xf32>
    %reduce_sum3A_53 = vector.multi_reduction <add>, %convert_element_type3A_50, %reduce_sum3A_52 [0] : vector<10000x64xf32> to vector<64xf32>
    %broadcast_in_dim3A_54 = vector.shape_cast %reduce_sum3A_53 : vector<64xf32> to vector<1x64xf32>
    %max3A_55 = arith.constant 1.000000e+00 : f32
    %max3A_56 = vector.broadcast %max3A_55 : f32 to vector<1x64xf32>
    %max3A_57 = arith.maximumf %broadcast_in_dim3A_54, %max3A_56 : vector<1x64xf32>
    %div3A_58 = vector.broadcast %max3A_57 : vector<1x64xf32> to vector<32x64xf32>
    %div3A_59 = arith.divf %dot_general3A_51, %div3A_58 : vector<32x64xf32>
    %get3A_60 = arith.constant 0 : index
    %get3A_61 = arith.constant 0 : index
    %get3A_62 = vector.load %arg4[%get3A_60, %get3A_61] : memref<32x16xf32, #tpu.memory_space<vmem>>, vector<32x16xf32>
    %dot_general3A_63 = arith.constant dense<0.000000e+00> : vector<16x64xf32>
    %dot_general3A_64 = tpu.matmul %get3A_62, %div3A_59, %dot_general3A_63 {dimension_numbers = #tpu.dot_dimension_numbers<[0], [0], [1], [1], [0, 1, 1, 1], [], []>, transpose_lhs_hint = false} : vector<32x16xf32>, vector<32x64xf32>, vector<16x64xf32> -> vector<16x64xf32>
    %get3A_65 = arith.constant 0 : index
    %get3A_66 = arith.constant 0 : index
    %get3A_67 = vector.load %arg5[%get3A_65, %get3A_66] : memref<16x1xf32, #tpu.memory_space<vmem>>, vector<16x1xf32>
    %add3A_68 = vector.broadcast %get3A_67 : vector<16x1xf32> to vector<16x64xf32>
    %add3A_69 = arith.addf %dot_general3A_64, %add3A_68 : vector<16x64xf32>
    %max3A_70 = arith.constant 0.000000e+00 : f32
    %max3A_71 = vector.broadcast %max3A_70 : f32 to vector<16x64xf32>
    %max3A_72 = arith.maximumf %add3A_69, %max3A_71 : vector<16x64xf32>
    %get3A_73 = arith.constant 0 : index
    %get3A_74 = arith.constant 0 : index
    %get3A_75 = vector.load %arg6[%get3A_73, %get3A_74] : memref<16x1xf32, #tpu.memory_space<vmem>>, vector<16x1xf32>
    %dot_general3A_76 = arith.constant dense<0.000000e+00> : vector<1x64xf32>
    %dot_general3A_77 = tpu.matmul %get3A_75, %max3A_72, %dot_general3A_76 {dimension_numbers = #tpu.dot_dimension_numbers<[0], [0], [1], [1], [0, 1, 1, 1], [], []>, transpose_lhs_hint = false} : vector<16x1xf32>, vector<16x64xf32>, vector<1x64xf32> -> vector<1x64xf32>
    %get3A_78 = arith.constant 0 : index
    %get3A_79 = arith.constant 0 : index
    %get3A_80 = vector.load %arg7[%get3A_78, %get3A_79] : memref<1x1xf32, #tpu.memory_space<vmem>>, vector<1x1xf32>
    %add3A_81 = vector.broadcast %get3A_80 : vector<1x1xf32> to vector<1x64xf32>
    %add3A_82 = arith.addf %dot_general3A_77, %add3A_81 : vector<1x64xf32>
    %swap3A = arith.constant 0 : index
    %swap3A_83 = arith.constant 0 : index
    %swap3A_84 = vector.load %arg8[%swap3A, %swap3A_83] : memref<1x64xf32, #tpu.memory_space<vmem>>, vector<1x64xf32>
    tpu.vector_store %arg8[%swap3A, %swap3A_83], %add3A_82 {strides = array<i32>} : memref<1x64xf32, #tpu.memory_space<vmem>>, vector<1x64xf32>,
    return
  }
}

</mosaic_0001>

<sc_bundles>
// kernel: kernel.10.cloned.1.call-start
scs
__scs_entry_jumppad:
0x0: {  	(pc) =	sbr.rel $0x88, $3  }
0x1: {  	(tag) =	ssettag $0x0;
	lr =	simm.s32 $0x1  }
0x2: {  	[smem:$0x3F94] =	sst lr;
	_ =	strace $0xD0000000  }
0x3: {  	_ = 	snop  }
0x4: {  	_ = 	snop  }
0x5: {  	_ = 	snop  }
0x6: {  	_ = 	snop  }
0x7: {  	_ = 	snop  }
__scs_overlays_trampoline_lowered:
0x8: {  	[smem:$0x3FA3] =	sst s0  }
0x9: {  	[smem:$0x3FA4] =	sst s1  }
0xa: {  	[smem:$0x3FA5] =	sst s2  }
0xb: {  	[smem:$0x3FA6] =	sst s3  }
0xc: {  	[smem:$0x3FA7] =	sst s4  }
0xd: {  	[smem:$0x3FA8] =	sst s5  }
0xe: {  	[smem:$0x3FA9] =	sst s6  }
0xf: {  	[smem:$0x3FAA] =	sst s7  }
0x10: {  	[smem:$0x3FAB] =	sst s8  }
0x11: {  	[smem:$0x3FAC] =	sst s9;
	s0 =	simm.s32 @!p0 $0x0  }
0x12: {  	s1 =	sld [smem:$0x3F92];
	s0 =	simm.s32 @p0 $0x1  }
0x13: {  	[smem:$0x3FAD] =	sst s0;
	s0 =	simm.s32 @!p1 $0x0  }
0x14: {  	s2 =	sld [smem:$0x3F91];
	s0 =	simm.s32 @p1 $0x1  }
0x15: {  	[smem:$0x3FAE] =	sst s0;
	s0 =	simm.s32 @!p2 $0x0  }
0x16: {  	s3 =	sld [smem:$0x3FDB];
	s0 =	simm.s32 @p2 $0x1  }
0x17: {  	s4 =	simm.s32 $0x1BF5;
	[smem:$0x3FB0] =	sst s0  }
0x18: {  	s0 =	sld [smem:$0x3F93];
	_ =	swait.ge [sflag:s4], $0x0  }
0x19: {  	s7 =	sld [smem:$0x3F94]  }
0x1a: {  	s8 =	sadd.s32 $0xFFFFE003, lr  }
0x1b: {  	s9 =	sadd.s32 $0xFFFFFEF7, lr;
	s5 =	simm.s32 $0xFFFFFFFF;
	p2 =	slt.u32 s8, $0xFFFFF086  }
0x1c: {  	p1 =	slt.u32 s9, $0xF7A;
	s5 =	simm.s32 @!p2 $0x0  }
0x1d: {  	s5 =	simm.s32 @p1 $0x1;
	p0 =	seq.s32 s7, s2  }
0x1e: {  	s7 =	smul.u32 @!p0 $0xF7A, s2;
	p2 =	seq.s32 @!p0 s5, $0x0  }
0x1f: {  	s9 =	smul.u32 $0xF7A, s1;
	s8 =	simm.s32 @!p0 $0x1BF5;
	p2 =	por !p2, p0  }
0x20: {  	[sflag:s8] =	ssyncset.s32 @!p0 $0xFFFFF086;
	s6 =	sadd.s32 @!p0 s3, s7;
	s7 =	simm.s32 @!p0 $0x108  }
0x21: {  	s3 =	sadd.s32 s3, s9;
	s6 =	sadd.s32 @!p0 $0x88, s6;
	s7 =	simm.s32 @p2 $0x1082  }
0x22: {  	[simem:s7], [sflag:s8] =	dma.local @!p0 [hbm:s6], $0xF7A  }
0x23: {  	s9 =	sor.u32 $0xD0000000, s2;
	s6 =	simm.s32 $0x108;
	_ =	swait.ge @!p0 [sflag:s8], $0x0  }
0x24: {  	s3 =	sadd.s32 $0x88, s3;
	s6 =	simm.s32 @!p1 $0x1082;
	[sflag:s4] =	ssyncset.s32 $0xFFFFF086  }
0x25: {  	[simem:s6], [sflag:s4] =	dma.local [hbm:s3], $0xF7A  }
0x26: {  	[smem:$0x3F94] =	sst s1;
	(tag) =	ssettag s2;
	_ =	strace s9  }
0x27: {  	s1 =	sld [smem:$0x3FA4]  }
0x28: {  	s2 =	sld [smem:$0x3FA5]  }
0x29: {  	s4 =	sld [smem:$0x3FA7]  }
0x2a: {  	p0 =	seq.s32 s5, $0x0;
	s5 =	sld [smem:$0x3FA8]  }
0x2b: {  	s6 =	sld [smem:$0x3FA9]  }
0x2c: {  	s7 =	sld [smem:$0x3FAA]  }
0x2d: {  	s3 =	simm.s32 $0x108;
	s8 =	sld [smem:$0x3FAB]  }
0x2e: {  	s3 =	simm.s32 @!p0 $0x1082;
	s9 =	sld [smem:$0x3FAC]  }
0x2f: {  	lr =	sadd.s32 s0, s3;
	s0 =	sld [smem:$0x3FA3]  }
0x30: {  	s3 =	sld [smem:$0x3FA6]  }
0x31: {  	[smem:$0x3FAF] =	sst s10  }
0x32: {  	s10 =	sld [smem:$0x3FAD];
	_ =	sdelay $0x3  }
0x33: {  	p0 =	seq.s32 s10, $0x1;
	s10 =	sld [smem:$0x3FAF];
	_ =	sdelay $0x3  }
0x34: {  	[smem:$0x3FAF] =	sst s10  }
0x35: {  	s10 =	sld [smem:$0x3FAE];
	_ =	sdelay $0x3  }
0x36: {  	p1 =	seq.s32 s10, $0x1;
	s10 =	sld [smem:$0x3FAF];
	_ =	sdelay $0x3  }
0x37: {  	[smem:$0x3FAF] =	sst s10  }
0x38: {  	s10 =	sld [smem:$0x3FB0]  }
0x39: {  	_ = 	snop;
	(pc) =	sbr.ind lr, $3  }
0x3a: {  	_ = 	snop  }
0x3b: {  	_ = 	snop  }
0x3c: {  	p2 =	seq.s32 s10, $0x1;
	s10 =	sld [smem:$0x3FAF]  }
0x3d: {  	_ =	shalt  }
0x3e: {  	_ =	shalt  }
0x3f: {  	_ =	shalt  }
0x40: {  	_ =	shalt  }
0x41: {  	_ =	shalt  }
0x42: {  	_ =	shalt  }
0x43: {  	_ =	shalt  }
0x44: {  	_ =	shalt  }
0x45: {  	_ =	shalt  }
0x46: {  	_ =	shalt  }
0x47: {  	_ =	shalt  }
0x48: {  	_ =	shalt  }
0x49: {  	_ =	shalt  }
0x4a: {  	_ =	shalt  }
0x4b: {  	_ =	shalt  }
0x4c: {  	_ =	shalt  }
0x4d: {  	_ =	shalt  }
0x4e: {  	_ =	shalt  }
0x4f: {  	_ =	shalt  }
0x50: {  	_ =	shalt  }
0x51: {  	_ =	shalt  }
0x52: {  	_ =	shalt  }
0x53: {  	_ =	shalt  }
0x54: {  	_ =	shalt  }
0x55: {  	_ =	shalt  }
0x56: {  	_ =	shalt  }
0x57: {  	_ =	shalt  }
0x58: {  	_ =	shalt  }
0x59: {  	_ =	shalt  }
0x5a: {  	_ =	shalt  }
0x5b: {  	_ =	shalt  }
0x5c: {  	_ =	shalt  }
0x5d: {  	_ =	shalt  }
0x5e: {  	_ =	shalt  }
0x5f: {  	_ =	shalt  }
0x60: {  	_ =	shalt  }
0x61: {  	_ =	shalt  }
0x62: {  	_ =	shalt  }
0x63: {  	_ =	shalt  }
0x64: {  	_ =	shalt  }
0x65: {  	_ =	shalt  }
0x66: {  	_ =	shalt  }
0x67: {  	_ =	shalt  }
0x68: {  	_ =	shalt  }
0x69: {  	_ =	shalt  }
0x6a: {  	_ =	shalt  }
0x6b: {  	_ =	shalt  }
0x6c: {  	_ =	shalt  }
0x6d: {  	_ =	shalt  }
0x6e: {  	_ =	shalt  }
0x6f: {  	_ =	shalt  }
0x70: {  	_ =	shalt  }
0x71: {  	_ =	shalt  }
0x72: {  	_ =	shalt  }
0x73: {  	_ =	shalt  }
0x74: {  	_ =	shalt  }
0x75: {  	_ =	shalt  }
0x76: {  	_ =	shalt  }
0x77: {  	_ =	shalt  }
0x78: {  	_ =	shalt  }
0x79: {  	_ =	shalt  }
0x7a: {  	_ =	shalt  }
0x7b: {  	_ =	shalt  }
0x7c: {  	_ =	shalt  }
0x7d: {  	_ =	shalt  }
0x7e: {  	_ =	shalt  }
0x7f: {  	_ =	shalt  }
0x80: {  	_ =	shalt  }
0x81: {  	_ =	shalt  }
0x82: {  	_ =	shalt  }
0x83: {  	_ =	shalt  }
0x84: {  	_ =	shalt  }
0x85: {  	_ =	shalt  }
0x86: {  	_ =	shalt  }
0x87: {  	_ =	shalt  }
.Lfunc_end0:
.L_simem_size_0:
called_computation.1_lowered:
.L_overlay_start_0:
0x88: {  	s2 =	sld [smem:$0x3FD9]  }
0x89: {  	s3 =	sld [smem:$0x3FFE];
	_ =	sdelay $0x1  }
0x8a: {  	s1 =	srdreg.scid  }
0x8b: {  	s0 =	sand.u32 $0x1, s1  }
0x8c: {  	s16 =	sshll.u32 s0, $0xA;
	s2 =	sadd.s32 s3, s2  }
0x8d: {  	s2 =	sadd.s32 s2, s16  }
0x8e: {  	[smem:$0x3FBB] =	sst s2  }
0x8f: {  	_ = 	snop  }
0x90: {  	(tm) =	ssettm $0x1  }
0x91: {  	s17 =	sld [smem:$0x3FFB];
	_ =	sdelay $0x3  }
0x92: {  	_ =	strace s17  }
0x93: {  	s2 =	sld [smem:$0x3FFC];
	_ =	sdelay $0x3  }
0x94: {  	_ =	strace s2  }
0x95: {  	s2 =	sld [smem:$0x3FFD];
	_ =	sdelay $0x3  }
0x96: {  	_ =	strace s2  }
0x97: {  	_ =	strace $0x8FFFFFFF  }
0x98: {  	s18 =	sld [smem:$0x3FDB];
	_ =	sdelay $0x1  }
0x99: {  	s19 =	simm.s32 $_scs_section_size  }
0x9a: {  	s4 =	simm.s32 $_size__tile_overlayer_lowered;
	s5 =	simm.s32 $_tile_overlayer_lowered  }
0x9b: {  	s22 =	simm.s32 $0x1BFF;
	s21 =	sshll.u32 s5, $0x1;
	s2 =	sadd.s32 s19, s18  }
0x9c: {  	s6 =	simm.s32 $0x0;
	s20 =	sshll.u32 s4, $0x1;
	s4 =	sadd.s32 s21, s2  }
0x9d: {  	[timem:s6], [sflag:s22] =	dma.local [hbm:s4], s20  }
0x9e: {  	_ =	swait.ge [sflag:s22], s20  }
0x9f: {  	s3 =	ssub.s32 $0x0, s20;
	[sflag:s22] =	ssyncset.done $0x0  }
0xa0: {  	[sflag:s22] =	ssyncadd.s32 s3;
	_ =	sdelay $0x1  }
0xa1: {  	s23 =	simm.s32 $0x1B8B  }
0xa2: {  	_ =	swait.ge [sflag:s23], $0x1  }
0xa3: {  	[sflag:s23] =	ssyncset.done $0x0  }
0xa4: {  	s25 =	simm.s32 $0x1B8E;
	s24 =	sld [smem:$0x3FFE];
	[sflag:s23] =	ssyncadd.s32 $0xFFFFFFFF  }
0xa5: {  	s26 =	simm.s32 $execute0_lowered;
	[smem:$0x3FD2] =	sst s25  }
0xa6: {  	s4 =	sshll.u32 s26, $0x1;
	_ =	strace $0x80000049;
	[dreg:$0x1] =	wrdreg $0xFFFFFFFF  }
0xa7: {  	s28 =	simm.s32 $_size_execute0_lowered;
	s2 =	sadd.s32 s2, s4;
	[dreg:$0x0] =	wrdreg $0x0  }
0xa8: {  	s4 =	sshll.u32 s28, $0x1;
	[dreg:$0x2] =	wrdreg s2  }
0xa9: {  	[dreg:$0x3] =	wrdreg s4  }
0xaa: {  	[dreg:$0x4] =	wrdreg $0xC0  }
0xab: {  	_ =	task [dreg:s6], $0x5FFFF  }
0xac: {  	[dreg:$0x1] =	wrdreg $0xFFFFFFFF  }
0xad: {  	[dreg:$0x0] =	wrdreg $0x60  }
0xae: {  	[dreg:$0x2] =	wrdreg s24  }
0xaf: {  	[dreg:$0x3] =	wrdreg $0x9  }
0xb0: {  	_ =	task.clear_ibuf [dreg:s6], $0x4FFFF;
	_ =	strace $0x90000049  }
0xb1: {  	s29 =	simm.s32 $0x9;
	_ =	strace $0x8000004B  }
0xb2: {  	_ =	swait.ge [sflag:s29], $0x1  }
0xb3: {  	[sflag:s29] =	ssyncadd.s32 $0xFFFFFFFF  }
0xb4: {  	_ =	strace $0x9000004B  }
0xb5: {  	_ =	sfence  }
0xb6: {  	s30 =	sld [smem:$0x0];
	_ =	sdelay $0x2  }
0xb7: {  	s31 =	sshll.u32 s1, $0xD;
	s1 =	sshrl.u32 s1, $0x2  }
0xb8: {  	s3 =	sand.u32 $0x4000, s31;
	s1 =	sadd.s32 s1, s30  }
0xb9: {  	s0 =	sor.u32 s3, s0;
	s1 =	sshll.u32 s1, $0x11  }
0xba: {  	s0 =	sor.u32 s1, s0  }
0xbb: {  	s0 =	sadd.s32 $0x8F2B, s0  }
0xbc: {  	[sflag:s0] =	ssyncadd.remote.s32 $0x1  }
0xbd: {  	_ =	sfence.sel $0xFFFF  }
0xbe: {  	[dreg:$0x0] =	wrdreg $0xFFFFFFFF;
	(pc) =	sbr.abs _section_cstart, $3  }
0xbf: {  	[dreg:$0x1] =	wrdreg $0xFFFFFFFF  }
0xc0: {  	_ =	task.clear_ibuf [dreg:s6], $0x2FFFF;
	_ =	strace $0x9FFFFFFF  }
0xc1: {  	(tm) =	ssettm $0x7FFFFFFF  }
tec
execute0_lowered:
.L_overlay_start_1:
0x0: {  	(tag) =	ssettag $0x1  }
0x1: {  	s0 =	srdreg.scid  }
0x2: {  	s1 =	rddreg [dreg:$0x0];
	s8 =	stileid.u32  }
0x3: {  	s2 =	simm.s32 $0x0;
	s7 =	simm.s32 $0x1;
	s19 =	simm.s32 $0x13C00  }
0x4: {  	s28 =	simm.s32 $0xC580;
	s29 =	simm.s32 $0xED00;
	s30 =	simm.s32 $0x11480  }
0x5: {  	s31 =	simm.s32 $0x0;
	s0 =	sand.u32 $0x1, s0;
	s6 =	sand.u32 $0x7, s8  }
0x6: {  	[smem:$0x7FF] =	sst s2;
	s4 =	sadd.s32 $0x161800, s1;
	s3 =	sshll.u32 s0, $0x4  }
0x7: {  	p1 =	sne.s32 s6, $0x0;
	_ =	strace $0x8000004A;
	s5 =	sor.u32 s8, s3  }
0x8: {  	s6 =	sshll.u32 s6, $0x2;
	s0 =	ssub.s32 $0x2, s0;
	p0 =	seq.s32 s5, $0x0  }
0x9: {  	s3 =	sadd.s32 $0x16B600, s1;
	s1 =	sadd.s32 $0x1800, s1;
	p0 =	por !p1, !p0  }
0xa: {  	s10 =	sand.u32 $0x18, s6;
	s20 =	sshrl.u32 s0, $0x1;
	p0 =	por !p0, !p0  }
0xb: {  	s5 =	sshrl.u32 s5, $0x3;
	s0 =	ssub.s32 s0, s20;
	s7 =	simm.s32 @!p0 $0x0  }
0xc: {  	s20 =	simm.s32 $0x1A000;
	s9 =	ssub.s32 s5, s7;
	s5 =	sand.u32 $0x1, s8  }
0xd: {  	s18 =	smax.u32 s0, $0x1;
	s7 =	sshll.u32 s9, $0x6;
	s8 =	sshll.u32 s5, $0x5  }
0xe: {  	s11 =	sshll.u32 s9, $0x5;
	s22 =	ssub.s32 $0x1A, s5;
	s7 =	sor.u32 s8, s7  }
0xf: {  	s9 =	smul.u32 $0x13880, s9;
	s21 =	sor.u32 s6, s11;
	s7 =	sor.u32 s10, s7  }
0x10: {  	s6 =	simm.s32 $0x1;
	s8 =	sshrl.u32 s21, $0x3;
	s10 =	smul.u32 $0x2710, s7  }
0x11: {  	s21 =	simm.s32 $0x2;
	s7 =	sshrl.u32 s22, $0x1;
	s8 =	smul.u32 $0x9C400, s8  }
0x12: {  	s22 =	simm.s32 $0x1AC80;
	s23 =	sadd.s32 $0x2710, s10;
	s12 =	sshrl.u32 s10, $0x3  }
0x13: {  	s24 =	sadd.s32 $0x4E20, s10;
	s13 =	sadd.s32 $0x7530, s10;
	s14 =	sadd.s32 $0x9C40, s10  }
0x14: {  	s15 =	sadd.s32 $0xC350, s10;
	s16 =	sadd.s32 $0xEA60, s10;
	s10 =	sadd.s32 $0x11170, s10  }
0x15: {  	s11 =	sshrl.u32 s23, $0x3;
	s12 =	sadd.s32 s1, s12;
	s13 =	sshrl.u32 s13, $0x3  }
0x16: {  	s14 =	sshrl.u32 s14, $0x3;
	s15 =	sshrl.u32 s15, $0x3;
	s16 =	sshrl.u32 s16, $0x3  }
0x17: {  	s10 =	sshrl.u32 s10, $0x3;
	s23 =	simm.s32 $0x2780;
	[dreg:$0x2] =	wrdreg s12  }
.Ltmp0:
0x18: {  	s11 =	sadd.s32 s1, s11;
	s12 =	sshrl.u32 s24, $0x3;
	(pc) =	sbr.rel .LBB2_1-.Ltmp0, $4  }
0x19: {  	s26 =	sadd.s32 s1, s13;
	s14 =	sadd.s32 s1, s14;
	s15 =	sadd.s32 s1, s15  }
0x1a: {  	s16 =	sadd.s32 s1, s16;
	s17 =	sadd.s32 s1, s10;
	[dreg:$0x3] =	wrdreg s11  }
0x1b: {  	v0 =	vimm.f32 $-Inf;
	s24 =	simm.s32 $0x4F00;
	s25 =	sadd.s32 s1, s12;
	[dreg:$0x5] =	wrdreg s26  }
0x1c: {  	v1 =	vlaneseq.u32;
	v2 =	vimm.f32 $1.000000000e+00;
	v3 =	vimm.s32 $0x0;
	s26 =	simm.s32 $0x9E00;
	[dreg:$0x4] =	wrdreg s25;
	s25 =	simm.s32 $0x7680  }
.LBB2_11:
0x1d: {  	s0 =	rddreg [dreg:$0x2]  }
0x1e: {  	[hbm4b:s0+s2] =	stream.linear.scatter [tilespmem:s2], [sflag:$0x2], $0x2710, $0x38;
	[tilespmem:$0x1D400] =	vst v63  }
0x1f: {  	_ =	swait.ge [sflag:s21], $0x2710  }
0x20: {  	[sflag:s21] =	ssyncset.done $0x0  }
0x21: {  	s11 =	rddreg [dreg:$0x3];
	[sflag:s21] =	ssyncadd.s32 $0xFFFFD8F0  }
0x22: {  	[hbm4b:s11+s2] =	stream.linear.scatter [tilespmem:s23], [sflag:$0x2], $0x2710, $0x38;
	[tilespmem:$0x1D400] =	vst v63  }
0x23: {  	_ =	swait.ge [sflag:s21], $0x2710  }
0x24: {  	[sflag:s21] =	ssyncset.done $0x0  }
0x25: {  	s12 =	rddreg [dreg:$0x4];
	[sflag:s21] =	ssyncadd.s32 $0xFFFFD8F0  }
0x26: {  	[hbm4b:s12+s2] =	stream.linear.scatter [tilespmem:s24], [sflag:$0x2], $0x2710, $0x38;
	[tilespmem:$0x1D400] =	vst v63  }
0x27: {  	_ =	swait.ge [sflag:s21], $0x2710  }
0x28: {  	[sflag:s21] =	ssyncset.done $0x0  }
0x29: {  	s13 =	rddreg [dreg:$0x5];
	[sflag:s21] =	ssyncadd.s32 $0xFFFFD8F0  }
0x2a: {  	[hbm4b:s13+s2] =	stream.linear.scatter [tilespmem:s25], [sflag:$0x2], $0x2710, $0x38;
	[tilespmem:$0x1D400] =	vst v63  }
0x2b: {  	_ =	swait.ge [sflag:s21], $0x2710  }
0x2c: {  	[sflag:s21] =	ssyncset.done $0x0  }
0x2d: {  	[sflag:s21] =	ssyncadd.s32 $0xFFFFD8F0  }
0x2e: {  	[hbm4b:s14+s2] =	stream.linear.scatter [tilespmem:s26], [sflag:$0x2], $0x2710, $0x38;
	[tilespmem:$0x1D400] =	vst v63  }
0x2f: {  	_ =	swait.ge [sflag:s21], $0x2710  }
0x30: {  	[sflag:s21] =	ssyncset.done $0x0  }
0x31: {  	[sflag:s21] =	ssyncadd.s32 $0xFFFFD8F0  }
0x32: {  	[hbm4b:s15+s2] =	stream.linear.scatter [tilespmem:s28], [sflag:$0x2], $0x2710, $0x38;
	[tilespmem:$0x1D400] =	vst v63  }
0x33: {  	_ =	swait.ge [sflag:s21], $0x2710  }
0x34: {  	[sflag:s21] =	ssyncset.done $0x0  }
0x35: {  	[sflag:s21] =	ssyncadd.s32 $0xFFFFD8F0  }
0x36: {  	[hbm4b:s16+s2] =	stream.linear.scatter [tilespmem:s29], [sflag:$0x2], $0x2710, $0x38;
	[tilespmem:$0x1D400] =	vst v63  }
0x37: {  	s31 =	sadd.s32 $0x1, s31;
	_ =	swait.ge [sflag:s21], $0x2710  }
0x38: {  	p0 =	sne.s32 s31, s18;
	[sflag:s21] =	ssyncset.done $0x0  }
.Ltmp1:
0x39: {  	[sflag:s21] =	ssyncadd.s32 $0xFFFFD8F0;
	(pc) =	sbr.rel @!p0 .LBB2_12-.Ltmp1, $4  }
0x3a: {  	[hbm4b:s17+s2] =	stream.linear.scatter [tilespmem:s30], [sflag:$0x2], $0x2710, $0x38;
	[tilespmem:$0x1D400] =	vst v63  }
0x3b: {  	_ =	swait.ge [sflag:s21], $0x2710  }
0x3c: {  	[sflag:s21] =	ssyncset.done $0x0  }
0x3d: {  	[sflag:s21] =	ssyncadd.s32 $0xFFFFD8F0  }
.LBB2_1:
0x3e: {  	s1 =	simm.s32 $0x0;
	s0 =	simm.s32 $0x40  }
.LBB2_2:
0x3f: {  	p0 =	sne.s32 s0, $0x9C00;
	[tilespmem:s1+$0x11480] =	vst v0  }
0x40: {  	[tilespmem:s1+$0x0] =	vst v0  }
0x41: {  	[tilespmem:s1+$0x2780] =	vst v0  }
.Ltmp2:
0x42: {  	[tilespmem:s1+$0x4F00] =	vst v0;
	(pc) =	sbr.rel @p0 .LBB2_2-.Ltmp2, $4  }
0x43: {  	[tilespmem:s1+$0x7680] =	vst v0  }
0x44: {  	[tilespmem:s1+$0x9E00] =	vst v0  }
0x45: {  	[tilespmem:s1+$0xC580] =	vst v0  }
0x46: {  	[tilespmem:s1+$0xED00] =	vst v0;
	s1 =	sshra.s32 s0, $0x2;
	s0 =	sadd.s32 $0x40, s0  }
0x47: {  	[tilespmem:s1+$0x11480] =	vst v0  }
0x48: {  	[tilespmem:s1+$0x0] =	vst v0  }
0x49: {  	[tilespmem:s1+$0x2780] =	vst v0  }
.Ltmp3:
0x4a: {  	[tilespmem:s1+$0x4F00] =	vst v0;
	(pc) =	sbr.rel .LBB2_4-.Ltmp3, $4  }
0x4b: {  	[tilespmem:s1+$0x7680] =	vst v0  }
0x4c: {  	[tilespmem:s1+$0x9E00] =	vst v0  }
0x4d: {  	[tilespmem:s1+$0xC580] =	vst v0  }
0x4e: {  	s0 =	simm.s32 $0x0;
	[tilespmem:s1+$0xED00] =	vst v0;
	s1 =	simm.s32 $0x0  }
.LBB2_10:
0x4f: {  	s1 =	sadd.s32 $0x1, s1  }
0x50: {  	p0 =	sne.s32 s1, s7  }
.Ltmp4:
0x51: {  	_ = 	snop;
	(pc) =	sbr.rel @!p0 .LBB2_11-.Ltmp4, $1  }
0x52: {  	_ =	sdelay $0x3  }
.LBB2_4:
0x53: {  	s10 =	sshll.u32 s1, $0x1  }
0x54: {  	s10 =	sor.u32 s5, s10  }
0x55: {  	s11 =	smul.u32 $0x6400, s10  }
0x56: {  	s10 =	smul.u32 $0xC80, s10  }
0x57: {  	s11 =	sadd.s32 s8, s11  }
0x58: {  	s10 =	sadd.s32 s9, s10;
	s11 =	sshrl.u32 s11, $0x3  }
0x59: {  	s10 =	sshrl.u32 s10, $0x3;
	s11 =	sadd.s32 s3, s11  }
0x5a: {  	[tilespmem:s19], [sflag:$0x1] =	stream.linear.gather [hbm4b:s11+s0], $0x6400, $0x38;
	[tilespmem:$0x1D400] =	vst v63  }
0x5b: {  	s10 =	sadd.s32 s4, s10  }
0x5c: {  	[tilespmem:s20], [sflag:$0x2] =	stream.linear.gather [hbm4b:s10+s0], $0xC80, $0x38;
	[tilespmem:$0x1D400] =	vst v63  }
0x5d: {  	_ =	swait.ge [sflag:s21], $0xC80  }
.Ltmp5:
0x5e: {  	[sflag:s21] =	ssyncset.done $0x0;
	(pc) =	sbr.rel .LBB2_5-.Ltmp5, $4  }
0x5f: {  	[sflag:s21] =	ssyncadd.s32 $0xFFFFF380  }
0x60: {  	_ =	swait.ge [sflag:s6], $0x6400  }
0x61: {  	[sflag:s6] =	ssyncset.done $0x0  }
0x62: {  	s10 =	simm.s32 $0x0;
	[sflag:s6] =	ssyncadd.s32 $0xFFFF9C00  }
.LBB2_9:
0x63: {  	s10 =	sadd.s32 $0x1, s10  }
0x64: {  	p0 =	sne.s32 s10, $0xC8  }
.Ltmp6:
0x65: {  	_ = 	snop;
	(pc) =	sbr.rel @!p0 .LBB2_10-.Ltmp6, $1  }
0x66: {  	_ =	sdelay $0x3  }
.LBB2_5:
0x67: {  	s11 =	sshll.u32 s10, $0x4  }
0x68: {  	v4 =	vld [tilespmem:s11+$0x1A000];
	_ =	sdelay $0x5  }
0x69: {  	s12 =	sshll.u32 s10, $0x7  }
0x6a: {  	s11 =	sand.u32 $0x70, s11;
	s13 =	sand.u32 $0x7C00, s12  }
0x6b: {  	s13 =	sor.u32 s11, s13;
	[tilespmem:v4+s22+$0x0] =	vst.idx.msk $0xffff, v1  }
0x6c: {  	v5 =	vld [tilespmem:s13+$0x13C00]  }
0x6d: {  	v6 =	vld.idx.msk [tilespmem:v4+s2+$0x0], $0xffff;
	_ =	sdelay $0x4  }
0x6e: {  	v5 =	vmax.f32 v6, v5  }
0x6f: {  	v9 =	vld.idx.msk [tilespmem:v4+s22+$0x0], $0xffff;
	s13 =	sadd.s32 $0x13C00, s13;
	[tilespmem:v4+s2+$0x0] =	vst.idx.msk $0xffff, v5  }
0x70: {  	v6 =	vld [tilespmem:s13+$0x80]  }
0x71: {  	v7 =	vld.idx.msk [tilespmem:v4+s23+$0x0], $0xffff;
	_ =	sdelay $0x4  }
0x72: {  	v6 =	vmax.f32 v7, v6  }
0x73: {  	[tilespmem:v4+s23+$0x0] =	vst.idx.msk $0xffff, v6  }
0x74: {  	v7 =	vld [tilespmem:s13+$0x100]  }
0x75: {  	v8 =	vld.idx.msk [tilespmem:v4+s24+$0x0], $0xffff;
	_ =	sdelay $0x4  }
0x76: {  	v7 =	vmax.f32 v8, v7  }
0x77: {  	[tilespmem:v4+s24+$0x0] =	vst.idx.msk $0xffff, v7  }
0x78: {  	v8 =	vld [tilespmem:s13+$0x180]  }
0x79: {  	v10 =	vld.idx.msk [tilespmem:v4+s25+$0x0], $0xffff;
	_ =	sdelay $0x4  }
0x7a: {  	v8 =	vmax.f32 v10, v8  }
0x7b: {  	[tilespmem:v4+s25+$0x0] =	vst.idx.msk $0xffff, v8  }
0x7c: {  	v10 =	vld [tilespmem:s13+$0x200]  }
0x7d: {  	vm0 =	veq.s32 v9, v1;
	v11 =	vld.idx.msk [tilespmem:v4+s26+$0x0], $0xffff  }
0x7e: {  	v12 =	vsel vm0, $0x0, v2  }
0x7f: {  	(xrf0) =	vmax.scan.msk.f32 $0xffff, v12;
	_ =	sdelay $0x2  }
0x80: {  	v9 =	vmax.f32 v11, v10  }
0x81: {  	[tilespmem:v4+s26+$0x0] =	vst.idx.msk $0xffff, v9  }
0x82: {  	v10 =	vld [tilespmem:s13+$0x280]  }
0x83: {  	v12, _, _ =	vpop (xrf0);
	v11 =	vld.idx.msk [tilespmem:v4+s28+$0x0], $0xffff  }
0x84: {  	(v2sf) =	vpush v12, $0xF;
	_ =	sdelay $0x3  }
0x85: {  	v10 =	vmax.f32 v11, v10  }
0x86: {  	[tilespmem:v4+s28+$0x0] =	vst.idx.msk $0xffff, v10  }
0x87: {  	v11 =	vld [tilespmem:s13+$0x300]  }
0x88: {  	v12 =	vld.idx.msk [tilespmem:v4+s29+$0x0], $0xffff;
	_ =	sdelay $0x4  }
0x89: {  	s11 =	sor.u32 s11, s12;
	v11 =	vmax.f32 v12, v11  }
0x8a: {  	s11 =	sor.u32 $0x380, s11;
	[tilespmem:v4+s29+$0x0] =	vst.idx.msk $0xffff, v11  }
0x8b: {  	v12 =	vld [tilespmem:s11+$0x13C00]  }
0x8c: {  	s13 =	spop (v2sf);
	v13 =	vld.idx.msk [tilespmem:v4+s30+$0x0], $0xffff  }
0x8d: {  	p0 =	sgt.f32 s13, $0.0e+00  }
.Ltmp7:
0x8e: {  	_ = 	snop;
	(pc) =	sbr.rel @!p0 .LBB2_9-.Ltmp7, $3  }
0x8f: {  	_ =	sdelay $0x1  }
0x90: {  	v12 =	vmax.f32 v13, v12  }
0x91: {  	[tilespmem:v4+s30+$0x0] =	vst.idx.msk $0xffff, v12  }
0x92: {  	_ =	sdelay $0x3  }
0x93: {  	v13 =	vld.idx.msk [tilespmem:v4+s2+$0x0], $0xffff  }
0x94: {  	v14 =	vld.idx.msk [tilespmem:v4+s23+$0x0], $0xffff  }
0x95: {  	v15 =	vld.idx.msk [tilespmem:v4+s24+$0x0], $0xffff  }
0x96: {  	v16 =	vld.idx.msk [tilespmem:v4+s25+$0x0], $0xffff  }
0x97: {  	v17 =	vld.idx.msk [tilespmem:v4+s26+$0x0], $0xffff  }
0x98: {  	v18 =	vld.idx.msk [tilespmem:v4+s28+$0x0], $0xffff  }
0x99: {  	v19 =	vld.idx.msk [tilespmem:v4+s29+$0x0], $0xffff  }
.LBB2_7:
0x9a: {  	_ =	sdelay $0x2  }
0x9b: {  	vm0 =	vgt.f32 v6, v14;
	vm4 =	vgt.f32 v5, v13  }
0x9c: {  	v13 =	vld.idx.msk [tilespmem:v4+s30+$0x0], $0xffff;
	vm1 =	vgt.f32 v7, v15;
	v14 =	vsel vm0, $0x1, v3;
	v15 =	vsel vm4, $0x1, v3  }
0x9d: {  	vm2 =	vgt.f32 v8, v16;
	v62 =	vsel vm1, $0x1, v3;
	v14 =	vadd.s32 v15, v14  }
0x9e: {  	vm3 =	vgt.f32 v9, v17;
	v15 =	vsel vm2, $0x1, v3;
	v14 =	vadd.s32 v62, v14  }
0x9f: {  	vm5 =	vgt.f32 v10, v18;
	v63 =	vsel vm3, $0x1, v3;
	v14 =	vadd.s32 v15, v14  }
0xa0: {  	vm6 =	vgt.f32 v11, v19;
	v15 =	vsel vm5, $0x1, v3;
	v14 =	vadd.s32 v63, v14  }
0xa1: {  	vm7 =	vgt.f32 v12, v13;
	v13 =	vsel vm6, $0x1, v3;
	v14 =	vadd.s32 v15, v14  }
0xa2: {  	v15 =	vsel vm7, $0xFFFFFFFF, v3;
	v13 =	vadd.s32 v13, v14  }
0xa3: {  	vm8 =	veq.s32 v13, v15  }
0xa4: {  	v13 =	vsel vm8, $0x0, v2  }
0xa5: {  	(xrf0) =	vmax.scan.msk.f32 $0xffff, v13;
	_ =	sdelay $0x5  }
0xa6: {  	v13, _, _ =	vpop (xrf0)  }
0xa7: {  	(v2sf) =	vpush v13, $0xF;
	_ =	sdelay $0xe  }
0xa8: {  	s11 =	spop (v2sf)  }
0xa9: {  	p0 =	sgt.f32 s11, $0.0e+00  }
.Ltmp8:
0xaa: {  	_ = 	snop;
	(pc) =	sbr.rel @!p0 .LBB2_9-.Ltmp8, $1  }
0xab: {  	_ =	sdelay $0x3  }
0xac: {  	_ =	sdelay $0x4  }
0xad: {  	[tilespmem:v4+s2+$0x0] =	vst.idx.msk vm4, v5  }
0xae: {  	v13 =	vld.idx.msk [tilespmem:v4+s2+$0x0], $0xffff;
	[tilespmem:v4+s23+$0x0] =	vst.idx.msk vm0, v6  }
0xaf: {  	v14 =	vld.idx.msk [tilespmem:v4+s23+$0x0], $0xffff;
	[tilespmem:v4+s24+$0x0] =	vst.idx.msk vm1, v7  }
.Ltmp9:
0xb0: {  	v15 =	vld.idx.msk [tilespmem:v4+s24+$0x0], $0xffff;
	[tilespmem:v4+s25+$0x0] =	vst.idx.msk vm2, v8;
	(pc) =	sbr.rel .LBB2_7-.Ltmp9, $4  }
0xb1: {  	v16 =	vld.idx.msk [tilespmem:v4+s25+$0x0], $0xffff;
	[tilespmem:v4+s26+$0x0] =	vst.idx.msk vm3, v9  }
0xb2: {  	v17 =	vld.idx.msk [tilespmem:v4+s26+$0x0], $0xffff;
	[tilespmem:v4+s28+$0x0] =	vst.idx.msk vm5, v10  }
0xb3: {  	v18 =	vld.idx.msk [tilespmem:v4+s28+$0x0], $0xffff;
	[tilespmem:v4+s29+$0x0] =	vst.idx.msk vm6, v11  }
0xb4: {  	v19 =	vld.idx.msk [tilespmem:v4+s29+$0x0], $0xffff;
	[tilespmem:v4+s30+$0x0] =	vst.idx.msk vm7, v12  }
.LBB2_12:
0xb5: {  	_ =	sfence.sel $0x180000  }
0xb6: {  	[bflag:$0x0] =	sbarrier.arrive $0xFFFF  }
0xb7: {  	_ =	strace $0x9000004A  }
0xb8: {  	s0 =	stileid.u32;
	[bflag:$0x2] =	sbarrier.arrive $0xFFFF  }
0xb9: {  	p0 =	sne.s32 s0, $0x0;
	s0 =	rddreg [dreg:$0x1]  }
0xba: {  	s0 =	sadd.s32 @!p0 $0x100000, s0  }
0xbb: {  	[sflag:s0] =	ssyncadd.tile.s32 @!p0 $0x1;
	_ =	shalt  }
.Lfunc_end2:
_tile_overlayer_lowered:
.L_overlay_start_2:
0xbc: {  	(tag) =	ssettag $0x2  }
0xbd: {  	s0 =	rddreg [dreg:$0x0];
	s2 =	stileid.u32  }
0xbe: {  	s1 =	rddreg [dreg:$0x1];
	p0 =	sne.s32 s2, $0x0  }
0xbf: {  	s3 =	rddreg [dreg:$0x2];
	[bflag:$0x3] =	sbarrier.arrive $0xFFFF;
	s2 =	simm.s32 @!p0 $0x1C02  }
0xc0: {  	[timem:s3], [sflag:s2] =	dma.local @!p0 [hbm:s0], s1  }
0xc1: {  	s0 =	simm.s32 @!p0 $0x2  }
0xc2: {  	_ =	swait.ge @!p0 [sflag:s0], s1  }
0xc3: {  	s1 =	ssub.s32 @!p0 $0x0, s1;
	[sflag:s0] =	ssyncset.done @!p0 $0x0  }
0xc4: {  	[sflag:s0] =	ssyncadd.s32 @!p0 s1  }
0xc5: {  	[bflag:$0x3] =	sbarrier.arrive $0xFFFF  }
0xc6: {  	_ =	shalt  }

// kernel: kernel.7.cloned.1.call-start
scs
__scs_entry_jumppad:
0x0: {  	(pc) =	sbr.rel $0x88, $3  }
0x1: {  	(tag) =	ssettag $0x0;
	lr =	simm.s32 $0x1  }
0x2: {  	[smem:$0x3F94] =	sst lr;
	_ =	strace $0xD0000000  }
0x3: {  	_ = 	snop  }
0x4: {  	_ = 	snop  }
0x5: {  	_ = 	snop  }
0x6: {  	_ = 	snop  }
0x7: {  	_ = 	snop  }
__scs_overlays_trampoline_lowered:
0x8: {  	[smem:$0x3FA3] =	sst s0  }
0x9: {  	[smem:$0x3FA4] =	sst s1  }
0xa: {  	[smem:$0x3FA5] =	sst s2  }
0xb: {  	[smem:$0x3FA6] =	sst s3  }
0xc: {  	[smem:$0x3FA7] =	sst s4  }
0xd: {  	[smem:$0x3FA8] =	sst s5  }
0xe: {  	[smem:$0x3FA9] =	sst s6  }
0xf: {  	[smem:$0x3FAA] =	sst s7  }
0x10: {  	[smem:$0x3FAB] =	sst s8  }
0x11: {  	[smem:$0x3FAC] =	sst s9;
	s0 =	simm.s32 @!p0 $0x0  }
0x12: {  	s1 =	sld [smem:$0x3F92];
	s0 =	simm.s32 @p0 $0x1  }
0x13: {  	[smem:$0x3FAD] =	sst s0;
	s0 =	simm.s32 @!p1 $0x0  }
0x14: {  	s2 =	sld [smem:$0x3F91];
	s0 =	simm.s32 @p1 $0x1  }
0x15: {  	[smem:$0x3FAE] =	sst s0;
	s0 =	simm.s32 @!p2 $0x0  }
0x16: {  	s3 =	sld [smem:$0x3FDB];
	s0 =	simm.s32 @p2 $0x1  }
0x17: {  	s4 =	simm.s32 $0x1BF5;
	[smem:$0x3FB0] =	sst s0  }
0x18: {  	s0 =	sld [smem:$0x3F93];
	_ =	swait.ge [sflag:s4], $0x0  }
0x19: {  	s7 =	sld [smem:$0x3F94]  }
0x1a: {  	s8 =	sadd.s32 $0xFFFFE003, lr  }
0x1b: {  	s9 =	sadd.s32 $0xFFFFFEF7, lr;
	s5 =	simm.s32 $0xFFFFFFFF;
	p2 =	slt.u32 s8, $0xFFFFF086  }
0x1c: {  	p1 =	slt.u32 s9, $0xF7A;
	s5 =	simm.s32 @!p2 $0x0  }
0x1d: {  	s5 =	simm.s32 @p1 $0x1;
	p0 =	seq.s32 s7, s2  }
0x1e: {  	s7 =	smul.u32 @!p0 $0xF7A, s2;
	p2 =	seq.s32 @!p0 s5, $0x0  }
0x1f: {  	s9 =	smul.u32 $0xF7A, s1;
	s8 =	simm.s32 @!p0 $0x1BF5;
	p2 =	por !p2, p0  }
0x20: {  	[sflag:s8] =	ssyncset.s32 @!p0 $0xFFFFF086;
	s6 =	sadd.s32 @!p0 s3, s7;
	s7 =	simm.s32 @!p0 $0x108  }
0x21: {  	s3 =	sadd.s32 s3, s9;
	s6 =	sadd.s32 @!p0 $0x88, s6;
	s7 =	simm.s32 @p2 $0x1082  }
0x22: {  	[simem:s7], [sflag:s8] =	dma.local @!p0 [hbm:s6], $0xF7A  }
0x23: {  	s9 =	sor.u32 $0xD0000000, s2;
	s6 =	simm.s32 $0x108;
	_ =	swait.ge @!p0 [sflag:s8], $0x0  }
0x24: {  	s3 =	sadd.s32 $0x88, s3;
	s6 =	simm.s32 @!p1 $0x1082;
	[sflag:s4] =	ssyncset.s32 $0xFFFFF086  }
0x25: {  	[simem:s6], [sflag:s4] =	dma.local [hbm:s3], $0xF7A  }
0x26: {  	[smem:$0x3F94] =	sst s1;
	(tag) =	ssettag s2;
	_ =	strace s9  }
0x27: {  	s1 =	sld [smem:$0x3FA4]  }
0x28: {  	s2 =	sld [smem:$0x3FA5]  }
0x29: {  	s4 =	sld [smem:$0x3FA7]  }
0x2a: {  	p0 =	seq.s32 s5, $0x0;
	s5 =	sld [smem:$0x3FA8]  }
0x2b: {  	s6 =	sld [smem:$0x3FA9]  }
0x2c: {  	s7 =	sld [smem:$0x3FAA]  }
0x2d: {  	s3 =	simm.s32 $0x108;
	s8 =	sld [smem:$0x3FAB]  }
0x2e: {  	s3 =	simm.s32 @!p0 $0x1082;
	s9 =	sld [smem:$0x3FAC]  }
0x2f: {  	lr =	sadd.s32 s0, s3;
	s0 =	sld [smem:$0x3FA3]  }
0x30: {  	s3 =	sld [smem:$0x3FA6]  }
0x31: {  	[smem:$0x3FAF] =	sst s10  }
0x32: {  	s10 =	sld [smem:$0x3FAD];
	_ =	sdelay $0x3  }
0x33: {  	p0 =	seq.s32 s10, $0x1;
	s10 =	sld [smem:$0x3FAF];
	_ =	sdelay $0x3  }
0x34: {  	[smem:$0x3FAF] =	sst s10  }
0x35: {  	s10 =	sld [smem:$0x3FAE];
	_ =	sdelay $0x3  }
0x36: {  	p1 =	seq.s32 s10, $0x1;
	s10 =	sld [smem:$0x3FAF];
	_ =	sdelay $0x3  }
0x37: {  	[smem:$0x3FAF] =	sst s10  }
0x38: {  	s10 =	sld [smem:$0x3FB0]  }
0x39: {  	_ = 	snop;
	(pc) =	sbr.ind lr, $3  }
0x3a: {  	_ = 	snop  }
0x3b: {  	_ = 	snop  }
0x3c: {  	p2 =	seq.s32 s10, $0x1;
	s10 =	sld [smem:$0x3FAF]  }
0x3d: {  	_ =	shalt  }
0x3e: {  	_ =	shalt  }
0x3f: {  	_ =	shalt  }
0x40: {  	_ =	shalt  }
0x41: {  	_ =	shalt  }
0x42: {  	_ =	shalt  }
0x43: {  	_ =	shalt  }
0x44: {  	_ =	shalt  }
0x45: {  	_ =	shalt  }
0x46: {  	_ =	shalt  }
0x47: {  	_ =	shalt  }
0x48: {  	_ =	shalt  }
0x49: {  	_ =	shalt  }
0x4a: {  	_ =	shalt  }
0x4b: {  	_ =	shalt  }
0x4c: {  	_ =	shalt  }
0x4d: {  	_ =	shalt  }
0x4e: {  	_ =	shalt  }
0x4f: {  	_ =	shalt  }
0x50: {  	_ =	shalt  }
0x51: {  	_ =	shalt  }
0x52: {  	_ =	shalt  }
0x53: {  	_ =	shalt  }
0x54: {  	_ =	shalt  }
0x55: {  	_ =	shalt  }
0x56: {  	_ =	shalt  }
0x57: {  	_ =	shalt  }
0x58: {  	_ =	shalt  }
0x59: {  	_ =	shalt  }
0x5a: {  	_ =	shalt  }
0x5b: {  	_ =	shalt  }
0x5c: {  	_ =	shalt  }
0x5d: {  	_ =	shalt  }
0x5e: {  	_ =	shalt  }
0x5f: {  	_ =	shalt  }
0x60: {  	_ =	shalt  }
0x61: {  	_ =	shalt  }
0x62: {  	_ =	shalt  }
0x63: {  	_ =	shalt  }
0x64: {  	_ =	shalt  }
0x65: {  	_ =	shalt  }
0x66: {  	_ =	shalt  }
0x67: {  	_ =	shalt  }
0x68: {  	_ =	shalt  }
0x69: {  	_ =	shalt  }
0x6a: {  	_ =	shalt  }
0x6b: {  	_ =	shalt  }
0x6c: {  	_ =	shalt  }
0x6d: {  	_ =	shalt  }
0x6e: {  	_ =	shalt  }
0x6f: {  	_ =	shalt  }
0x70: {  	_ =	shalt  }
0x71: {  	_ =	shalt  }
0x72: {  	_ =	shalt  }
0x73: {  	_ =	shalt  }
0x74: {  	_ =	shalt  }
0x75: {  	_ =	shalt  }
0x76: {  	_ =	shalt  }
0x77: {  	_ =	shalt  }
0x78: {  	_ =	shalt  }
0x79: {  	_ =	shalt  }
0x7a: {  	_ =	shalt  }
0x7b: {  	_ =	shalt  }
0x7c: {  	_ =	shalt  }
0x7d: {  	_ =	shalt  }
0x7e: {  	_ =	shalt  }
0x7f: {  	_ =	shalt  }
0x80: {  	_ =	shalt  }
0x81: {  	_ =	shalt  }
0x82: {  	_ =	shalt  }
0x83: {  	_ =	shalt  }
0x84: {  	_ =	shalt  }
0x85: {  	_ =	shalt  }
0x86: {  	_ =	shalt  }
0x87: {  	_ =	shalt  }
.Lfunc_end0:
.L_simem_size_0:
called_computation_lowered:
.L_overlay_start_0:
0x88: {  	s2 =	sld [smem:$0x3FD9]  }
0x89: {  	s3 =	sld [smem:$0x3FFE];
	_ =	sdelay $0x1  }
0x8a: {  	s1 =	srdreg.scid  }
0x8b: {  	s0 =	sand.u32 $0x1, s1  }
0x8c: {  	s16 =	sshll.u32 s0, $0xA;
	s2 =	sadd.s32 s3, s2  }
0x8d: {  	s2 =	sadd.s32 s2, s16  }
0x8e: {  	[smem:$0x3FBB] =	sst s2  }
0x8f: {  	_ = 	snop  }
0x90: {  	(tm) =	ssettm $0x1  }
0x91: {  	s17 =	sld [smem:$0x3FFB];
	_ =	sdelay $0x3  }
0x92: {  	_ =	strace s17  }
0x93: {  	s2 =	sld [smem:$0x3FFC];
	_ =	sdelay $0x3  }
0x94: {  	_ =	strace s2  }
0x95: {  	s2 =	sld [smem:$0x3FFD];
	_ =	sdelay $0x3  }
0x96: {  	_ =	strace s2  }
0x97: {  	_ =	strace $0x8FFFFFFF  }
0x98: {  	s18 =	sld [smem:$0x3FDB];
	_ =	sdelay $0x1  }
0x99: {  	s19 =	simm.s32 $_scs_section_size  }
0x9a: {  	s4 =	simm.s32 $_size__tile_overlayer_lowered;
	s5 =	simm.s32 $_tile_overlayer_lowered  }
0x9b: {  	s22 =	simm.s32 $0x1BFF;
	s21 =	sshll.u32 s5, $0x1;
	s2 =	sadd.s32 s19, s18  }
0x9c: {  	s6 =	simm.s32 $0x0;
	s20 =	sshll.u32 s4, $0x1;
	s4 =	sadd.s32 s21, s2  }
0x9d: {  	[timem:s6], [sflag:s22] =	dma.local [hbm:s4], s20  }
0x9e: {  	_ =	swait.ge [sflag:s22], s20  }
0x9f: {  	s3 =	ssub.s32 $0x0, s20;
	[sflag:s22] =	ssyncset.done $0x0  }
0xa0: {  	[sflag:s22] =	ssyncadd.s32 s3;
	_ =	sdelay $0x1  }
0xa1: {  	s23 =	simm.s32 $0x1B8B  }
0xa2: {  	_ =	swait.ge [sflag:s23], $0x1  }
0xa3: {  	[sflag:s23] =	ssyncset.done $0x0  }
0xa4: {  	s25 =	simm.s32 $0x1B8E;
	s24 =	sld [smem:$0x3FFE];
	[sflag:s23] =	ssyncadd.s32 $0xFFFFFFFF  }
0xa5: {  	s26 =	simm.s32 $execute0_lowered;
	[smem:$0x3FD2] =	sst s25  }
0xa6: {  	s4 =	sshll.u32 s26, $0x1;
	_ =	strace $0x80000046;
	[dreg:$0x1] =	wrdreg $0xFFFFFFFF  }
0xa7: {  	s28 =	simm.s32 $_size_execute0_lowered;
	s2 =	sadd.s32 s2, s4;
	[dreg:$0x0] =	wrdreg $0x0  }
0xa8: {  	s4 =	sshll.u32 s28, $0x1;
	[dreg:$0x2] =	wrdreg s2  }
0xa9: {  	[dreg:$0x3] =	wrdreg s4  }
0xaa: {  	[dreg:$0x4] =	wrdreg $0xC0  }
0xab: {  	_ =	task [dreg:s6], $0x5FFFF  }
0xac: {  	[dreg:$0x1] =	wrdreg $0xFFFFFFFF  }
0xad: {  	[dreg:$0x0] =	wrdreg $0x60  }
0xae: {  	[dreg:$0x2] =	wrdreg s24  }
0xaf: {  	[dreg:$0x3] =	wrdreg $0x0  }
0xb0: {  	[dreg:$0x4] =	wrdreg $0x4E200  }
0xb1: {  	[dreg:$0x5] =	wrdreg $0x9  }
0xb2: {  	_ =	task.clear_ibuf [dreg:s6], $0x6FFFF;
	_ =	strace $0x90000046  }
0xb3: {  	s29 =	simm.s32 $0x9;
	_ =	strace $0x80000048  }
0xb4: {  	_ =	swait.ge [sflag:s29], $0x1  }
0xb5: {  	[sflag:s29] =	ssyncadd.s32 $0xFFFFFFFF  }
0xb6: {  	_ =	strace $0x90000048  }
0xb7: {  	_ =	sfence  }
0xb8: {  	s30 =	sld [smem:$0x0];
	_ =	sdelay $0x2  }
0xb9: {  	s31 =	sshll.u32 s1, $0xD;
	s1 =	sshrl.u32 s1, $0x2  }
0xba: {  	s3 =	sand.u32 $0x4000, s31;
	s1 =	sadd.s32 s1, s30  }
0xbb: {  	s0 =	sor.u32 s3, s0;
	s1 =	sshll.u32 s1, $0x11  }
0xbc: {  	s0 =	sor.u32 s1, s0  }
0xbd: {  	s0 =	sadd.s32 $0x8F2B, s0  }
0xbe: {  	[sflag:s0] =	ssyncadd.remote.s32 $0x1  }
0xbf: {  	_ =	sfence.sel $0xFFFF  }
0xc0: {  	[dreg:$0x0] =	wrdreg $0xFFFFFFFF;
	(pc) =	sbr.abs _section_cstart, $3  }
0xc1: {  	[dreg:$0x1] =	wrdreg $0xFFFFFFFF  }
0xc2: {  	_ =	task.clear_ibuf [dreg:s6], $0x2FFFF;
	_ =	strace $0x9FFFFFFF  }
0xc3: {  	(tm) =	ssettm $0x7FFFFFFF  }
tec
execute0_lowered:
.L_overlay_start_1:
0x0: {  	(tag) =	ssettag $0x1  }
0x1: {  	s0 =	rddreg [dreg:$0x0]  }
0x2: {  	s1 =	rddreg [dreg:$0x1]  }
0x3: {  	s2 =	rddreg [dreg:$0x2];
	s4 =	srdreg.scid  }
0x4: {  	s3 =	simm.s32 $0x0;
	s5 =	stileid.u32;
	s16 =	simm.s32 $0x9C40  }
0x5: {  	s17 =	simm.s32 $0x9DD0;
	s18 =	simm.s32 $0x1;
	s19 =	simm.s32 $0x80  }
0x6: {  	s30 =	simm.s32 $0xF160;
	s31 =	simm.s32 $0x10;
	s23 =	simm.s32 $0x19A80  }
0x7: {  	s20 =	simm.s32 $0x2;
	s24 =	simm.s32 $0x3;
	s14 =	simm.s32 $0x10360  }
0x8: {  	s21 =	simm.s32 $0x4;
	s15 =	simm.s32 $0x0;
	s4 =	sand.u32 $0x1, s4  }
0x9: {  	[smem:$0x7FF] =	sst s3;
	s7 =	sadd.s32 $0x1F200, s0;
	s25 =	sadd.s32 $0x15400, s0  }
0xa: {  	s8 =	sadd.s32 $0x29000, s0;
	_ =	strace $0x80000047;
	[dreg:$0x4] =	wrdreg s7  }
0xb: {  	p0 =	sne.s32 s5, $0x0;
	s6 =	sshll.u32 s4, $0x4;
	[dreg:$0x5] =	wrdreg s25  }
0xc: {  	s4 =	ssub.s32 $0x2, s4;
	s7 =	sadd.s32 $0x1800, s0;
	s9 =	sor.u32 s5, s6  }
0xd: {  	s25 =	simm.s32 $0x19C80;
	s11 =	sshrl.u32 s4, $0x1;
	s10 =	smul.u32 $0x4E2, s9  }
0xe: {  	s6 =	sadd.s32 $0xB600, s0;
	s12 =	smul.u32 $0x4E200, s9;
	s26 =	ssub.s32 s4, s11  }
0xf: {  	s5 =	simm.s32 $0x9F50;
	s9 =	smul.u32 $0x19, s9;
	s0 =	smax.u32 s26, $0x1  }
0x10: {  	s11 =	simm.s32 $0x13560;
	s28 =	sadd.s32 s6, s10;
	[dreg:$0x9] =	wrdreg s0  }
0x11: {  	s29 =	sshrl.u32 s12, $0x3;
	s10 =	sadd.s32 s7, s10;
	[dreg:$0x6] =	wrdreg s28  }
0x12: {  	s0 =	sshrl.u32 @!p0 s1, $0x3;
	s12 =	simm.s32 $0x136F0;
	[dreg:$0x7] =	wrdreg s10  }
0x13: {  	s4 =	sadd.s32 s8, s29;
	[dreg:$0xa] =	wrdreg s0;
	s0 =	sshrl.u32 @!p0 s2, $0x3  }
0x14: {  	s10 =	simm.s32 $0x10160;
	s4 =	sadd.s32 $0x9600, s4;
	[dreg:$0xb] =	wrdreg s0  }
0x15: {  	s0 =	simm.s32 $0x9DC0;
	[dreg:$0x8] =	wrdreg s4;
	s4 =	simm.s32 $0xCF60  }
.LBB2_1:
0x16: {  	[dreg:$0xc] =	wrdreg s15  }
0x17: {  	s15 =	rddreg [dreg:$0x4]  }
0x18: {  	s13 =	simm.s32 @!p0 $0x1C05;
	s22 =	rddreg [dreg:$0xa]  }
0x19: {  	[spmem:s22], [sflag:s13] =	dma.local @!p0 [hbm:s15], $0x9C40  }
0x1a: {  	s15 =	simm.s32 @!p0 $0x5  }
0x1b: {  	_ =	swait.ge @!p0 [sflag:s15], $0x9C40  }
0x1c: {  	[sflag:s15] =	ssyncset.done @!p0 $0x0;
	s22 =	rddreg [dreg:$0x5]  }
0x1d: {  	s26 =	rddreg [dreg:$0xb];
	[sflag:s15] =	ssyncadd.s32 @!p0 $0xFFFF63C0  }
0x1e: {  	[spmem:s26], [sflag:s13] =	dma.local @!p0 [hbm:s22], $0x9C40  }
0x1f: {  	_ =	swait.ge @!p0 [sflag:s15], $0x9C40  }
0x20: {  	[sflag:s15] =	ssyncset.done @!p0 $0x0  }
0x21: {  	[sflag:s15] =	ssyncadd.s32 @!p0 $0xFFFF63C0  }
0x22: {  	[bflag:$0x0] =	sbarrier.arrive $0xFFFF  }
0x23: {  	s29 =	rddreg [dreg:$0x6]  }
0x24: {  	[tilespmem:s16], [sflag:$0x1] =	stream.linear.gather [hbm4b:s29+s3], $0x190, $0x38;
	[tilespmem:$0x1CE80] =	vst v63  }
0x25: {  	s15 =	rddreg [dreg:$0x7]  }
0x26: {  	[tilespmem:s17], [sflag:$0x1] =	stream.linear.gather [hbm4b:s15+s3], $0x190, $0x38;
	[tilespmem:$0x1CE80] =	vst v63  }
0x27: {  	_ =	swait.ge [sflag:s18], $0x190  }
0x28: {  	[sflag:s18] =	ssyncset.done $0x0  }
0x29: {  	[sflag:s18] =	ssyncadd.s32 $0xFFFFFE70  }
0x2a: {  	_ =	swait.ge [sflag:s18], $0x190  }
0x2b: {  	[sflag:s18] =	ssyncset.done $0x0  }
0x2c: {  	s22 =	simm.s32 $0x9F60;
	[sflag:s18] =	ssyncadd.s32 $0xFFFFFE70  }
0x2d: {  	[tilespmem:s22], [sflag:$0x2] =	stream.indirect.gather [spmem:s1], $0x20, s16, s19, $0xb8;
	[tilespmem:$0x1CE80] =	vst v63  }
0x2e: {  	s26 =	simm.s32 $0xD160  }
0x2f: {  	[tilespmem:s26], [sflag:$0x3] =	stream.indirect.gather [spmem:s2], $0x20, s17, s19, $0xb8;
	[tilespmem:$0x1CE80] =	vst v63  }
0x30: {  	s28 =	simm.s32 $0x9CC0;
	s29 =	simm.s32 $0xAF60  }
0x31: {  	[tilespmem:s29], [sflag:$0x2] =	stream.indirect.gather [spmem:s1], $0x20, s28, s19, $0xb8;
	[tilespmem:$0x1CE80] =	vst v63  }
0x32: {  	s15 =	simm.s32 $0x9E50;
	s22 =	simm.s32 $0xE160  }
0x33: {  	[tilespmem:s22], [sflag:$0x3] =	stream.indirect.gather [spmem:s2], $0x20, s15, s19, $0xb8;
	[tilespmem:$0x1CE80] =	vst v63  }
0x34: {  	s26 =	simm.s32 $0x9D40;
	s28 =	simm.s32 $0xBF60  }
0x35: {  	[tilespmem:s28], [sflag:$0x2] =	stream.indirect.gather [spmem:s1], $0x20, s26, s19, $0xb8;
	[tilespmem:$0x1CE80] =	vst v63  }
0x36: {  	s29 =	simm.s32 $0x9ED0  }
0x37: {  	[tilespmem:s30], [sflag:$0x3] =	stream.indirect.gather [spmem:s2], $0x20, s29, s19, $0xb8;
	[tilespmem:$0x1CE80] =	vst v63  }
0x38: {  	_ = 	snop  }
0x39: {  	[tilespmem:s4], [sflag:$0x2] =	stream.indirect.gather [spmem:s1], $0x20, s0, s31, $0xb8;
	[tilespmem:$0x1CE80] =	vst v63  }
0x3a: {  	s26 =	simm.s32 $0x0  }
0x3b: {  	[tilespmem:s10], [sflag:$0x3] =	stream.indirect.gather [spmem:s2], $0x20, s5, s31, $0xb8;
	[tilespmem:$0x1CE80] =	vst v63  }
.LBB2_2:
0x3c: {  	s13 =	sshll.u32 s26, $0x1  }
0x3d: {  	s28 =	sadd.s32 s9, s13  }
0x3e: {  	s15 =	sadd.s32 $0x1, s28  }
0x3f: {  	s13 =	smul.u32 $0x32, s15;
	_ =	sdelay $0x1  }
0x40: {  	s29 =	simm.s32 $0x0;
	s22 =	sadd.s32 s6, s13  }
0x41: {  	[tilespmem:s11], [sflag:$0x1] =	stream.linear.gather [hbm4b:s22+s29], $0x190, $0x38;
	[tilespmem:$0x1CE80] =	vst v63  }
0x42: {  	s13 =	sadd.s32 s7, s13  }
0x43: {  	[tilespmem:s12], [sflag:$0x1] =	stream.linear.gather [hbm4b:s13+s29], $0x190, $0x38;
	[tilespmem:$0x1CE80] =	vst v63  }
0x44: {  	_ =	swait.ge [sflag:s18], $0x190  }
0x45: {  	[sflag:s18] =	ssyncset.done $0x0  }
0x46: {  	[sflag:s18] =	ssyncadd.s32 $0xFFFFFE70  }
0x47: {  	_ =	swait.ge [sflag:s18], $0x190  }
0x48: {  	[sflag:s18] =	ssyncset.done $0x0  }
0x49: {  	s22 =	simm.s32 $0x13880;
	[sflag:s18] =	ssyncadd.s32 $0xFFFFFE70  }
0x4a: {  	[tilespmem:s22], [sflag:$0x2] =	stream.indirect.gather [spmem:s1], $0x20, s11, s19, $0xb8;
	[tilespmem:$0x1CE80] =	vst v63  }
0x4b: {  	s22 =	simm.s32 $0x16A80  }
0x4c: {  	[tilespmem:s22], [sflag:$0x3] =	stream.indirect.gather [spmem:s2], $0x20, s12, s19, $0xb8;
	[tilespmem:$0x1CE80] =	vst v63  }
0x4d: {  	s13 =	simm.s32 $0x135E0;
	s22 =	simm.s32 $0x14880  }
0x4e: {  	[tilespmem:s22], [sflag:$0x2] =	stream.indirect.gather [spmem:s1], $0x20, s13, s19, $0xb8;
	[tilespmem:$0x1CE80] =	vst v63  }
0x4f: {  	s13 =	simm.s32 $0x13770;
	s22 =	simm.s32 $0x17A80  }
0x50: {  	[tilespmem:s22], [sflag:$0x3] =	stream.indirect.gather [spmem:s2], $0x20, s13, s19, $0xb8;
	[tilespmem:$0x1CE80] =	vst v63  }
0x51: {  	s13 =	simm.s32 $0x13660;
	s22 =	simm.s32 $0x15880  }
0x52: {  	[tilespmem:s22], [sflag:$0x2] =	stream.indirect.gather [spmem:s1], $0x20, s13, s19, $0xb8;
	[tilespmem:$0x1CE80] =	vst v63  }
0x53: {  	s13 =	simm.s32 $0x137F0;
	s22 =	simm.s32 $0x18A80  }
0x54: {  	[tilespmem:s22], [sflag:$0x3] =	stream.indirect.gather [spmem:s2], $0x20, s13, s19, $0xb8;
	[tilespmem:$0x1CE80] =	vst v63  }
0x55: {  	s13 =	simm.s32 $0x136E0;
	s22 =	simm.s32 $0x16880  }
0x56: {  	[tilespmem:s22], [sflag:$0x2] =	stream.indirect.gather [spmem:s1], $0x20, s13, s31, $0xb8;
	[tilespmem:$0x1CE80] =	vst v63  }
0x57: {  	s22 =	simm.s32 $0x13870  }
0x58: {  	[tilespmem:s23], [sflag:$0x3] =	stream.indirect.gather [spmem:s2], $0x20, s22, s31, $0xb8;
	[tilespmem:$0x1CE80] =	vst v63  }
0x59: {  	_ =	swait.ge [sflag:s20], $0x1000  }
0x5a: {  	[sflag:s20] =	ssyncset.done $0x0  }
0x5b: {  	[sflag:s20] =	ssyncadd.s32 $0xFFFFF000  }
0x5c: {  	_ =	swait.ge [sflag:s24], $0x1000  }
0x5d: {  	[sflag:s24] =	ssyncset.done $0x0  }
0x5e: {  	[sflag:s24] =	ssyncadd.s32 $0xFFFFF000  }
0x5f: {  	_ =	swait.ge [sflag:s20], $0x1000  }
0x60: {  	[sflag:s20] =	ssyncset.done $0x0  }
0x61: {  	[sflag:s20] =	ssyncadd.s32 $0xFFFFF000  }
0x62: {  	_ =	swait.ge [sflag:s24], $0x1000  }
0x63: {  	[sflag:s24] =	ssyncset.done $0x0  }
0x64: {  	[sflag:s24] =	ssyncadd.s32 $0xFFFFF000  }
0x65: {  	_ =	swait.ge [sflag:s20], $0x1000  }
0x66: {  	[sflag:s20] =	ssyncset.done $0x0  }
0x67: {  	[sflag:s20] =	ssyncadd.s32 $0xFFFFF000  }
0x68: {  	_ =	swait.ge [sflag:s24], $0x1000  }
0x69: {  	[sflag:s24] =	ssyncset.done $0x0  }
0x6a: {  	[sflag:s24] =	ssyncadd.s32 $0xFFFFF000  }
0x6b: {  	_ =	swait.ge [sflag:s20], $0x200  }
0x6c: {  	[sflag:s20] =	ssyncset.done $0x0  }
0x6d: {  	[sflag:s20] =	ssyncadd.s32 $0xFFFFFE00  }
0x6e: {  	_ =	swait.ge [sflag:s24], $0x200  }
0x6f: {  	[sflag:s24] =	ssyncset.done $0x0  }
0x70: {  	s22 =	simm.s32 $0x0;
	[sflag:s24] =	ssyncadd.s32 $0xFFFFFE00  }
0x71: {  	v0 =	vld [tilespmem:s22+$0x9FD0]  }
0x72: {  	v1 =	vld [tilespmem:s22+$0xD1D0]  }
0x73: {  	v2 =	vld [tilespmem:s22+$0x9F60]  }
0x74: {  	v3 =	vld [tilespmem:s22+$0xD160]  }
0x75: {  	v4 =	vld [tilespmem:s22+$0x9F70]  }
0x76: {  	v5 =	vld [tilespmem:s22+$0xD170]  }
0x77: {  	v6 =	vld [tilespmem:s22+$0x9F80]  }
0x78: {  	v0 =	vadd.f32 v1, v0;
	v1 =	vld [tilespmem:s22+$0xD180]  }
0x79: {  	v7 =	vld [tilespmem:s22+$0x9F90]  }
0x7a: {  	v8 =	vld [tilespmem:s22+$0xD190];
	v2 =	vadd.f32 v3, v2  }
0x7b: {  	v9 =	vld [tilespmem:s22+$0x9FA0];
	v0 =	vmax.f32 v0, $0.0e+00  }
0x7c: {  	[tilespmem:s22+$0x103D0] =	vst v0;
	v0 =	vmax.f32 v2, $0.0e+00;
	v2 =	vadd.f32 v5, v4;
	v5 =	vld [tilespmem:s22+$0xD1A0]  }
0x7d: {  	v3 =	vld [tilespmem:s22+$0xD1B0];
	v1 =	vadd.f32 v1, v6  }
0x7e: {  	[tilespmem:s22+$0x10360] =	vst v0;
	v0 =	vld [tilespmem:s22+$0x9FB0];
	v2 =	vmax.f32 v2, $0.0e+00  }
0x7f: {  	v4 =	vld [tilespmem:s22+$0xD1C0];
	v6 =	vadd.f32 v8, v7;
	[tilespmem:s22+$0x10370] =	vst v2;
	v2 =	vmax.f32 v1, $0.0e+00  }
0x80: {  	s29 =	simm.s32 $0x80;
	v1 =	vld [tilespmem:s22+$0x9FC0];
	[tilespmem:s22+$0x10380] =	vst v2  }
0x81: {  	s13 =	simm.s32 $0x400;
	v6 =	vmax.f32 v6, $0.0e+00;
	v5 =	vadd.f32 v5, v9;
	v2 =	vld [tilespmem:s29+$0x9FD0]  }
.LBB2_3:
0x82: {  	p1 =	sne.s32 s13, $0xC600;
	v7 =	vld [tilespmem:s29+$0xD1D0];
	[tilespmem:s22+$0x10390] =	vst v6  }
0x83: {  	v6 =	vld [tilespmem:s29+$0x9F60];
	v5 =	vmax.f32 v5, $0.0e+00;
	v0 =	vadd.f32 v3, v0  }
0x84: {  	v3 =	vld [tilespmem:s29+$0xD160];
	[tilespmem:s22+$0x103A0] =	vst v5  }
0x85: {  	v5 =	vld [tilespmem:s29+$0x9F70];
	v0 =	vmax.f32 v0, $0.0e+00;
	v1 =	vadd.f32 v4, v1  }
0x86: {  	v4 =	vld [tilespmem:s29+$0xD170];
	[tilespmem:s22+$0x103B0] =	vst v0  }
0x87: {  	v0 =	vld [tilespmem:s29+$0x9F80];
	v2 =	vadd.f32 v7, v2;
	v1 =	vmax.f32 v1, $0.0e+00  }
0x88: {  	v7 =	vld [tilespmem:s29+$0xD180];
	[tilespmem:s22+$0x103C0] =	vst v1;
	s22 =	smov.u32 s29  }
0x89: {  	v1 =	vadd.f32 v3, v6;
	v6 =	vld [tilespmem:s22+$0x9F90];
	v2 =	vmax.f32 v2, $0.0e+00  }
0x8a: {  	v8 =	vld [tilespmem:s22+$0xD190];
	[tilespmem:s22+$0x103D0] =	vst v2  }
0x8b: {  	v1 =	vmax.f32 v1, $0.0e+00;
	v2 =	vadd.f32 v4, v5;
	v5 =	vld [tilespmem:s22+$0x9FA0]  }
0x8c: {  	[tilespmem:s22+$0x10360] =	vst v1;
	v9 =	vld [tilespmem:s22+$0xD1A0]  }
.Ltmp0:
0x8d: {  	v1 =	vmax.f32 v2, $0.0e+00;
	v2 =	vadd.f32 v7, v0;
	v0 =	vld [tilespmem:s22+$0x9FB0];
	(pc) =	sbr.rel @p1 .LBB2_3-.Ltmp0, $4  }
0x8e: {  	[tilespmem:s22+$0x10370] =	vst v1;
	v3 =	vld [tilespmem:s22+$0xD1B0]  }
0x8f: {  	v2 =	vmax.f32 v2, $0.0e+00;
	v6 =	vadd.f32 v8, v6;
	v1 =	vld [tilespmem:s22+$0x9FC0]  }
0x90: {  	s29 =	sshra.s32 s13, $0x2;
	[tilespmem:s22+$0x10380] =	vst v2;
	v4 =	vld [tilespmem:s22+$0xD1C0]  }
0x91: {  	s13 =	sadd.s32 $0x200, s13;
	v2 =	vld [tilespmem:s29+$0x9FD0];
	v6 =	vmax.f32 v6, $0.0e+00;
	v5 =	vadd.f32 v9, v5  }
0x92: {  	v7 =	vld [tilespmem:s29+$0xD1D0];
	[tilespmem:s22+$0x10390] =	vst v6  }
0x93: {  	v6 =	vld [tilespmem:s29+$0x9F60];
	v5 =	vmax.f32 v5, $0.0e+00;
	v0 =	vadd.f32 v3, v0  }
0x94: {  	v8 =	vld [tilespmem:s29+$0xD160];
	[tilespmem:s22+$0x103A0] =	vst v5  }
0x95: {  	v3 =	vld [tilespmem:s29+$0x9F70];
	v0 =	vmax.f32 v0, $0.0e+00;
	v1 =	vadd.f32 v4, v1  }
0x96: {  	v5 =	vld [tilespmem:s29+$0xD170];
	[tilespmem:s22+$0x103B0] =	vst v0  }
0x97: {  	v0 =	vld [tilespmem:s29+$0x9F80];
	v1 =	vmax.f32 v1, $0.0e+00  }
0x98: {  	v4 =	vld [tilespmem:s29+$0xD180];
	v2 =	vadd.f32 v7, v2;
	[tilespmem:s22+$0x103C0] =	vst v1  }
0x99: {  	v6 =	vadd.f32 v8, v6;
	v1 =	vld [tilespmem:s29+$0x9F90]  }
0x9a: {  	v2 =	vmax.f32 v2, $0.0e+00;
	v7 =	vld [tilespmem:s29+$0xD190]  }
0x9b: {  	[tilespmem:s29+$0x103D0] =	vst v2;
	v2 =	vmax.f32 v6, $0.0e+00;
	v6 =	vld [tilespmem:s29+$0x9FA0]  }
0x9c: {  	v3 =	vadd.f32 v5, v3;
	v5 =	vld [tilespmem:s29+$0x9FB0]  }
0x9d: {  	[tilespmem:s29+$0x10360] =	vst v2;
	v2 =	vld [tilespmem:s29+$0xD1A0];
	v0 =	vadd.f32 v4, v0  }
0x9e: {  	v3 =	vmax.f32 v3, $0.0e+00;
	v4 =	vld [tilespmem:s29+$0x9FC0]  }
0x9f: {  	[tilespmem:s29+$0x10370] =	vst v3;
	v3 =	vld [tilespmem:s29+$0xD1B0];
	v0 =	vmax.f32 v0, $0.0e+00  }
0xa0: {  	[tilespmem:s29+$0x10380] =	vst v0;
	v0 =	vld [tilespmem:s29+$0xD1C0];
	_ =	sdelay $0x1  }
0xa1: {  	v1 =	vadd.f32 v7, v1  }
0xa2: {  	v2 =	vadd.f32 v2, v6  }
0xa3: {  	v1 =	vmax.f32 v1, $0.0e+00;
	v3 =	vadd.f32 v3, v5  }
0xa4: {  	s13 =	smul.u32 $0x640, s28;
	[tilespmem:s29+$0x10390] =	vst v1;
	v1 =	vmax.f32 v2, $0.0e+00;
	v0 =	vadd.f32 v0, v4  }
0xa5: {  	s28 =	smul.u32 $0x190, s28;
	[tilespmem:s29+$0x103A0] =	vst v1;
	v1 =	vmax.f32 v3, $0.0e+00  }
0xa6: {  	[tilespmem:s29+$0x103B0] =	vst v1;
	v0 =	vmax.f32 v0, $0.0e+00  }
0xa7: {  	s13 =	sadd.s32 s8, s13;
	s22 =	simm.s32 $0x0;
	[tilespmem:s29+$0x103C0] =	vst v0;
	s29 =	sshrl.u32 s28, $0x3  }
0xa8: {  	[hbm4b:s13+s22] =	stream.linear.scatter [tilespmem:s14], [sflag:$0x4], $0x3200, $0x38;
	[tilespmem:$0x1CE80] =	vst v63  }
0xa9: {  	s13 =	sadd.s32 $0x64, s29  }
0xaa: {  	s28 =	sadd.s32 s6, s13  }
0xab: {  	[tilespmem:s16], [sflag:$0x1] =	stream.linear.gather [hbm4b:s28+s22], $0x190, $0x38;
	[tilespmem:$0x1CE80] =	vst v63  }
0xac: {  	s13 =	sadd.s32 s7, s13  }
0xad: {  	[tilespmem:s17], [sflag:$0x1] =	stream.linear.gather [hbm4b:s13+s22], $0x190, $0x38;
	[tilespmem:$0x1CE80] =	vst v63  }
0xae: {  	_ =	swait.ge [sflag:s18], $0x190  }
0xaf: {  	[sflag:s18] =	ssyncset.done $0x0  }
0xb0: {  	[sflag:s18] =	ssyncadd.s32 $0xFFFFFE70  }
0xb1: {  	_ =	swait.ge [sflag:s18], $0x190  }
0xb2: {  	[sflag:s18] =	ssyncset.done $0x0  }
0xb3: {  	s22 =	simm.s32 $0x9F60;
	[sflag:s18] =	ssyncadd.s32 $0xFFFFFE70  }
0xb4: {  	[tilespmem:s22], [sflag:$0x2] =	stream.indirect.gather [spmem:s1], $0x20, s16, s19, $0xb8;
	[tilespmem:$0x1CE80] =	vst v63  }
0xb5: {  	s29 =	simm.s32 $0xD160  }
0xb6: {  	[tilespmem:s29], [sflag:$0x3] =	stream.indirect.gather [spmem:s2], $0x20, s17, s19, $0xb8;
	[tilespmem:$0x1CE80] =	vst v63  }
0xb7: {  	s22 =	simm.s32 $0x9CC0;
	s29 =	simm.s32 $0xAF60  }
0xb8: {  	[tilespmem:s29], [sflag:$0x2] =	stream.indirect.gather [spmem:s1], $0x20, s22, s19, $0xb8;
	[tilespmem:$0x1CE80] =	vst v63  }
0xb9: {  	s22 =	simm.s32 $0x9E50;
	s29 =	simm.s32 $0xE160  }
0xba: {  	[tilespmem:s29], [sflag:$0x3] =	stream.indirect.gather [spmem:s2], $0x20, s22, s19, $0xb8;
	[tilespmem:$0x1CE80] =	vst v63  }
0xbb: {  	s22 =	simm.s32 $0x9D40;
	s29 =	simm.s32 $0xBF60  }
0xbc: {  	[tilespmem:s29], [sflag:$0x2] =	stream.indirect.gather [spmem:s1], $0x20, s22, s19, $0xb8;
	[tilespmem:$0x1CE80] =	vst v63  }
0xbd: {  	s29 =	simm.s32 $0x9ED0  }
0xbe: {  	[tilespmem:s30], [sflag:$0x3] =	stream.indirect.gather [spmem:s2], $0x20, s29, s19, $0xb8;
	[tilespmem:$0x1CE80] =	vst v63  }
0xbf: {  	_ = 	snop  }
0xc0: {  	[tilespmem:s4], [sflag:$0x2] =	stream.indirect.gather [spmem:s1], $0x20, s0, s31, $0xb8;
	[tilespmem:$0x1CE80] =	vst v63  }
0xc1: {  	_ = 	snop  }
0xc2: {  	[tilespmem:s10], [sflag:$0x3] =	stream.indirect.gather [spmem:s2], $0x20, s5, s31, $0xb8;
	[tilespmem:$0x1CE80] =	vst v63  }
0xc3: {  	_ =	swait.ge [sflag:s20], $0x1000  }
0xc4: {  	[sflag:s20] =	ssyncset.done $0x0  }
0xc5: {  	[sflag:s20] =	ssyncadd.s32 $0xFFFFF000  }
0xc6: {  	_ =	swait.ge [sflag:s24], $0x1000  }
0xc7: {  	[sflag:s24] =	ssyncset.done $0x0  }
0xc8: {  	[sflag:s24] =	ssyncadd.s32 $0xFFFFF000  }
0xc9: {  	_ =	swait.ge [sflag:s20], $0x1000  }
0xca: {  	[sflag:s20] =	ssyncset.done $0x0  }
0xcb: {  	[sflag:s20] =	ssyncadd.s32 $0xFFFFF000  }
0xcc: {  	_ =	swait.ge [sflag:s24], $0x1000  }
0xcd: {  	[sflag:s24] =	ssyncset.done $0x0  }
0xce: {  	[sflag:s24] =	ssyncadd.s32 $0xFFFFF000  }
0xcf: {  	_ =	swait.ge [sflag:s20], $0x1000  }
0xd0: {  	[sflag:s20] =	ssyncset.done $0x0  }
0xd1: {  	[sflag:s20] =	ssyncadd.s32 $0xFFFFF000  }
0xd2: {  	_ =	swait.ge [sflag:s24], $0x1000  }
0xd3: {  	[sflag:s24] =	ssyncset.done $0x0  }
0xd4: {  	[sflag:s24] =	ssyncadd.s32 $0xFFFFF000  }
0xd5: {  	_ =	swait.ge [sflag:s20], $0x200  }
0xd6: {  	[sflag:s20] =	ssyncset.done $0x0  }
0xd7: {  	[sflag:s20] =	ssyncadd.s32 $0xFFFFFE00  }
0xd8: {  	_ =	swait.ge [sflag:s24], $0x200  }
0xd9: {  	[sflag:s24] =	ssyncset.done $0x0  }
0xda: {  	s22 =	simm.s32 $0x0;
	[sflag:s24] =	ssyncadd.s32 $0xFFFFFE00  }
0xdb: {  	v0 =	vld [tilespmem:s22+$0x138F0]  }
0xdc: {  	v1 =	vld [tilespmem:s22+$0x16AF0]  }
0xdd: {  	v2 =	vld [tilespmem:s22+$0x13880]  }
0xde: {  	v3 =	vld [tilespmem:s22+$0x16A80]  }
0xdf: {  	v4 =	vld [tilespmem:s22+$0x13890]  }
0xe0: {  	v5 =	vld [tilespmem:s22+$0x16A90]  }
0xe1: {  	v6 =	vld [tilespmem:s22+$0x138A0]  }
0xe2: {  	v0 =	vadd.f32 v1, v0;
	v1 =	vld [tilespmem:s22+$0x16AA0]  }
0xe3: {  	v7 =	vld [tilespmem:s22+$0x138B0]  }
0xe4: {  	v8 =	vld [tilespmem:s22+$0x16AB0];
	v2 =	vadd.f32 v3, v2  }
0xe5: {  	v9 =	vld [tilespmem:s22+$0x138C0];
	v0 =	vmax.f32 v0, $0.0e+00  }
0xe6: {  	[tilespmem:s22+$0x19CF0] =	vst v0;
	v0 =	vmax.f32 v2, $0.0e+00;
	v2 =	vadd.f32 v5, v4;
	v5 =	vld [tilespmem:s22+$0x16AC0]  }
0xe7: {  	v3 =	vld [tilespmem:s22+$0x16AD0];
	v1 =	vadd.f32 v1, v6  }
0xe8: {  	[tilespmem:s22+$0x19C80] =	vst v0;
	v0 =	vld [tilespmem:s22+$0x138D0];
	v2 =	vmax.f32 v2, $0.0e+00  }
0xe9: {  	v4 =	vld [tilespmem:s22+$0x16AE0];
	v6 =	vadd.f32 v8, v7;
	[tilespmem:s22+$0x19C90] =	vst v2;
	v2 =	vmax.f32 v1, $0.0e+00  }
0xea: {  	s28 =	simm.s32 $0x80;
	v1 =	vld [tilespmem:s22+$0x138E0];
	[tilespmem:s22+$0x19CA0] =	vst v2  }
0xeb: {  	s13 =	simm.s32 $0x400;
	v6 =	vmax.f32 v6, $0.0e+00;
	v5 =	vadd.f32 v5, v9;
	v2 =	vld [tilespmem:s28+$0x138F0]  }
.LBB2_5:
0xec: {  	p1 =	sne.s32 s13, $0xC600;
	v7 =	vld [tilespmem:s28+$0x16AF0];
	[tilespmem:s22+$0x19CB0] =	vst v6  }
0xed: {  	v6 =	vld [tilespmem:s28+$0x13880];
	v5 =	vmax.f32 v5, $0.0e+00;
	v0 =	vadd.f32 v3, v0  }
0xee: {  	v3 =	vld [tilespmem:s28+$0x16A80];
	[tilespmem:s22+$0x19CC0] =	vst v5  }
0xef: {  	v5 =	vld [tilespmem:s28+$0x13890];
	v0 =	vmax.f32 v0, $0.0e+00;
	v1 =	vadd.f32 v4, v1  }
0xf0: {  	v4 =	vld [tilespmem:s28+$0x16A90];
	[tilespmem:s22+$0x19CD0] =	vst v0  }
0xf1: {  	v0 =	vld [tilespmem:s28+$0x138A0];
	v2 =	vadd.f32 v7, v2;
	v1 =	vmax.f32 v1, $0.0e+00  }
0xf2: {  	v7 =	vld [tilespmem:s28+$0x16AA0];
	[tilespmem:s22+$0x19CE0] =	vst v1;
	s22 =	smov.u32 s28  }
0xf3: {  	v1 =	vadd.f32 v3, v6;
	v6 =	vld [tilespmem:s22+$0x138B0];
	v2 =	vmax.f32 v2, $0.0e+00  }
0xf4: {  	v8 =	vld [tilespmem:s22+$0x16AB0];
	[tilespmem:s22+$0x19CF0] =	vst v2  }
0xf5: {  	v1 =	vmax.f32 v1, $0.0e+00;
	v2 =	vadd.f32 v4, v5;
	v5 =	vld [tilespmem:s22+$0x138C0]  }
0xf6: {  	[tilespmem:s22+$0x19C80] =	vst v1;
	v9 =	vld [tilespmem:s22+$0x16AC0]  }
.Ltmp1:
0xf7: {  	v1 =	vmax.f32 v2, $0.0e+00;
	v2 =	vadd.f32 v7, v0;
	v0 =	vld [tilespmem:s22+$0x138D0];
	(pc) =	sbr.rel @p1 .LBB2_5-.Ltmp1, $4  }
0xf8: {  	[tilespmem:s22+$0x19C90] =	vst v1;
	v3 =	vld [tilespmem:s22+$0x16AD0]  }
0xf9: {  	v2 =	vmax.f32 v2, $0.0e+00;
	v6 =	vadd.f32 v8, v6;
	v1 =	vld [tilespmem:s22+$0x138E0]  }
0xfa: {  	s28 =	sshra.s32 s13, $0x2;
	[tilespmem:s22+$0x19CA0] =	vst v2;
	v4 =	vld [tilespmem:s22+$0x16AE0]  }
0xfb: {  	s13 =	sadd.s32 $0x200, s13;
	v2 =	vld [tilespmem:s28+$0x138F0];
	v6 =	vmax.f32 v6, $0.0e+00;
	v5 =	vadd.f32 v9, v5  }
0xfc: {  	v7 =	vld [tilespmem:s28+$0x16AF0];
	[tilespmem:s22+$0x19CB0] =	vst v6  }
0xfd: {  	v6 =	vld [tilespmem:s28+$0x13880];
	v5 =	vmax.f32 v5, $0.0e+00;
	v0 =	vadd.f32 v3, v0  }
0xfe: {  	v8 =	vld [tilespmem:s28+$0x16A80];
	[tilespmem:s22+$0x19CC0] =	vst v5  }
0xff: {  	v52 =	vld [tilespmem:s28+$0x13890];
	v0 =	vmax.f32 v0, $0.0e+00;
	v1 =	vadd.f32 v4, v1  }
0x100: {  	v5 =	vld [tilespmem:s28+$0x16A90];
	[tilespmem:s22+$0x19CD0] =	vst v0  }
0x101: {  	v0 =	vld [tilespmem:s28+$0x138A0];
	v1 =	vmax.f32 v1, $0.0e+00  }
0x102: {  	v53 =	vld [tilespmem:s28+$0x16AA0];
	[tilespmem:s22+$0x19CE0] =	vst v1  }
0x103: {  	v1 =	vld [tilespmem:s28+$0x138B0]  }
0x104: {  	v54 =	vld [tilespmem:s28+$0x16AB0]  }
0x105: {  	v56 =	vld [tilespmem:s28+$0x138C0]  }
0x106: {  	v57 =	vld [tilespmem:s28+$0x16AC0]  }
0x107: {  	v58 =	vld [tilespmem:s28+$0x138D0]  }
0x108: {  	v2 =	vadd.f32 v7, v2;
	v59 =	vld [tilespmem:s28+$0x16AD0]  }
0x109: {  	v6 =	vadd.f32 v8, v6;
	v60 =	vld [tilespmem:s28+$0x138E0]  }
0x10a: {  	v2 =	vmax.f32 v2, $0.0e+00;
	v61 =	vld [tilespmem:s28+$0x16AE0];
	v3 =	vadd.f32 v5, v52  }
0x10b: {  	[tilespmem:s28+$0x19CF0] =	vst v2;
	v55 =	vmax.f32 v6, $0.0e+00;
	v0 =	vadd.f32 v53, v0  }
0x10c: {  	[tilespmem:s28+$0x19C80] =	vst v55;
	v3 =	vmax.f32 v3, $0.0e+00;
	v1 =	vadd.f32 v54, v1  }
0x10d: {  	[tilespmem:s28+$0x19C90] =	vst v3;
	v0 =	vmax.f32 v0, $0.0e+00;
	v2 =	vadd.f32 v57, v56  }
0x10e: {  	v3 =	vadd.f32 v59, v58;
	[tilespmem:s28+$0x19CA0] =	vst v0;
	v1 =	vmax.f32 v1, $0.0e+00  }
0x10f: {  	v0 =	vadd.f32 v61, v60;
	v62 =	vmax.f32 v2, $0.0e+00;
	[tilespmem:s28+$0x19CB0] =	vst v1  }
0x110: {  	s13 =	smul.u32 $0x640, s15;
	v63 =	vmax.f32 v3, $0.0e+00;
	[tilespmem:s28+$0x19CC0] =	vst v62  }
0x111: {  	[tilespmem:s28+$0x19CD0] =	vst v63;
	v0 =	vmax.f32 v0, $0.0e+00  }
0x112: {  	s26 =	sadd.s32 $0x1, s26;
	s13 =	sadd.s32 s8, s13;
	[tilespmem:s28+$0x19CE0] =	vst v0  }
0x113: {  	[hbm4b:s13+s3] =	stream.linear.scatter [tilespmem:s25], [sflag:$0x4], $0x3200, $0x38;
	[tilespmem:$0x1CE80] =	vst v63  }
0x114: {  	p1 =	sne.s32 s26, $0xC;
	_ =	swait.ge [sflag:s21], $0x3200  }
.Ltmp2:
0x115: {  	[sflag:s21] =	ssyncset.done $0x0;
	(pc) =	sbr.rel @p1 .LBB2_2-.Ltmp2, $4  }
0x116: {  	[sflag:s21] =	ssyncadd.s32 $0xFFFFCE00  }
0x117: {  	_ =	swait.ge [sflag:s21], $0x3200  }
0x118: {  	[sflag:s21] =	ssyncset.done $0x0  }
0x119: {  	[sflag:s21] =	ssyncadd.s32 $0xFFFFCE00  }
0x11a: {  	_ =	swait.ge [sflag:s20], $0x1000  }
0x11b: {  	[sflag:s20] =	ssyncset.done $0x0  }
0x11c: {  	[sflag:s20] =	ssyncadd.s32 $0xFFFFF000  }
0x11d: {  	_ =	swait.ge [sflag:s24], $0x1000  }
0x11e: {  	[sflag:s24] =	ssyncset.done $0x0  }
0x11f: {  	[sflag:s24] =	ssyncadd.s32 $0xFFFFF000  }
0x120: {  	_ =	swait.ge [sflag:s20], $0x1000  }
0x121: {  	[sflag:s20] =	ssyncset.done $0x0  }
0x122: {  	[sflag:s20] =	ssyncadd.s32 $0xFFFFF000  }
0x123: {  	_ =	swait.ge [sflag:s24], $0x1000  }
0x124: {  	[sflag:s24] =	ssyncset.done $0x0  }
0x125: {  	[sflag:s24] =	ssyncadd.s32 $0xFFFFF000  }
0x126: {  	_ =	swait.ge [sflag:s20], $0x1000  }
0x127: {  	[sflag:s20] =	ssyncset.done $0x0  }
0x128: {  	[sflag:s20] =	ssyncadd.s32 $0xFFFFF000  }
0x129: {  	_ =	swait.ge [sflag:s24], $0x1000  }
0x12a: {  	[sflag:s24] =	ssyncset.done $0x0  }
0x12b: {  	[sflag:s24] =	ssyncadd.s32 $0xFFFFF000  }
0x12c: {  	_ =	swait.ge [sflag:s20], $0x200  }
0x12d: {  	[sflag:s20] =	ssyncset.done $0x0  }
0x12e: {  	[sflag:s20] =	ssyncadd.s32 $0xFFFFFE00  }
0x12f: {  	_ =	swait.ge [sflag:s24], $0x200  }
0x130: {  	[sflag:s24] =	ssyncset.done $0x0  }
0x131: {  	s15 =	simm.s32 $0x0;
	[sflag:s24] =	ssyncadd.s32 $0xFFFFFE00  }
0x132: {  	v0 =	vld [tilespmem:s15+$0x9FD0]  }
0x133: {  	v1 =	vld [tilespmem:s15+$0xD1D0]  }
0x134: {  	v2 =	vld [tilespmem:s15+$0x9F60]  }
0x135: {  	v3 =	vld [tilespmem:s15+$0xD160]  }
0x136: {  	v4 =	vld [tilespmem:s15+$0x9F70]  }
0x137: {  	v5 =	vld [tilespmem:s15+$0xD170]  }
0x138: {  	v6 =	vld [tilespmem:s15+$0x9F80]  }
0x139: {  	v0 =	vadd.f32 v1, v0;
	v1 =	vld [tilespmem:s15+$0xD180]  }
0x13a: {  	v7 =	vld [tilespmem:s15+$0x9F90]  }
0x13b: {  	v8 =	vld [tilespmem:s15+$0xD190];
	v2 =	vadd.f32 v3, v2  }
0x13c: {  	v9 =	vld [tilespmem:s15+$0x9FA0];
	v0 =	vmax.f32 v0, $0.0e+00  }
0x13d: {  	[tilespmem:s15+$0x103D0] =	vst v0;
	v0 =	vmax.f32 v2, $0.0e+00;
	v2 =	vadd.f32 v5, v4;
	v5 =	vld [tilespmem:s15+$0xD1A0]  }
0x13e: {  	v3 =	vld [tilespmem:s15+$0xD1B0];
	v1 =	vadd.f32 v1, v6  }
0x13f: {  	[tilespmem:s15+$0x10360] =	vst v0;
	v0 =	vld [tilespmem:s15+$0x9FB0];
	v2 =	vmax.f32 v2, $0.0e+00  }
0x140: {  	v4 =	vld [tilespmem:s15+$0xD1C0];
	v6 =	vadd.f32 v8, v7;
	[tilespmem:s15+$0x10370] =	vst v2;
	v2 =	vmax.f32 v1, $0.0e+00  }
0x141: {  	s22 =	simm.s32 $0x80;
	v1 =	vld [tilespmem:s15+$0x9FC0];
	[tilespmem:s15+$0x10380] =	vst v2  }
0x142: {  	s13 =	simm.s32 $0x400;
	v6 =	vmax.f32 v6, $0.0e+00;
	v5 =	vadd.f32 v5, v9;
	v2 =	vld [tilespmem:s22+$0x9FD0]  }
.LBB2_8:
0x143: {  	p1 =	sne.s32 s13, $0xC600;
	v7 =	vld [tilespmem:s22+$0xD1D0];
	[tilespmem:s15+$0x10390] =	vst v6  }
0x144: {  	v6 =	vld [tilespmem:s22+$0x9F60];
	v5 =	vmax.f32 v5, $0.0e+00;
	v0 =	vadd.f32 v3, v0  }
0x145: {  	v3 =	vld [tilespmem:s22+$0xD160];
	[tilespmem:s15+$0x103A0] =	vst v5  }
0x146: {  	v5 =	vld [tilespmem:s22+$0x9F70];
	v0 =	vmax.f32 v0, $0.0e+00;
	v1 =	vadd.f32 v4, v1  }
0x147: {  	v4 =	vld [tilespmem:s22+$0xD170];
	[tilespmem:s15+$0x103B0] =	vst v0  }
0x148: {  	v0 =	vld [tilespmem:s22+$0x9F80];
	v2 =	vadd.f32 v7, v2;
	v1 =	vmax.f32 v1, $0.0e+00  }
0x149: {  	v7 =	vld [tilespmem:s22+$0xD180];
	[tilespmem:s15+$0x103C0] =	vst v1;
	s15 =	smov.u32 s22  }
0x14a: {  	v1 =	vadd.f32 v3, v6;
	v6 =	vld [tilespmem:s15+$0x9F90];
	v2 =	vmax.f32 v2, $0.0e+00  }
0x14b: {  	v8 =	vld [tilespmem:s15+$0xD190];
	[tilespmem:s15+$0x103D0] =	vst v2  }
0x14c: {  	v1 =	vmax.f32 v1, $0.0e+00;
	v2 =	vadd.f32 v4, v5;
	v5 =	vld [tilespmem:s15+$0x9FA0]  }
0x14d: {  	[tilespmem:s15+$0x10360] =	vst v1;
	v9 =	vld [tilespmem:s15+$0xD1A0]  }
.Ltmp3:
0x14e: {  	v1 =	vmax.f32 v2, $0.0e+00;
	v2 =	vadd.f32 v7, v0;
	v0 =	vld [tilespmem:s15+$0x9FB0];
	(pc) =	sbr.rel @p1 .LBB2_8-.Ltmp3, $4  }
0x14f: {  	[tilespmem:s15+$0x10370] =	vst v1;
	v3 =	vld [tilespmem:s15+$0xD1B0]  }
0x150: {  	v2 =	vmax.f32 v2, $0.0e+00;
	v6 =	vadd.f32 v8, v6;
	v1 =	vld [tilespmem:s15+$0x9FC0]  }
0x151: {  	s22 =	sshra.s32 s13, $0x2;
	[tilespmem:s15+$0x10380] =	vst v2;
	v4 =	vld [tilespmem:s15+$0xD1C0]  }
0x152: {  	s13 =	sadd.s32 $0x200, s13;
	v2 =	vld [tilespmem:s22+$0x9FD0];
	v6 =	vmax.f32 v6, $0.0e+00;
	v5 =	vadd.f32 v9, v5  }
0x153: {  	v7 =	vld [tilespmem:s22+$0xD1D0];
	[tilespmem:s15+$0x10390] =	vst v6  }
0x154: {  	v6 =	vld [tilespmem:s22+$0x9F60];
	v5 =	vmax.f32 v5, $0.0e+00;
	v0 =	vadd.f32 v3, v0  }
0x155: {  	v8 =	vld [tilespmem:s22+$0xD160];
	[tilespmem:s15+$0x103A0] =	vst v5  }
0x156: {  	v52 =	vld [tilespmem:s22+$0x9F70];
	v0 =	vmax.f32 v0, $0.0e+00;
	v1 =	vadd.f32 v4, v1  }
0x157: {  	v5 =	vld [tilespmem:s22+$0xD170];
	[tilespmem:s15+$0x103B0] =	vst v0  }
0x158: {  	v0 =	vld [tilespmem:s22+$0x9F80];
	v1 =	vmax.f32 v1, $0.0e+00  }
0x159: {  	v53 =	vld [tilespmem:s22+$0xD180];
	[tilespmem:s15+$0x103C0] =	vst v1  }
0x15a: {  	v1 =	vld [tilespmem:s22+$0x9F90]  }
0x15b: {  	v54 =	vld [tilespmem:s22+$0xD190]  }
0x15c: {  	v56 =	vld [tilespmem:s22+$0x9FA0]  }
0x15d: {  	v57 =	vld [tilespmem:s22+$0xD1A0]  }
0x15e: {  	v58 =	vld [tilespmem:s22+$0x9FB0]  }
0x15f: {  	v2 =	vadd.f32 v7, v2;
	v59 =	vld [tilespmem:s22+$0xD1B0]  }
0x160: {  	v6 =	vadd.f32 v8, v6;
	v60 =	vld [tilespmem:s22+$0x9FC0]  }
0x161: {  	v2 =	vmax.f32 v2, $0.0e+00;
	v61 =	vld [tilespmem:s22+$0xD1C0];
	v3 =	vadd.f32 v5, v52  }
0x162: {  	[tilespmem:s22+$0x103D0] =	vst v2;
	v55 =	vmax.f32 v6, $0.0e+00;
	v0 =	vadd.f32 v53, v0  }
0x163: {  	[tilespmem:s22+$0x10360] =	vst v55;
	v3 =	vmax.f32 v3, $0.0e+00;
	v1 =	vadd.f32 v54, v1  }
0x164: {  	[tilespmem:s22+$0x10370] =	vst v3;
	v0 =	vmax.f32 v0, $0.0e+00;
	v2 =	vadd.f32 v57, v56  }
0x165: {  	v3 =	vadd.f32 v59, v58;
	[tilespmem:s22+$0x10380] =	vst v0;
	v1 =	vmax.f32 v1, $0.0e+00  }
0x166: {  	v0 =	vadd.f32 v61, v60;
	v62 =	vmax.f32 v2, $0.0e+00;
	[tilespmem:s22+$0x10390] =	vst v1  }
0x167: {  	v63 =	vmax.f32 v3, $0.0e+00;
	[tilespmem:s22+$0x103A0] =	vst v62  }
0x168: {  	[tilespmem:s22+$0x103B0] =	vst v63;
	v0 =	vmax.f32 v0, $0.0e+00  }
0x169: {  	s13 =	rddreg [dreg:$0x8];
	[tilespmem:s22+$0x103C0] =	vst v0  }
0x16a: {  	[hbm4b:s13+s3] =	stream.linear.scatter [tilespmem:s14], [sflag:$0x4], $0x3200, $0x38;
	[tilespmem:$0x1CE80] =	vst v63  }
0x16b: {  	_ =	swait.ge [sflag:s21], $0x3200  }
0x16c: {  	s28 =	rddreg [dreg:$0xc]  }
0x16d: {  	s29 =	rddreg [dreg:$0x9];
	s15 =	sadd.s32 $0x1, s28  }
0x16e: {  	p1 =	sne.s32 s15, s29  }
.Ltmp4:
0x16f: {  	_ = 	snop;
	(pc) =	sbr.rel @p1 .LBB2_1-.Ltmp4, $3  }
0x170: {  	_ =	sdelay $0x1  }
0x171: {  	[sflag:s21] =	ssyncset.done $0x0  }
0x172: {  	[sflag:s21] =	ssyncadd.s32 $0xFFFFCE00  }
0x173: {  	_ =	sfence.sel $0x180000  }
0x174: {  	[bflag:$0x0] =	sbarrier.arrive $0xFFFF  }
0x175: {  	_ =	strace $0x90000047  }
0x176: {  	[bflag:$0x2] =	sbarrier.arrive $0xFFFF  }
0x177: {  	s0 =	rddreg [dreg:$0x3]  }
0x178: {  	s0 =	sadd.s32 @!p0 $0x100000, s0  }
0x179: {  	[sflag:s0] =	ssyncadd.tile.s32 @!p0 $0x1;
	_ =	shalt  }
.Lfunc_end2:
_tile_overlayer_lowered:
.L_overlay_start_2:
0x17a: {  	(tag) =	ssettag $0x2  }
0x17b: {  	s0 =	rddreg [dreg:$0x0];
	s2 =	stileid.u32  }
0x17c: {  	s1 =	rddreg [dreg:$0x1];
	p0 =	sne.s32 s2, $0x0  }
0x17d: {  	s3 =	rddreg [dreg:$0x2];
	[bflag:$0x3] =	sbarrier.arrive $0xFFFF;
	s2 =	simm.s32 @!p0 $0x1C05  }
0x17e: {  	[timem:s3], [sflag:s2] =	dma.local @!p0 [hbm:s0], s1  }
0x17f: {  	s0 =	simm.s32 @!p0 $0x5  }
0x180: {  	_ =	swait.ge @!p0 [sflag:s0], s1  }
0x181: {  	s1 =	ssub.s32 @!p0 $0x0, s1;
	[sflag:s0] =	ssyncset.done @!p0 $0x0  }
0x182: {  	[sflag:s0] =	ssyncadd.s32 @!p0 s1  }
0x183: {  	[bflag:$0x3] =	sbarrier.arrive $0xFFFF  }
0x184: {  	_ =	shalt  }

</sc_bundles>
